<compile_context>
chip_gen: v7x
topology: tpu7x:2x2x1
jax: 0.10.2.dev20260603
libtpu: 0.0.44.dev20260713+nightly
codegen_flags: <defaults>
</compile_context>

<pallas_src>
import functools

import jax
import jax.numpy as jnp
from jax import lax
from jax.experimental import pallas as pl
from jax.experimental.pallas import tpu as pltpu
from jax.experimental.pallas import tpu_sc as plsc

OMEGA = 30.0
T = 4096
D = 1024
L = 512
E = 8
O = 1024
K = 2

BT = 256
NB = 39
P_PAD = NB * BT

NC = 2
NS = 16
NW = NC * NS
TPW = T // NW
CH = 128
NCH = TPW // CH


D2 = D // 2
L2 = L // 2
O2 = O // 2


def _pack_bf16(v):
    b = lax.bitcast_convert_type(
        v.astype(jnp.bfloat16).astype(jnp.float32), jnp.int32)
    n = v.shape[1] // 2
    return b[:, :n] | lax.shift_right_logical(b[:, n:], 16)


def _unpack_f32(p):
    hi = lax.bitcast_convert_type(p & jnp.int32(-65536), jnp.float32)
    lo = lax.bitcast_convert_type(lax.shift_left(p, 16), jnp.float32)
    return jnp.concatenate([hi, lo], axis=1)


def _unpack_bf16(p):
    return _unpack_f32(p).astype(jnp.bfloat16)


def _inclusive_scan_rows(a):
    d = 1
    n = a.shape[0]
    while d < n:
        pad = jnp.zeros((d, a.shape[1]), a.dtype)
        a = a + jnp.concatenate([pad, a[:-d]], axis=0)
        d *= 2
    return a


def _exclusive_scan_lanes(c):
    acc = c
    d = 1
    n = c.shape[1]
    while d < n:
        pad = jnp.zeros((1, d), c.dtype)
        acc = acc + jnp.concatenate([pad, acc[:, :-d]], axis=1)
        d *= 2
    return acc - c


BTK = 512
GT = T // BTK


def _route_body(x_ref, l_ref, gw_ref, gb_ref, dest_ref, wts_ref, blk_ref,
                nblk_ref, xbf_ref, lbf_ref, rank_scr, carry_ref):
    b = pl.program_id(0)

    @pl.when(b == 0)
    def _():
        carry_ref[...] = jnp.zeros((1, E), jnp.int32)

    x = x_ref[...]
    xbf_ref[...] = _pack_bf16(x)
    lbf_ref[...] = _pack_bf16(l_ref[...])
    logits = lax.dot_general(x, gw_ref[...], (((1,), (1,)), ((), ())),
                             preferred_element_type=jnp.float32)
    logits = logits + gb_ref[...]
    iota_e = lax.broadcasted_iota(jnp.int32, (BTK, E), 1)

    m1 = jnp.max(logits, axis=1, keepdims=True)
    e0 = jnp.min(jnp.where(logits == m1, iota_e, E), axis=1, keepdims=True)
    masked = jnp.where(iota_e == e0, -jnp.inf, logits)
    m2 = jnp.max(masked, axis=1, keepdims=True)
    e1 = jnp.min(jnp.where(masked == m2, iota_e, E), axis=1, keepdims=True)

    w0 = 1.0 / (1.0 + jnp.exp(m2 - m1))
    w1 = 1.0 - w0
    wts_ref[...] = jnp.concatenate([w0, w1], axis=1)

    oh0 = (iota_e == e0).astype(jnp.int32)
    oh1 = (iota_e == e1).astype(jnp.int32)
    ohc = oh0 + oh1
    incl = _inclusive_scan_rows(ohc)
    excl = incl - ohc + carry_ref[...]
    carry_ref[...] = carry_ref[...] + incl[BTK - 1:BTK, :]

    rank0 = jnp.sum(oh0 * excl, axis=1, keepdims=True)
    rank1 = jnp.sum(oh1 * excl, axis=1, keepdims=True)
    rank_scr[pl.ds(b * BTK, BTK), :] = jnp.concatenate(
        [rank0 | lax.shift_left(e0, 16), rank1 | lax.shift_left(e1, 16)],
        axis=1)

    @pl.when(b == GT - 1)
    def _():
        counts = carry_ref[...]
        padded = ((counts + (BT - 1)) // BT) * BT
        padoff = _exclusive_scan_lanes(padded)
        ends = padoff + padded
        s = rank_scr[...]
        e_arr = lax.shift_right_logical(s, 16)
        r = s & 0xFFFF
        pd = jnp.zeros((T, K), jnp.int32)
        for j in range(E):
            pd = pd + jnp.where(e_arr == j, padoff[:, j:j + 1], 0)
        dest_ref[...] = r + pd
        starts = lax.broadcasted_iota(jnp.int32, (1, 128), 1) * BT
        acc = jnp.zeros((1, 128), jnp.int32)
        for j in range(E):
            acc = acc + (starts >= ends[:, j:j + 1]).astype(jnp.int32)
        blk_ref[...] = jnp.minimum(acc, E - 1)
        nblk_ref[...] = ends[:, E - 1:E] // BT


def _route(x, latents, gate_W, gate_b2):
    return pl.pallas_call(
        _route_body,
        grid=(GT,),
        in_specs=[
            pl.BlockSpec((BTK, D), lambda b: (b, 0)),
            pl.BlockSpec((BTK, L), lambda b: (b, 0)),
            pl.BlockSpec((E, D), lambda b: (0, 0)),
            pl.BlockSpec((1, E), lambda b: (0, 0)),
        ],
        out_specs=(
            pl.BlockSpec((T, K), lambda b: (0, 0)),
            pl.BlockSpec((BTK, K), lambda b: (b, 0)),
            pl.BlockSpec((1, 128), lambda b: (0, 0)),
            pl.BlockSpec((1, 1), lambda b: (0, 0)),
            pl.BlockSpec((BTK, D2), lambda b: (b, 0)),
            pl.BlockSpec((BTK, L2), lambda b: (b, 0)),
        ),
        out_shape=(
            jax.ShapeDtypeStruct((T, K), jnp.int32),
            jax.ShapeDtypeStruct((T, K), jnp.float32),
            jax.ShapeDtypeStruct((1, 128), jnp.int32),
            jax.ShapeDtypeStruct((1, 1), jnp.int32),
            jax.ShapeDtypeStruct((T, D2), jnp.int32),
            jax.ShapeDtypeStruct((T, L2), jnp.int32),
        ),
        scratch_shapes=[
            pltpu.VMEM((T, K), jnp.int32),
            pltpu.VMEM((1, E), jnp.int32),
        ],
    )(x, latents, gate_W, gate_b2)


def _sc_mesh():
    return plsc.VectorSubcoreMesh(core_axis_name="c", subcore_axis_name="s",
                                  num_cores=NC, num_subcores=NS)


def _dispatch(x, latents, dest4):
    @functools.partial(
        pl.kernel,
        out_type=(
            jax.ShapeDtypeStruct((P_PAD, D2), jnp.int32),
            jax.ShapeDtypeStruct((P_PAD, L2), jnp.int32),
        ),
        mesh=_sc_mesh(),
        scratch_types=[
            pltpu.VMEM((CH, D2), jnp.int32),
            pltpu.VMEM((CH, L2), jnp.int32),
            pltpu.VMEM((CH,), jnp.int32),
            pltpu.VMEM((CH,), jnp.int32),
            pltpu.SemaphoreType.DMA,
            pltpu.SemaphoreType.DMA,
        ],
    )
    def k(x_hbm, l_hbm, d_hbm, xs_hbm, ls_hbm, xv, lv, iv0, iv1, semL, semS):
        wid = lax.axis_index("s") * NC + lax.axis_index("c")
        base = wid * TPW
        loads = [
            pltpu.async_copy(x_hbm.at[pl.ds(base, CH)], xv, semL),
            pltpu.async_copy(l_hbm.at[pl.ds(base, CH)], lv, semL),
            pltpu.async_copy(d_hbm.at[0].at[wid].at[0], iv0, semL),
            pltpu.async_copy(d_hbm.at[1].at[wid].at[0], iv1, semL),
        ]
        for cp in loads:
            cp.wait()
        stores = [
            pltpu.async_copy(xv, xs_hbm.at[iv0], semS),
            pltpu.async_copy(lv, ls_hbm.at[iv0], semS),
            pltpu.async_copy(xv, xs_hbm.at[iv1], semS),
            pltpu.async_copy(lv, ls_hbm.at[iv1], semS),
        ]
        for cp in stores:
            cp.wait()

    return k(x, latents, dest4)


_INV_PI = 0.3183098861837907
_PI_HI = 3.140625
_PI_LO = 9.676535897932795e-04
_S1 = 0.9999966010501739
_S3 = -0.1666482356167327
_S5 = 0.008306286141814084
_S7 = -0.00018362748576797316


def _fast_sin(u):
    k = lax.round(u * _INV_PI, lax.RoundingMethod.TO_NEAREST_EVEN)
    parity = lax.shift_left(k.astype(jnp.int32) & 1, 31)
    r = (u - k * _PI_HI) - k * _PI_LO
    r2 = r * r
    p = r * (_S1 + r2 * (_S3 + r2 * (_S5 + r2 * _S7)))
    return lax.bitcast_convert_type(
        lax.bitcast_convert_type(p, jnp.int32) ^ parity, jnp.float32)


def _grouped_body(blk_ref, nblk_ref, xs_ref, ls_ref, w_ref, b_ref, wl_ref,
                  bl_ref, eo_ref, wbf_ref, wlbf_ref):
    b = pl.program_id(0)

    @pl.when(b < nblk_ref[0])
    def _():
        first = jnp.logical_or(
            b == 0, blk_ref[b] != blk_ref[jnp.maximum(b - 1, 0)])

        @pl.when(first)
        def _():
            wbf_ref[...] = w_ref[0].astype(jnp.bfloat16)
            wlbf_ref[...] = wl_ref[0].astype(jnp.bfloat16)

        a = lax.dot_general(_unpack_bf16(xs_ref[...]), wbf_ref[...],
                            (((1,), (1,)), ((), ())),
                            preferred_element_type=jnp.float32)
        a = a + b_ref[0]
        t = lax.dot_general(_unpack_bf16(ls_ref[...]), wlbf_ref[...],
                            (((1,), (1,)), ((), ())),
                            preferred_element_type=jnp.float32)
        t = t + bl_ref[0]
        g = t[:, :O]
        h = t[:, O:]
        eo_ref[...] = _pack_bf16(_fast_sin(OMEGA * a * g + h))


def _grouped(blk_e, nblk, xs, ls, W_e, b_e3, Wl_e, bl_e3):
    grid_spec = pltpu.PrefetchScalarGridSpec(
        num_scalar_prefetch=2,
        grid=(NB,),
        in_specs=[
            pl.BlockSpec((BT, D2), lambda b, blk, nb: (b, 0)),
            pl.BlockSpec((BT, L2), lambda b, blk, nb: (b, 0)),
            pl.BlockSpec((1, O, D), lambda b, blk, nb: (blk[b], 0, 0)),
            pl.BlockSpec((1, 1, O), lambda b, blk, nb: (blk[b], 0, 0)),
            pl.BlockSpec((1, 2 * O, L), lambda b, blk, nb: (blk[b], 0, 0)),
            pl.BlockSpec((1, 1, 2 * O), lambda b, blk, nb: (blk[b], 0, 0)),
        ],
        out_specs=pl.BlockSpec((BT, O2), lambda b, blk, nb: (b, 0)),
        scratch_shapes=[
            pltpu.VMEM((O, D), jnp.bfloat16),
            pltpu.VMEM((2 * O, L), jnp.bfloat16),
        ],
    )
    return pl.pallas_call(
        _grouped_body,
        grid_spec=grid_spec,
        out_shape=jax.ShapeDtypeStruct((P_PAD, O2), jnp.int32),
    )(blk_e, nblk, xs, ls, W_e, b_e3, Wl_e, bl_e3)


def _gather(eo, dest4):
    @functools.partial(
        pl.kernel,
        out_type=(
            jax.ShapeDtypeStruct((T, O2), jnp.int32),
            jax.ShapeDtypeStruct((T, O2), jnp.int32),
        ),
        mesh=_sc_mesh(),
        scratch_types=[
            pltpu.VMEM((CH // 2, O2), jnp.int32),
            pltpu.VMEM((CH // 2, O2), jnp.int32),
            pltpu.VMEM((CH,), jnp.int32),
            pltpu.VMEM((CH,), jnp.int32),
            pltpu.SemaphoreType.DMA,
            pltpu.SemaphoreType.DMA,
        ],
    )
    def k(eo_hbm, d_hbm, g0_hbm, g1_hbm, r0, r1, iv0, iv1, semA, semB):
        wid = lax.axis_index("s") * NC + lax.axis_index("c")
        base = wid * TPW
        h = CH // 2
        pltpu.async_copy(d_hbm.at[0].at[wid].at[0], iv0, semA).wait()
        pltpu.async_copy(d_hbm.at[1].at[wid].at[0], iv1, semA).wait()
        units = [(iv0, 0, g0_hbm), (iv0, 1, g0_hbm),
                 (iv1, 0, g1_hbm), (iv1, 1, g1_hbm)]
        bufs = (r0, r1)
        sems = (semA, semB)
        pend = pltpu.async_copy(eo_hbm.at[units[0][0].at[pl.ds(0, h)]],
                                bufs[0], sems[0])
        for u in range(4):
            iv, hh, out_h = units[u]
            pend.wait()
            if u < 3:
                niv, nhh, _ = units[u + 1]
                pend = pltpu.async_copy(
                    eo_hbm.at[niv.at[pl.ds(nhh * h, h)]],
                    bufs[(u + 1) % 2], sems[(u + 1) % 2])
            pltpu.sync_copy(bufs[u % 2],
                            out_h.at[pl.ds(base + hh * h, h)])

    return k(eo, dest4)


def _combine_body(g0_ref, g1_ref, wts_ref, o_ref):
    g0 = _unpack_bf16(g0_ref[...]).astype(jnp.float32)
    g1 = _unpack_bf16(g1_ref[...]).astype(jnp.float32)
    o_ref[...] = wts_ref[:, 0:1] * g0 + wts_ref[:, 1:2] * g1


def _combine(g0, g1, wts):
    btc = 512
    return pl.pallas_call(
        _combine_body,
        grid=(T // btc,),
        in_specs=[
            pl.BlockSpec((btc, O2), lambda i: (i, 0)),
            pl.BlockSpec((btc, O2), lambda i: (i, 0)),
            pl.BlockSpec((btc, K), lambda i: (i, 0)),
        ],
        out_specs=pl.BlockSpec((btc, O), lambda i: (i, 0)),
        out_shape=jax.ShapeDtypeStruct((T, O), jnp.float32),
    )(g0, g1, wts)


def kernel(x, latents, gate_W, gate_b, W_e, b_e, Wl_e, bl_e):
    dest, wts, blk128, nblk1, xbf, lbf = _route(x, latents, gate_W,
                                                gate_b.reshape(1, E))
    blk_e = blk128.reshape(128)
    nblk = nblk1.reshape(1)
    dest4 = dest.T.reshape(K, NW, NCH, CH)

    xs, ls = _dispatch(xbf, lbf, dest4)
    eo = _grouped(blk_e, nblk, xs, ls, W_e, b_e.reshape(E, 1, O), Wl_e,
                  bl_e.reshape(E, 1, 2 * O))
    g0, g1 = _gather(eo, dest4)
    out = _combine(g0, g1, wts)
    return (out, latents)

# --- scband reference (transcript-rebuilt; emitter-appended) ---
"""Pipeline reference for scband-mo-esine-layer-14800457302365 (READ-ONLY COPY).

The authoritative reference and input builder live on the scoring server;
editing this copy changes nothing except your own understanding.
"""

import jax, jax.numpy as jnp
import numpy as np

OMEGA = 30.0
E = 8
K = 2
O = 1024


def setup_inputs(seed: int = 0) -> dict:
    key = jax.random.key(seed)
    ks = jax.random.split(key, 6)
    T, D, L = 4096, 1024, 512
    x = jax.random.normal(ks[0], (T, D), dtype=jnp.float32)
    latents = jax.random.normal(ks[1], (T, L), dtype=jnp.float32)
    # gate: nn.Linear(in_feat, num_experts)
    gate_W = jax.random.normal(ks[2], (E, D), dtype=jnp.float32) * 0.02
    gate_b = jnp.zeros((E,), dtype=jnp.float32)
    # expert SineLayer linear weights, SIREN init: U(-sqrt(6/in)/omega, sqrt(6/in)/omega)
    lim = float(np.sqrt(6.0 / D) / OMEGA)
    W_e = jax.random.uniform(ks[3], (E, O, D), dtype=jnp.float32, minval=-lim, maxval=lim)
    b_e = jnp.zeros((E, O), dtype=jnp.float32)
    # expert latent FiLM linear: nn.Linear(lat_feat, 2*out_feat) default init
    liml = float(np.sqrt(1.0 / L))
    Wl_e = jax.random.uniform(ks[4], (E, 2 * O, L), dtype=jnp.float32, minval=-liml, maxval=liml)
    bl_e = jax.random.uniform(ks[5], (E, 2 * O), dtype=jnp.float32, minval=-liml, maxval=liml)
    return {"x": x, "latents": latents, "gate_W": gate_W, "gate_b": gate_b,
            "W_e": W_e, "b_e": b_e, "Wl_e": Wl_e, "bl_e": bl_e}


def reference(x, latents, gate_W, gate_b, W_e, b_e, Wl_e, bl_e):
    # gate + top-k routing
    gate_logits = x @ gate_W.T + gate_b
    w_topk, idx = jax.lax.top_k(gate_logits, K)
    w = jax.nn.softmax(w_topk, axis=-1)
    # per-token per-expert combine weight (0 for unrouted experts) ==
    # sum over the k slots of w where indices == e, same math as masked loop
    onehot = jax.nn.one_hot(idx, E, dtype=x.dtype)  # [T, K, E]
    gate_pe = jnp.einsum('tk,tke->te', w, onehot)   # [T, E]
    # all experts applied densely then combined; tokens with zero gate weight
    # contribute nothing, identical math to the masked dispatch in torch
    intermed = jnp.einsum('td,eod->teo', x, W_e) + b_e[None, :, :]        # [T, E, O]
    lats = jnp.einsum('tl,eol->teo', latents, Wl_e) + bl_e[None, :, :]    # [T, E, 2O]
    expert_out = jnp.sin(OMEGA * intermed * lats[..., :O] + lats[..., O:])  # [T, E, O]
    final_output = jnp.einsum('te,teo->to', gate_pe, expert_out)           # [T, O]
    return (final_output, latents)

if __name__ == "__main__":
    import jax
    _d = setup_inputs()
    print(jax.jit(kernel)(*tuple(_d.values())))

</pallas_src>

<mosaic_0001>
#map = affine_map<(d0, d1) -> (0, 0)>
#map1 = affine_map<(d0, d1) -> (0, 0, 0, 0)>
module attributes {stable_mosaic.version = 14 : i64} {
  func.func @k(%arg0: i32, %arg1: i32, %arg2: memref<4096x512xi32, #tpu.memory_space<hbm>>, %arg3: memref<4096x256xi32, #tpu.memory_space<hbm>>, %arg4: memref<2x32x1x128xi32, #tpu.memory_space<hbm>>, %arg5: memref<9984x512xi32, #tpu.memory_space<hbm>>, %arg6: memref<9984x256xi32, #tpu.memory_space<hbm>>, %arg7: memref<128x512xi32, #tpu.memory_space<vmem>>, %arg8: memref<128x256xi32, #tpu.memory_space<vmem>>, %arg9: memref<128xi32, #tpu.memory_space<vmem>>, %arg10: memref<128xi32, #tpu.memory_space<vmem>>, %arg11: memref<!tpu.dma_semaphore, #tpu.memory_space<semaphore_mem>>, %arg12: memref<!tpu.dma_semaphore, #tpu.memory_space<semaphore_mem>>) attributes {dimension_semantics = [#tpu.dimension_semantics<core_parallel>, #tpu.dimension_semantics<subcore_parallel>], iteration_bounds = array<i64: 2, 16>, scalar_prefetch = 0 : i64, scratch_operands = 6 : i64, tpu.core_type = #tpu.core_type<sc_vector_subcore>, window_params = [{transform_indices = #map}, {transform_indices = #map}, {transform_indices = #map1}, {transform_indices = #map}, {transform_indices = #map}]} {
    %mul3A = arith.constant 2 : i32
    %mul3A_0 = arith.muli %arg1, %mul3A : i32
    %add3A = arith.addi %mul3A_0, %arg0 : i32
    %mul3A_1 = arith.constant 128 : i32
    %mul3A_2 = arith.muli %add3A, %mul3A_1 : i32
    %dma_start3A = arith.constant 0 : i32
    %dma_start3A_3 = tpu.memref_slice %arg2[%mul3A_2, %dma_start3A] : memref<4096x512xi32, #tpu.memory_space<hbm>> -> memref<128x512xi32, #tpu.memory_space<hbm>>
    %dma_start3A_4 = arith.constant 0 : i32
    %dma_start3A_5 = tpu.memref_slice %arg2[%mul3A_2, %dma_start3A_4] : memref<4096x512xi32, #tpu.memory_space<hbm>> -> memref<128x512xi32, #tpu.memory_space<hbm>>
    tpu.enqueue_dma source(%dma_start3A_5 : memref<128x512xi32, #tpu.memory_space<hbm>>) target(%arg7 : memref<128x512xi32, #tpu.memory_space<vmem>>) target_semaphore(%arg11 : memref<!tpu.dma_semaphore, #tpu.memory_space<semaphore_mem>>)
    %dma_start3A_6 = arith.constant 0 : i32
    %dma_start3A_7 = tpu.memref_slice %arg3[%mul3A_2, %dma_start3A_6] : memref<4096x256xi32, #tpu.memory_space<hbm>> -> memref<128x256xi32, #tpu.memory_space<hbm>>
    %dma_start3A_8 = arith.constant 0 : i32
    %dma_start3A_9 = tpu.memref_slice %arg3[%mul3A_2, %dma_start3A_8] : memref<4096x256xi32, #tpu.memory_space<hbm>> -> memref<128x256xi32, #tpu.memory_space<hbm>>
    tpu.enqueue_dma source(%dma_start3A_9 : memref<128x256xi32, #tpu.memory_space<hbm>>) target(%arg8 : memref<128x256xi32, #tpu.memory_space<vmem>>) target_semaphore(%arg11 : memref<!tpu.dma_semaphore, #tpu.memory_space<semaphore_mem>>)
    %dma_start3A_10 = arith.constant 0 : i32
    %dma_start3A_11 = arith.constant 0 : i32
    %dma_start3A_12 = arith.constant 0 : i32
    %dma_start3A_13 = arith.constant 0 : i32
    %dma_start3A_14 = arith.constant 0 : i32
    %dma_start3A_15 = tpu.memref_slice %arg4[%dma_start3A_10, %dma_start3A_12, %dma_start3A_13, %dma_start3A_14] : memref<2x32x1x128xi32, #tpu.memory_space<hbm>> -> memref<1x32x1x128xi32, #tpu.memory_space<hbm>>
    %dma_start3A_16 = tpu.memref_squeeze %dma_start3A_15 : memref<1x32x1x128xi32, #tpu.memory_space<hbm>> -> memref<32x1x128xi32, #tpu.memory_space<hbm>>
    %dma_start3A_17 = arith.constant 0 : i32
    %dma_start3A_18 = arith.constant 0 : i32
    %dma_start3A_19 = tpu.memref_slice %dma_start3A_16[%add3A, %dma_start3A_17, %dma_start3A_18] : memref<32x1x128xi32, #tpu.memory_space<hbm>> -> memref<1x1x128xi32, #tpu.memory_space<hbm>>
    %dma_start3A_20 = tpu.memref_squeeze %dma_start3A_19 : memref<1x1x128xi32, #tpu.memory_space<hbm>> -> memref<1x128xi32, #tpu.memory_space<hbm>>
    %dma_start3A_21 = arith.constant 0 : i32
    %dma_start3A_22 = tpu.memref_slice %dma_start3A_20[%dma_start3A_11, %dma_start3A_21] : memref<1x128xi32, #tpu.memory_space<hbm>> -> memref<1x128xi32, #tpu.memory_space<hbm>>
    %dma_start3A_23 = tpu.memref_squeeze %dma_start3A_22 : memref<1x128xi32, #tpu.memory_space<hbm>> -> memref<128xi32, #tpu.memory_space<hbm>>
    %dma_start3A_24 = arith.constant 0 : i32
    %dma_start3A_25 = arith.constant 0 : i32
    %dma_start3A_26 = arith.constant 0 : i32
    %dma_start3A_27 = tpu.memref_slice %arg4[%dma_start3A_10, %dma_start3A_24, %dma_start3A_25, %dma_start3A_26] : memref<2x32x1x128xi32, #tpu.memory_space<hbm>> -> memref<1x32x1x128xi32, #tpu.memory_space<hbm>>
    %dma_start3A_28 = tpu.memref_squeeze %dma_start3A_27 : memref<1x32x1x128xi32, #tpu.memory_space<hbm>> -> memref<32x1x128xi32, #tpu.memory_space<hbm>>
    %dma_start3A_29 = arith.constant 0 : i32
    %dma_start3A_30 = arith.constant 0 : i32
    %dma_start3A_31 = tpu.memref_slice %dma_start3A_28[%add3A, %dma_start3A_29, %dma_start3A_30] : memref<32x1x128xi32, #tpu.memory_space<hbm>> -> memref<1x1x128xi32, #tpu.memory_space<hbm>>
    %dma_start3A_32 = tpu.memref_squeeze %dma_start3A_31 : memref<1x1x128xi32, #tpu.memory_space<hbm>> -> memref<1x128xi32, #tpu.memory_space<hbm>>
    %dma_start3A_33 = arith.constant 0 : i32
    %dma_start3A_34 = tpu.memref_slice %dma_start3A_32[%dma_start3A_11, %dma_start3A_33] : memref<1x128xi32, #tpu.memory_space<hbm>> -> memref<1x128xi32, #tpu.memory_space<hbm>>
    %dma_start3A_35 = tpu.memref_squeeze %dma_start3A_34 : memref<1x128xi32, #tpu.memory_space<hbm>> -> memref<128xi32, #tpu.memory_space<hbm>>
    tpu.enqueue_dma source(%dma_start3A_35 : memref<128xi32, #tpu.memory_space<hbm>>) target(%arg9 : memref<128xi32, #tpu.memory_space<vmem>>) target_semaphore(%arg11 : memref<!tpu.dma_semaphore, #tpu.memory_space<semaphore_mem>>)
    %dma_start3A_36 = arith.constant 1 : i32
    %dma_start3A_37 = arith.constant 0 : i32
    %dma_start3A_38 = arith.constant 0 : i32
    %dma_start3A_39 = arith.constant 0 : i32
    %dma_start3A_40 = arith.constant 0 : i32
    %dma_start3A_41 = tpu.memref_slice %arg4[%dma_start3A_36, %dma_start3A_38, %dma_start3A_39, %dma_start3A_40] : memref<2x32x1x128xi32, #tpu.memory_space<hbm>> -> memref<1x32x1x128xi32, #tpu.memory_space<hbm>>
    %dma_start3A_42 = tpu.memref_squeeze %dma_start3A_41 : memref<1x32x1x128xi32, #tpu.memory_space<hbm>> -> memref<32x1x128xi32, #tpu.memory_space<hbm>>
    %dma_start3A_43 = arith.constant 0 : i32
    %dma_start3A_44 = arith.constant 0 : i32
    %dma_start3A_45 = tpu.memref_slice %dma_start3A_42[%add3A, %dma_start3A_43, %dma_start3A_44] : memref<32x1x128xi32, #tpu.memory_space<hbm>> -> memref<1x1x128xi32, #tpu.memory_space<hbm>>
    %dma_start3A_46 = tpu.memref_squeeze %dma_start3A_45 : memref<1x1x128xi32, #tpu.memory_space<hbm>> -> memref<1x128xi32, #tpu.memory_space<hbm>>
    %dma_start3A_47 = arith.constant 0 : i32
    %dma_start3A_48 = tpu.memref_slice %dma_start3A_46[%dma_start3A_37, %dma_start3A_47] : memref<1x128xi32, #tpu.memory_space<hbm>> -> memref<1x128xi32, #tpu.memory_space<hbm>>
    %dma_start3A_49 = tpu.memref_squeeze %dma_start3A_48 : memref<1x128xi32, #tpu.memory_space<hbm>> -> memref<128xi32, #tpu.memory_space<hbm>>
    %dma_start3A_50 = arith.constant 0 : i32
    %dma_start3A_51 = arith.constant 0 : i32
    %dma_start3A_52 = arith.constant 0 : i32
    %dma_start3A_53 = tpu.memref_slice %arg4[%dma_start3A_36, %dma_start3A_50, %dma_start3A_51, %dma_start3A_52] : memref<2x32x1x128xi32, #tpu.memory_space<hbm>> -> memref<1x32x1x128xi32, #tpu.memory_space<hbm>>
    %dma_start3A_54 = tpu.memref_squeeze %dma_start3A_53 : memref<1x32x1x128xi32, #tpu.memory_space<hbm>> -> memref<32x1x128xi32, #tpu.memory_space<hbm>>
    %dma_start3A_55 = arith.constant 0 : i32
    %dma_start3A_56 = arith.constant 0 : i32
    %dma_start3A_57 = tpu.memref_slice %dma_start3A_54[%add3A, %dma_start3A_55, %dma_start3A_56] : memref<32x1x128xi32, #tpu.memory_space<hbm>> -> memref<1x1x128xi32, #tpu.memory_space<hbm>>
    %dma_start3A_58 = tpu.memref_squeeze %dma_start3A_57 : memref<1x1x128xi32, #tpu.memory_space<hbm>> -> memref<1x128xi32, #tpu.memory_space<hbm>>
    %dma_start3A_59 = arith.constant 0 : i32
    %dma_start3A_60 = tpu.memref_slice %dma_start3A_58[%dma_start3A_37, %dma_start3A_59] : memref<1x128xi32, #tpu.memory_space<hbm>> -> memref<1x128xi32, #tpu.memory_space<hbm>>
    %dma_start3A_61 = tpu.memref_squeeze %dma_start3A_60 : memref<1x128xi32, #tpu.memory_space<hbm>> -> memref<128xi32, #tpu.memory_space<hbm>>
    tpu.enqueue_dma source(%dma_start3A_61 : memref<128xi32, #tpu.memory_space<hbm>>) target(%arg10 : memref<128xi32, #tpu.memory_space<vmem>>) target_semaphore(%arg11 : memref<!tpu.dma_semaphore, #tpu.memory_space<semaphore_mem>>)
    %dma_wait3A = arith.constant 0 : i32
    %dma_wait3A_62 = tpu.memref_slice %arg2[%mul3A_2, %dma_wait3A] : memref<4096x512xi32, #tpu.memory_space<hbm>> -> memref<128x512xi32, #tpu.memory_space<hbm>>
    %dma_wait3A_63 = arith.constant 0 : i32
    %dma_wait3A_64 = tpu.memref_slice %arg2[%mul3A_2, %dma_wait3A_63] : memref<4096x512xi32, #tpu.memory_space<hbm>> -> memref<128x512xi32, #tpu.memory_space<hbm>>
    tpu.wait_dma2 semaphore(%arg11 : memref<!tpu.dma_semaphore, #tpu.memory_space<semaphore_mem>>) src(%dma_wait3A_64 : memref<128x512xi32, #tpu.memory_space<hbm>>) dst(%arg7 : memref<128x512xi32, #tpu.memory_space<vmem>>)
    %dma_wait3A_65 = arith.constant 0 : i32
    %dma_wait3A_66 = tpu.memref_slice %arg3[%mul3A_2, %dma_wait3A_65] : memref<4096x256xi32, #tpu.memory_space<hbm>> -> memref<128x256xi32, #tpu.memory_space<hbm>>
    %dma_wait3A_67 = arith.constant 0 : i32
    %dma_wait3A_68 = tpu.memref_slice %arg3[%mul3A_2, %dma_wait3A_67] : memref<4096x256xi32, #tpu.memory_space<hbm>> -> memref<128x256xi32, #tpu.memory_space<hbm>>
    tpu.wait_dma2 semaphore(%arg11 : memref<!tpu.dma_semaphore, #tpu.memory_space<semaphore_mem>>) src(%dma_wait3A_68 : memref<128x256xi32, #tpu.memory_space<hbm>>) dst(%arg8 : memref<128x256xi32, #tpu.memory_space<vmem>>)
    %dma_wait3A_69 = arith.constant 0 : i32
    %dma_wait3A_70 = arith.constant 0 : i32
    %dma_wait3A_71 = arith.constant 0 : i32
    %dma_wait3A_72 = arith.constant 0 : i32
    %dma_wait3A_73 = arith.constant 0 : i32
    %dma_wait3A_74 = tpu.memref_slice %arg4[%dma_wait3A_69, %dma_wait3A_71, %dma_wait3A_72, %dma_wait3A_73] : memref<2x32x1x128xi32, #tpu.memory_space<hbm>> -> memref<1x32x1x128xi32, #tpu.memory_space<hbm>>
    %dma_wait3A_75 = tpu.memref_squeeze %dma_wait3A_74 : memref<1x32x1x128xi32, #tpu.memory_space<hbm>> -> memref<32x1x128xi32, #tpu.memory_space<hbm>>
    %dma_wait3A_76 = arith.constant 0 : i32
    %dma_wait3A_77 = arith.constant 0 : i32
    %dma_wait3A_78 = tpu.memref_slice %dma_wait3A_75[%add3A, %dma_wait3A_76, %dma_wait3A_77] : memref<32x1x128xi32, #tpu.memory_space<hbm>> -> memref<1x1x128xi32, #tpu.memory_space<hbm>>
    %dma_wait3A_79 = tpu.memref_squeeze %dma_wait3A_78 : memref<1x1x128xi32, #tpu.memory_space<hbm>> -> memref<1x128xi32, #tpu.memory_space<hbm>>
    %dma_wait3A_80 = arith.constant 0 : i32
    %dma_wait3A_81 = tpu.memref_slice %dma_wait3A_79[%dma_wait3A_70, %dma_wait3A_80] : memref<1x128xi32, #tpu.memory_space<hbm>> -> memref<1x128xi32, #tpu.memory_space<hbm>>
    %dma_wait3A_82 = tpu.memref_squeeze %dma_wait3A_81 : memref<1x128xi32, #tpu.memory_space<hbm>> -> memref<128xi32, #tpu.memory_space<hbm>>
    %dma_wait3A_83 = arith.constant 0 : i32
    %dma_wait3A_84 = arith.constant 0 : i32
    %dma_wait3A_85 = arith.constant 0 : i32
    %dma_wait3A_86 = tpu.memref_slice %arg4[%dma_wait3A_69, %dma_wait3A_83, %dma_wait3A_84, %dma_wait3A_85] : memref<2x32x1x128xi32, #tpu.memory_space<hbm>> -> memref<1x32x1x128xi32, #tpu.memory_space<hbm>>
    %dma_wait3A_87 = tpu.memref_squeeze %dma_wait3A_86 : memref<1x32x1x128xi32, #tpu.memory_space<hbm>> -> memref<32x1x128xi32, #tpu.memory_space<hbm>>
    %dma_wait3A_88 = arith.constant 0 : i32
    %dma_wait3A_89 = arith.constant 0 : i32
    %dma_wait3A_90 = tpu.memref_slice %dma_wait3A_87[%add3A, %dma_wait3A_88, %dma_wait3A_89] : memref<32x1x128xi32, #tpu.memory_space<hbm>> -> memref<1x1x128xi32, #tpu.memory_space<hbm>>
    %dma_wait3A_91 = tpu.memref_squeeze %dma_wait3A_90 : memref<1x1x128xi32, #tpu.memory_space<hbm>> -> memref<1x128xi32, #tpu.memory_space<hbm>>
    %dma_wait3A_92 = arith.constant 0 : i32
    %dma_wait3A_93 = tpu.memref_slice %dma_wait3A_91[%dma_wait3A_70, %dma_wait3A_92] : memref<1x128xi32, #tpu.memory_space<hbm>> -> memref<1x128xi32, #tpu.memory_space<hbm>>
    %dma_wait3A_94 = tpu.memref_squeeze %dma_wait3A_93 : memref<1x128xi32, #tpu.memory_space<hbm>> -> memref<128xi32, #tpu.memory_space<hbm>>
    tpu.wait_dma2 semaphore(%arg11 : memref<!tpu.dma_semaphore, #tpu.memory_space<semaphore_mem>>) src(%dma_wait3A_94 : memref<128xi32, #tpu.memory_space<hbm>>) dst(%arg9 : memref<128xi32, #tpu.memory_space<vmem>>)
    %dma_wait3A_95 = arith.constant 1 : i32
    %dma_wait3A_96 = arith.constant 0 : i32
    %dma_wait3A_97 = arith.constant 0 : i32
    %dma_wait3A_98 = arith.constant 0 : i32
    %dma_wait3A_99 = arith.constant 0 : i32
    %dma_wait3A_100 = tpu.memref_slice %arg4[%dma_wait3A_95, %dma_wait3A_97, %dma_wait3A_98, %dma_wait3A_99] : memref<2x32x1x128xi32, #tpu.memory_space<hbm>> -> memref<1x32x1x128xi32, #tpu.memory_space<hbm>>
    %dma_wait3A_101 = tpu.memref_squeeze %dma_wait3A_100 : memref<1x32x1x128xi32, #tpu.memory_space<hbm>> -> memref<32x1x128xi32, #tpu.memory_space<hbm>>
    %dma_wait3A_102 = arith.constant 0 : i32
    %dma_wait3A_103 = arith.constant 0 : i32
    %dma_wait3A_104 = tpu.memref_slice %dma_wait3A_101[%add3A, %dma_wait3A_102, %dma_wait3A_103] : memref<32x1x128xi32, #tpu.memory_space<hbm>> -> memref<1x1x128xi32, #tpu.memory_space<hbm>>
    %dma_wait3A_105 = tpu.memref_squeeze %dma_wait3A_104 : memref<1x1x128xi32, #tpu.memory_space<hbm>> -> memref<1x128xi32, #tpu.memory_space<hbm>>
    %dma_wait3A_106 = arith.constant 0 : i32
    %dma_wait3A_107 = tpu.memref_slice %dma_wait3A_105[%dma_wait3A_96, %dma_wait3A_106] : memref<1x128xi32, #tpu.memory_space<hbm>> -> memref<1x128xi32, #tpu.memory_space<hbm>>
    %dma_wait3A_108 = tpu.memref_squeeze %dma_wait3A_107 : memref<1x128xi32, #tpu.memory_space<hbm>> -> memref<128xi32, #tpu.memory_space<hbm>>
    %dma_wait3A_109 = arith.constant 0 : i32
    %dma_wait3A_110 = arith.constant 0 : i32
    %dma_wait3A_111 = arith.constant 0 : i32
    %dma_wait3A_112 = tpu.memref_slice %arg4[%dma_wait3A_95, %dma_wait3A_109, %dma_wait3A_110, %dma_wait3A_111] : memref<2x32x1x128xi32, #tpu.memory_space<hbm>> -> memref<1x32x1x128xi32, #tpu.memory_space<hbm>>
    %dma_wait3A_113 = tpu.memref_squeeze %dma_wait3A_112 : memref<1x32x1x128xi32, #tpu.memory_space<hbm>> -> memref<32x1x128xi32, #tpu.memory_space<hbm>>
    %dma_wait3A_114 = arith.constant 0 : i32
    %dma_wait3A_115 = arith.constant 0 : i32
    %dma_wait3A_116 = tpu.memref_slice %dma_wait3A_113[%add3A, %dma_wait3A_114, %dma_wait3A_115] : memref<32x1x128xi32, #tpu.memory_space<hbm>> -> memref<1x1x128xi32, #tpu.memory_space<hbm>>
    %dma_wait3A_117 = tpu.memref_squeeze %dma_wait3A_116 : memref<1x1x128xi32, #tpu.memory_space<hbm>> -> memref<1x128xi32, #tpu.memory_space<hbm>>
    %dma_wait3A_118 = arith.constant 0 : i32
    %dma_wait3A_119 = tpu.memref_slice %dma_wait3A_117[%dma_wait3A_96, %dma_wait3A_118] : memref<1x128xi32, #tpu.memory_space<hbm>> -> memref<1x128xi32, #tpu.memory_space<hbm>>
    %dma_wait3A_120 = tpu.memref_squeeze %dma_wait3A_119 : memref<1x128xi32, #tpu.memory_space<hbm>> -> memref<128xi32, #tpu.memory_space<hbm>>
    tpu.wait_dma2 semaphore(%arg11 : memref<!tpu.dma_semaphore, #tpu.memory_space<semaphore_mem>>) src(%dma_wait3A_120 : memref<128xi32, #tpu.memory_space<hbm>>) dst(%arg10 : memref<128xi32, #tpu.memory_space<vmem>>)
    %dma_start3A_121 = arith.constant 0 : i32
    %dma_start3A_122 = arith.constant 0 : i32
    %dma_start3A_123 = tpu.memref_slice %arg5[%dma_start3A_121, %dma_start3A_122] : memref<9984x512xi32, #tpu.memory_space<hbm>> -> memref<9984x512xi32, #tpu.memory_space<hbm>>
    tpu.enqueue_indirect_dma source(%arg7 : memref<128x512xi32, #tpu.memory_space<vmem>>) target(%dma_start3A_123 : memref<9984x512xi32, #tpu.memory_space<hbm>>) offsets(%arg9 : memref<128xi32, #tpu.memory_space<vmem>>) semaphore(%arg12 : memref<!tpu.dma_semaphore, #tpu.memory_space<semaphore_mem>>)
    %dma_start3A_124 = arith.constant 0 : i32
    %dma_start3A_125 = arith.constant 0 : i32
    %dma_start3A_126 = tpu.memref_slice %arg6[%dma_start3A_124, %dma_start3A_125] : memref<9984x256xi32, #tpu.memory_space<hbm>> -> memref<9984x256xi32, #tpu.memory_space<hbm>>
    tpu.enqueue_indirect_dma source(%arg8 : memref<128x256xi32, #tpu.memory_space<vmem>>) target(%dma_start3A_126 : memref<9984x256xi32, #tpu.memory_space<hbm>>) offsets(%arg9 : memref<128xi32, #tpu.memory_space<vmem>>) semaphore(%arg12 : memref<!tpu.dma_semaphore, #tpu.memory_space<semaphore_mem>>)
    %dma_start3A_127 = arith.constant 0 : i32
    %dma_start3A_128 = arith.constant 0 : i32
    %dma_start3A_129 = tpu.memref_slice %arg5[%dma_start3A_127, %dma_start3A_128] : memref<9984x512xi32, #tpu.memory_space<hbm>> -> memref<9984x512xi32, #tpu.memory_space<hbm>>
    tpu.enqueue_indirect_dma source(%arg7 : memref<128x512xi32, #tpu.memory_space<vmem>>) target(%dma_start3A_129 : memref<9984x512xi32, #tpu.memory_space<hbm>>) offsets(%arg10 : memref<128xi32, #tpu.memory_space<vmem>>) semaphore(%arg12 : memref<!tpu.dma_semaphore, #tpu.memory_space<semaphore_mem>>)
    %dma_start3A_130 = arith.constant 0 : i32
    %dma_start3A_131 = arith.constant 0 : i32
    %dma_start3A_132 = tpu.memref_slice %arg6[%dma_start3A_130, %dma_start3A_131] : memref<9984x256xi32, #tpu.memory_space<hbm>> -> memref<9984x256xi32, #tpu.memory_space<hbm>>
    tpu.enqueue_indirect_dma source(%arg8 : memref<128x256xi32, #tpu.memory_space<vmem>>) target(%dma_start3A_132 : memref<9984x256xi32, #tpu.memory_space<hbm>>) offsets(%arg10 : memref<128xi32, #tpu.memory_space<vmem>>) semaphore(%arg12 : memref<!tpu.dma_semaphore, #tpu.memory_space<semaphore_mem>>)
    %dma_wait3A_133 = arith.constant 0 : i32
    %dma_wait3A_134 = arith.constant 0 : i32
    %dma_wait3A_135 = tpu.memref_slice %arg5[%dma_wait3A_133, %dma_wait3A_134] : memref<9984x512xi32, #tpu.memory_space<hbm>> -> memref<9984x512xi32, #tpu.memory_space<hbm>>
    tpu.wait_indirect_dma semaphore(%arg12 : memref<!tpu.dma_semaphore, #tpu.memory_space<semaphore_mem>>) src(%arg7 : memref<128x512xi32, #tpu.memory_space<vmem>>) dst(%dma_wait3A_135 : memref<9984x512xi32, #tpu.memory_space<hbm>>)
    %dma_wait3A_136 = arith.constant 0 : i32
    %dma_wait3A_137 = arith.constant 0 : i32
    %dma_wait3A_138 = tpu.memref_slice %arg6[%dma_wait3A_136, %dma_wait3A_137] : memref<9984x256xi32, #tpu.memory_space<hbm>> -> memref<9984x256xi32, #tpu.memory_space<hbm>>
    tpu.wait_indirect_dma semaphore(%arg12 : memref<!tpu.dma_semaphore, #tpu.memory_space<semaphore_mem>>) src(%arg8 : memref<128x256xi32, #tpu.memory_space<vmem>>) dst(%dma_wait3A_138 : memref<9984x256xi32, #tpu.memory_space<hbm>>)
    %dma_wait3A_139 = arith.constant 0 : i32
    %dma_wait3A_140 = arith.constant 0 : i32
    %dma_wait3A_141 = tpu.memref_slice %arg5[%dma_wait3A_139, %dma_wait3A_140] : memref<9984x512xi32, #tpu.memory_space<hbm>> -> memref<9984x512xi32, #tpu.memory_space<hbm>>
    tpu.wait_indirect_dma semaphore(%arg12 : memref<!tpu.dma_semaphore, #tpu.memory_space<semaphore_mem>>) src(%arg7 : memref<128x512xi32, #tpu.memory_space<vmem>>) dst(%dma_wait3A_141 : memref<9984x512xi32, #tpu.memory_space<hbm>>)
    %dma_wait3A_142 = arith.constant 0 : i32
    %dma_wait3A_143 = arith.constant 0 : i32
    %dma_wait3A_144 = tpu.memref_slice %arg6[%dma_wait3A_142, %dma_wait3A_143] : memref<9984x256xi32, #tpu.memory_space<hbm>> -> memref<9984x256xi32, #tpu.memory_space<hbm>>
    tpu.wait_indirect_dma semaphore(%arg12 : memref<!tpu.dma_semaphore, #tpu.memory_space<semaphore_mem>>) src(%arg8 : memref<128x256xi32, #tpu.memory_space<vmem>>) dst(%dma_wait3A_144 : memref<9984x256xi32, #tpu.memory_space<hbm>>)
    return
  }
}

#map = affine_map<(d0, d1) -> (0, 0)>
#map1 = affine_map<(d0, d1) -> (0, 0, 0, 0)>
module attributes {stable_mosaic.version = 14 : i64} {
  func.func @k(%arg0: i32, %arg1: i32, %arg2: memref<9984x512xi32, #tpu.memory_space<hbm>>, %arg3: memref<2x32x1x128xi32, #tpu.memory_space<hbm>>, %arg4: memref<4096x512xi32, #tpu.memory_space<hbm>>, %arg5: memref<4096x512xi32, #tpu.memory_space<hbm>>, %arg6: memref<64x512xi32, #tpu.memory_space<vmem>>, %arg7: memref<64x512xi32, #tpu.memory_space<vmem>>, %arg8: memref<128xi32, #tpu.memory_space<vmem>>, %arg9: memref<128xi32, #tpu.memory_space<vmem>>, %arg10: memref<!tpu.dma_semaphore, #tpu.memory_space<semaphore_mem>>, %arg11: memref<!tpu.dma_semaphore, #tpu.memory_space<semaphore_mem>>) attributes {dimension_semantics = [#tpu.dimension_semantics<core_parallel>, #tpu.dimension_semantics<subcore_parallel>], iteration_bounds = array<i64: 2, 16>, scalar_prefetch = 0 : i64, scratch_operands = 6 : i64, tpu.core_type = #tpu.core_type<sc_vector_subcore>, window_params = [{transform_indices = #map}, {transform_indices = #map1}, {transform_indices = #map}, {transform_indices = #map}]} {
    %mul3A = arith.constant 2 : i32
    %mul3A_0 = arith.muli %arg1, %mul3A : i32
    %add3A = arith.addi %mul3A_0, %arg0 : i32
    %mul3A_1 = arith.constant 128 : i32
    %mul3A_2 = arith.muli %add3A, %mul3A_1 : i32
    %dma_start3A = arith.constant 0 : i32
    %dma_start3A_3 = arith.constant 0 : i32
    %dma_start3A_4 = arith.constant 0 : i32
    %dma_start3A_5 = arith.constant 0 : i32
    %dma_start3A_6 = arith.constant 0 : i32
    %dma_start3A_7 = tpu.memref_slice %arg3[%dma_start3A, %dma_start3A_4, %dma_start3A_5, %dma_start3A_6] : memref<2x32x1x128xi32, #tpu.memory_space<hbm>> -> memref<1x32x1x128xi32, #tpu.memory_space<hbm>>
    %dma_start3A_8 = tpu.memref_squeeze %dma_start3A_7 : memref<1x32x1x128xi32, #tpu.memory_space<hbm>> -> memref<32x1x128xi32, #tpu.memory_space<hbm>>
    %dma_start3A_9 = arith.constant 0 : i32
    %dma_start3A_10 = arith.constant 0 : i32
    %dma_start3A_11 = tpu.memref_slice %dma_start3A_8[%add3A, %dma_start3A_9, %dma_start3A_10] : memref<32x1x128xi32, #tpu.memory_space<hbm>> -> memref<1x1x128xi32, #tpu.memory_space<hbm>>
    %dma_start3A_12 = tpu.memref_squeeze %dma_start3A_11 : memref<1x1x128xi32, #tpu.memory_space<hbm>> -> memref<1x128xi32, #tpu.memory_space<hbm>>
    %dma_start3A_13 = arith.constant 0 : i32
    %dma_start3A_14 = tpu.memref_slice %dma_start3A_12[%dma_start3A_3, %dma_start3A_13] : memref<1x128xi32, #tpu.memory_space<hbm>> -> memref<1x128xi32, #tpu.memory_space<hbm>>
    %dma_start3A_15 = tpu.memref_squeeze %dma_start3A_14 : memref<1x128xi32, #tpu.memory_space<hbm>> -> memref<128xi32, #tpu.memory_space<hbm>>
    %dma_start3A_16 = arith.constant 0 : i32
    %dma_start3A_17 = arith.constant 0 : i32
    %dma_start3A_18 = arith.constant 0 : i32
    %dma_start3A_19 = tpu.memref_slice %arg3[%dma_start3A, %dma_start3A_16, %dma_start3A_17, %dma_start3A_18] : memref<2x32x1x128xi32, #tpu.memory_space<hbm>> -> memref<1x32x1x128xi32, #tpu.memory_space<hbm>>
    %dma_start3A_20 = tpu.memref_squeeze %dma_start3A_19 : memref<1x32x1x128xi32, #tpu.memory_space<hbm>> -> memref<32x1x128xi32, #tpu.memory_space<hbm>>
    %dma_start3A_21 = arith.constant 0 : i32
    %dma_start3A_22 = arith.constant 0 : i32
    %dma_start3A_23 = tpu.memref_slice %dma_start3A_20[%add3A, %dma_start3A_21, %dma_start3A_22] : memref<32x1x128xi32, #tpu.memory_space<hbm>> -> memref<1x1x128xi32, #tpu.memory_space<hbm>>
    %dma_start3A_24 = tpu.memref_squeeze %dma_start3A_23 : memref<1x1x128xi32, #tpu.memory_space<hbm>> -> memref<1x128xi32, #tpu.memory_space<hbm>>
    %dma_start3A_25 = arith.constant 0 : i32
    %dma_start3A_26 = tpu.memref_slice %dma_start3A_24[%dma_start3A_3, %dma_start3A_25] : memref<1x128xi32, #tpu.memory_space<hbm>> -> memref<1x128xi32, #tpu.memory_space<hbm>>
    %dma_start3A_27 = tpu.memref_squeeze %dma_start3A_26 : memref<1x128xi32, #tpu.memory_space<hbm>> -> memref<128xi32, #tpu.memory_space<hbm>>
    tpu.enqueue_dma source(%dma_start3A_27 : memref<128xi32, #tpu.memory_space<hbm>>) target(%arg8 : memref<128xi32, #tpu.memory_space<vmem>>) target_semaphore(%arg10 : memref<!tpu.dma_semaphore, #tpu.memory_space<semaphore_mem>>)
    %dma_wait3A = arith.constant 0 : i32
    %dma_wait3A_28 = arith.constant 0 : i32
    %dma_wait3A_29 = arith.constant 0 : i32
    %dma_wait3A_30 = arith.constant 0 : i32
    %dma_wait3A_31 = arith.constant 0 : i32
    %dma_wait3A_32 = tpu.memref_slice %arg3[%dma_wait3A, %dma_wait3A_29, %dma_wait3A_30, %dma_wait3A_31] : memref<2x32x1x128xi32, #tpu.memory_space<hbm>> -> memref<1x32x1x128xi32, #tpu.memory_space<hbm>>
    %dma_wait3A_33 = tpu.memref_squeeze %dma_wait3A_32 : memref<1x32x1x128xi32, #tpu.memory_space<hbm>> -> memref<32x1x128xi32, #tpu.memory_space<hbm>>
    %dma_wait3A_34 = arith.constant 0 : i32
    %dma_wait3A_35 = arith.constant 0 : i32
    %dma_wait3A_36 = tpu.memref_slice %dma_wait3A_33[%add3A, %dma_wait3A_34, %dma_wait3A_35] : memref<32x1x128xi32, #tpu.memory_space<hbm>> -> memref<1x1x128xi32, #tpu.memory_space<hbm>>
    %dma_wait3A_37 = tpu.memref_squeeze %dma_wait3A_36 : memref<1x1x128xi32, #tpu.memory_space<hbm>> -> memref<1x128xi32, #tpu.memory_space<hbm>>
    %dma_wait3A_38 = arith.constant 0 : i32
    %dma_wait3A_39 = tpu.memref_slice %dma_wait3A_37[%dma_wait3A_28, %dma_wait3A_38] : memref<1x128xi32, #tpu.memory_space<hbm>> -> memref<1x128xi32, #tpu.memory_space<hbm>>
    %dma_wait3A_40 = tpu.memref_squeeze %dma_wait3A_39 : memref<1x128xi32, #tpu.memory_space<hbm>> -> memref<128xi32, #tpu.memory_space<hbm>>
    %dma_wait3A_41 = arith.constant 0 : i32
    %dma_wait3A_42 = arith.constant 0 : i32
    %dma_wait3A_43 = arith.constant 0 : i32
    %dma_wait3A_44 = tpu.memref_slice %arg3[%dma_wait3A, %dma_wait3A_41, %dma_wait3A_42, %dma_wait3A_43] : memref<2x32x1x128xi32, #tpu.memory_space<hbm>> -> memref<1x32x1x128xi32, #tpu.memory_space<hbm>>
    %dma_wait3A_45 = tpu.memref_squeeze %dma_wait3A_44 : memref<1x32x1x128xi32, #tpu.memory_space<hbm>> -> memref<32x1x128xi32, #tpu.memory_space<hbm>>
    %dma_wait3A_46 = arith.constant 0 : i32
    %dma_wait3A_47 = arith.constant 0 : i32
    %dma_wait3A_48 = tpu.memref_slice %dma_wait3A_45[%add3A, %dma_wait3A_46, %dma_wait3A_47] : memref<32x1x128xi32, #tpu.memory_space<hbm>> -> memref<1x1x128xi32, #tpu.memory_space<hbm>>
    %dma_wait3A_49 = tpu.memref_squeeze %dma_wait3A_48 : memref<1x1x128xi32, #tpu.memory_space<hbm>> -> memref<1x128xi32, #tpu.memory_space<hbm>>
    %dma_wait3A_50 = arith.constant 0 : i32
    %dma_wait3A_51 = tpu.memref_slice %dma_wait3A_49[%dma_wait3A_28, %dma_wait3A_50] : memref<1x128xi32, #tpu.memory_space<hbm>> -> memref<1x128xi32, #tpu.memory_space<hbm>>
    %dma_wait3A_52 = tpu.memref_squeeze %dma_wait3A_51 : memref<1x128xi32, #tpu.memory_space<hbm>> -> memref<128xi32, #tpu.memory_space<hbm>>
    tpu.wait_dma2 semaphore(%arg10 : memref<!tpu.dma_semaphore, #tpu.memory_space<semaphore_mem>>) src(%dma_wait3A_52 : memref<128xi32, #tpu.memory_space<hbm>>) dst(%arg8 : memref<128xi32, #tpu.memory_space<vmem>>)
    %dma_start3A_53 = arith.constant 1 : i32
    %dma_start3A_54 = arith.constant 0 : i32
    %dma_start3A_55 = arith.constant 0 : i32
    %dma_start3A_56 = arith.constant 0 : i32
    %dma_start3A_57 = arith.constant 0 : i32
    %dma_start3A_58 = tpu.memref_slice %arg3[%dma_start3A_53, %dma_start3A_55, %dma_start3A_56, %dma_start3A_57] : memref<2x32x1x128xi32, #tpu.memory_space<hbm>> -> memref<1x32x1x128xi32, #tpu.memory_space<hbm>>
    %dma_start3A_59 = tpu.memref_squeeze %dma_start3A_58 : memref<1x32x1x128xi32, #tpu.memory_space<hbm>> -> memref<32x1x128xi32, #tpu.memory_space<hbm>>
    %dma_start3A_60 = arith.constant 0 : i32
    %dma_start3A_61 = arith.constant 0 : i32
    %dma_start3A_62 = tpu.memref_slice %dma_start3A_59[%add3A, %dma_start3A_60, %dma_start3A_61] : memref<32x1x128xi32, #tpu.memory_space<hbm>> -> memref<1x1x128xi32, #tpu.memory_space<hbm>>
    %dma_start3A_63 = tpu.memref_squeeze %dma_start3A_62 : memref<1x1x128xi32, #tpu.memory_space<hbm>> -> memref<1x128xi32, #tpu.memory_space<hbm>>
    %dma_start3A_64 = arith.constant 0 : i32
    %dma_start3A_65 = tpu.memref_slice %dma_start3A_63[%dma_start3A_54, %dma_start3A_64] : memref<1x128xi32, #tpu.memory_space<hbm>> -> memref<1x128xi32, #tpu.memory_space<hbm>>
    %dma_start3A_66 = tpu.memref_squeeze %dma_start3A_65 : memref<1x128xi32, #tpu.memory_space<hbm>> -> memref<128xi32, #tpu.memory_space<hbm>>
    %dma_start3A_67 = arith.constant 0 : i32
    %dma_start3A_68 = arith.constant 0 : i32
    %dma_start3A_69 = arith.constant 0 : i32
    %dma_start3A_70 = tpu.memref_slice %arg3[%dma_start3A_53, %dma_start3A_67, %dma_start3A_68, %dma_start3A_69] : memref<2x32x1x128xi32, #tpu.memory_space<hbm>> -> memref<1x32x1x128xi32, #tpu.memory_space<hbm>>
    %dma_start3A_71 = tpu.memref_squeeze %dma_start3A_70 : memref<1x32x1x128xi32, #tpu.memory_space<hbm>> -> memref<32x1x128xi32, #tpu.memory_space<hbm>>
    %dma_start3A_72 = arith.constant 0 : i32
    %dma_start3A_73 = arith.constant 0 : i32
    %dma_start3A_74 = tpu.memref_slice %dma_start3A_71[%add3A, %dma_start3A_72, %dma_start3A_73] : memref<32x1x128xi32, #tpu.memory_space<hbm>> -> memref<1x1x128xi32, #tpu.memory_space<hbm>>
    %dma_start3A_75 = tpu.memref_squeeze %dma_start3A_74 : memref<1x1x128xi32, #tpu.memory_space<hbm>> -> memref<1x128xi32, #tpu.memory_space<hbm>>
    %dma_start3A_76 = arith.constant 0 : i32
    %dma_start3A_77 = tpu.memref_slice %dma_start3A_75[%dma_start3A_54, %dma_start3A_76] : memref<1x128xi32, #tpu.memory_space<hbm>> -> memref<1x128xi32, #tpu.memory_space<hbm>>
    %dma_start3A_78 = tpu.memref_squeeze %dma_start3A_77 : memref<1x128xi32, #tpu.memory_space<hbm>> -> memref<128xi32, #tpu.memory_space<hbm>>
    tpu.enqueue_dma source(%dma_start3A_78 : memref<128xi32, #tpu.memory_space<hbm>>) target(%arg9 : memref<128xi32, #tpu.memory_space<vmem>>) target_semaphore(%arg10 : memref<!tpu.dma_semaphore, #tpu.memory_space<semaphore_mem>>)
    %dma_wait3A_79 = arith.constant 1 : i32
    %dma_wait3A_80 = arith.constant 0 : i32
    %dma_wait3A_81 = arith.constant 0 : i32
    %dma_wait3A_82 = arith.constant 0 : i32
    %dma_wait3A_83 = arith.constant 0 : i32
    %dma_wait3A_84 = tpu.memref_slice %arg3[%dma_wait3A_79, %dma_wait3A_81, %dma_wait3A_82, %dma_wait3A_83] : memref<2x32x1x128xi32, #tpu.memory_space<hbm>> -> memref<1x32x1x128xi32, #tpu.memory_space<hbm>>
    %dma_wait3A_85 = tpu.memref_squeeze %dma_wait3A_84 : memref<1x32x1x128xi32, #tpu.memory_space<hbm>> -> memref<32x1x128xi32, #tpu.memory_space<hbm>>
    %dma_wait3A_86 = arith.constant 0 : i32
    %dma_wait3A_87 = arith.constant 0 : i32
    %dma_wait3A_88 = tpu.memref_slice %dma_wait3A_85[%add3A, %dma_wait3A_86, %dma_wait3A_87] : memref<32x1x128xi32, #tpu.memory_space<hbm>> -> memref<1x1x128xi32, #tpu.memory_space<hbm>>
    %dma_wait3A_89 = tpu.memref_squeeze %dma_wait3A_88 : memref<1x1x128xi32, #tpu.memory_space<hbm>> -> memref<1x128xi32, #tpu.memory_space<hbm>>
    %dma_wait3A_90 = arith.constant 0 : i32
    %dma_wait3A_91 = tpu.memref_slice %dma_wait3A_89[%dma_wait3A_80, %dma_wait3A_90] : memref<1x128xi32, #tpu.memory_space<hbm>> -> memref<1x128xi32, #tpu.memory_space<hbm>>
    %dma_wait3A_92 = tpu.memref_squeeze %dma_wait3A_91 : memref<1x128xi32, #tpu.memory_space<hbm>> -> memref<128xi32, #tpu.memory_space<hbm>>
    %dma_wait3A_93 = arith.constant 0 : i32
    %dma_wait3A_94 = arith.constant 0 : i32
    %dma_wait3A_95 = arith.constant 0 : i32
    %dma_wait3A_96 = tpu.memref_slice %arg3[%dma_wait3A_79, %dma_wait3A_93, %dma_wait3A_94, %dma_wait3A_95] : memref<2x32x1x128xi32, #tpu.memory_space<hbm>> -> memref<1x32x1x128xi32, #tpu.memory_space<hbm>>
    %dma_wait3A_97 = tpu.memref_squeeze %dma_wait3A_96 : memref<1x32x1x128xi32, #tpu.memory_space<hbm>> -> memref<32x1x128xi32, #tpu.memory_space<hbm>>
    %dma_wait3A_98 = arith.constant 0 : i32
    %dma_wait3A_99 = arith.constant 0 : i32
    %dma_wait3A_100 = tpu.memref_slice %dma_wait3A_97[%add3A, %dma_wait3A_98, %dma_wait3A_99] : memref<32x1x128xi32, #tpu.memory_space<hbm>> -> memref<1x1x128xi32, #tpu.memory_space<hbm>>
    %dma_wait3A_101 = tpu.memref_squeeze %dma_wait3A_100 : memref<1x1x128xi32, #tpu.memory_space<hbm>> -> memref<1x128xi32, #tpu.memory_space<hbm>>
    %dma_wait3A_102 = arith.constant 0 : i32
    %dma_wait3A_103 = tpu.memref_slice %dma_wait3A_101[%dma_wait3A_80, %dma_wait3A_102] : memref<1x128xi32, #tpu.memory_space<hbm>> -> memref<1x128xi32, #tpu.memory_space<hbm>>
    %dma_wait3A_104 = tpu.memref_squeeze %dma_wait3A_103 : memref<1x128xi32, #tpu.memory_space<hbm>> -> memref<128xi32, #tpu.memory_space<hbm>>
    tpu.wait_dma2 semaphore(%arg10 : memref<!tpu.dma_semaphore, #tpu.memory_space<semaphore_mem>>) src(%dma_wait3A_104 : memref<128xi32, #tpu.memory_space<hbm>>) dst(%arg9 : memref<128xi32, #tpu.memory_space<vmem>>)
    %dma_start3A_105 = arith.constant 0 : i32
    %dma_start3A_106 = tpu.memref_slice %arg8[%dma_start3A_105] : memref<128xi32, #tpu.memory_space<vmem>> -> memref<64xi32, #tpu.memory_space<vmem>>
    %dma_start3A_107 = arith.constant 0 : i32
    %dma_start3A_108 = arith.constant 0 : i32
    %dma_start3A_109 = tpu.memref_slice %arg2[%dma_start3A_107, %dma_start3A_108] : memref<9984x512xi32, #tpu.memory_space<hbm>> -> memref<9984x512xi32, #tpu.memory_space<hbm>>
    tpu.enqueue_indirect_dma source(%dma_start3A_109 : memref<9984x512xi32, #tpu.memory_space<hbm>>) target(%arg6 : memref<64x512xi32, #tpu.memory_space<vmem>>) offsets(%dma_start3A_106 : memref<64xi32, #tpu.memory_space<vmem>>) semaphore(%arg10 : memref<!tpu.dma_semaphore, #tpu.memory_space<semaphore_mem>>)
    %dma_wait3A_110 = arith.constant 0 : i32
    %dma_wait3A_111 = tpu.memref_slice %arg8[%dma_wait3A_110] : memref<128xi32, #tpu.memory_space<vmem>> -> memref<64xi32, #tpu.memory_space<vmem>>
    %dma_wait3A_112 = arith.constant 0 : i32
    %dma_wait3A_113 = arith.constant 0 : i32
    %dma_wait3A_114 = tpu.memref_slice %arg2[%dma_wait3A_112, %dma_wait3A_113] : memref<9984x512xi32, #tpu.memory_space<hbm>> -> memref<9984x512xi32, #tpu.memory_space<hbm>>
    tpu.wait_indirect_dma semaphore(%arg10 : memref<!tpu.dma_semaphore, #tpu.memory_space<semaphore_mem>>) src(%dma_wait3A_114 : memref<9984x512xi32, #tpu.memory_space<hbm>>) dst(%arg6 : memref<64x512xi32, #tpu.memory_space<vmem>>)
    %dma_start3A_115 = arith.constant 64 : i32
    %dma_start3A_116 = tpu.memref_slice %arg8[%dma_start3A_115] : memref<128xi32, #tpu.memory_space<vmem>> -> memref<64xi32, #tpu.memory_space<vmem>>
    %dma_start3A_117 = arith.constant 0 : i32
    %dma_start3A_118 = arith.constant 0 : i32
    %dma_start3A_119 = tpu.memref_slice %arg2[%dma_start3A_117, %dma_start3A_118] : memref<9984x512xi32, #tpu.memory_space<hbm>> -> memref<9984x512xi32, #tpu.memory_space<hbm>>
    tpu.enqueue_indirect_dma source(%dma_start3A_119 : memref<9984x512xi32, #tpu.memory_space<hbm>>) target(%arg7 : memref<64x512xi32, #tpu.memory_space<vmem>>) offsets(%dma_start3A_116 : memref<64xi32, #tpu.memory_space<vmem>>) semaphore(%arg11 : memref<!tpu.dma_semaphore, #tpu.memory_space<semaphore_mem>>)
    %add3A_120 = arith.constant 0 : i32
    %add3A_121 = arith.addi %mul3A_2, %add3A_120 : i32
    "tpu.region"() ({
      %run_scoped3A = tpu.sem_alloc : memref<!tpu.dma_semaphore, #tpu.memory_space<semaphore_mem>>
      %dma_start3A_153 = arith.constant 0 : i32
      %dma_start3A_154 = tpu.memref_slice %arg4[%add3A_121, %dma_start3A_153] : memref<4096x512xi32, #tpu.memory_space<hbm>> -> memref<64x512xi32, #tpu.memory_space<hbm>>
      %dma_start3A_155 = arith.constant 0 : i32
      %dma_start3A_156 = tpu.memref_slice %arg4[%add3A_121, %dma_start3A_155] : memref<4096x512xi32, #tpu.memory_space<hbm>> -> memref<64x512xi32, #tpu.memory_space<hbm>>
      tpu.enqueue_dma source(%arg6 : memref<64x512xi32, #tpu.memory_space<vmem>>) target(%dma_start3A_156 : memref<64x512xi32, #tpu.memory_space<hbm>>) target_semaphore(%run_scoped3A : memref<!tpu.dma_semaphore, #tpu.memory_space<semaphore_mem>>)
      %dma_wait3A_157 = arith.constant 0 : i32
      %dma_wait3A_158 = tpu.memref_slice %arg4[%add3A_121, %dma_wait3A_157] : memref<4096x512xi32, #tpu.memory_space<hbm>> -> memref<64x512xi32, #tpu.memory_space<hbm>>
      %dma_wait3A_159 = arith.constant 0 : i32
      %dma_wait3A_160 = tpu.memref_slice %arg4[%add3A_121, %dma_wait3A_159] : memref<4096x512xi32, #tpu.memory_space<hbm>> -> memref<64x512xi32, #tpu.memory_space<hbm>>
      tpu.wait_dma2 semaphore(%run_scoped3A : memref<!tpu.dma_semaphore, #tpu.memory_space<semaphore_mem>>) src(%arg6 : memref<64x512xi32, #tpu.memory_space<vmem>>) dst(%dma_wait3A_160 : memref<64x512xi32, #tpu.memory_space<hbm>>)
      tpu.yield
    }) : () -> ()
    %dma_wait3A_122 = arith.constant 64 : i32
    %dma_wait3A_123 = tpu.memref_slice %arg8[%dma_wait3A_122] : memref<128xi32, #tpu.memory_space<vmem>> -> memref<64xi32, #tpu.memory_space<vmem>>
    %dma_wait3A_124 = arith.constant 0 : i32
    %dma_wait3A_125 = arith.constant 0 : i32
    %dma_wait3A_126 = tpu.memref_slice %arg2[%dma_wait3A_124, %dma_wait3A_125] : memref<9984x512xi32, #tpu.memory_space<hbm>> -> memref<9984x512xi32, #tpu.memory_space<hbm>>
    tpu.wait_indirect_dma semaphore(%arg11 : memref<!tpu.dma_semaphore, #tpu.memory_space<semaphore_mem>>) src(%dma_wait3A_126 : memref<9984x512xi32, #tpu.memory_space<hbm>>) dst(%arg7 : memref<64x512xi32, #tpu.memory_space<vmem>>)
    %dma_start3A_127 = arith.constant 0 : i32
    %dma_start3A_128 = tpu.memref_slice %arg9[%dma_start3A_127] : memref<128xi32, #tpu.memory_space<vmem>> -> memref<64xi32, #tpu.memory_space<vmem>>
    %dma_start3A_129 = arith.constant 0 : i32
    %dma_start3A_130 = arith.constant 0 : i32
    %dma_start3A_131 = tpu.memref_slice %arg2[%dma_start3A_129, %dma_start3A_130] : memref<9984x512xi32, #tpu.memory_space<hbm>> -> memref<9984x512xi32, #tpu.memory_space<hbm>>
    tpu.enqueue_indirect_dma source(%dma_start3A_131 : memref<9984x512xi32, #tpu.memory_space<hbm>>) target(%arg6 : memref<64x512xi32, #tpu.memory_space<vmem>>) offsets(%dma_start3A_128 : memref<64xi32, #tpu.memory_space<vmem>>) semaphore(%arg10 : memref<!tpu.dma_semaphore, #tpu.memory_space<semaphore_mem>>)
    %add3A_132 = arith.constant 64 : i32
    %add3A_133 = arith.addi %mul3A_2, %add3A_132 : i32
    "tpu.region"() ({
      %run_scoped3A = tpu.sem_alloc : memref<!tpu.dma_semaphore, #tpu.memory_space<semaphore_mem>>
      %dma_start3A_153 = arith.constant 0 : i32
      %dma_start3A_154 = tpu.memref_slice %arg4[%add3A_133, %dma_start3A_153] : memref<4096x512xi32, #tpu.memory_space<hbm>> -> memref<64x512xi32, #tpu.memory_space<hbm>>
      %dma_start3A_155 = arith.constant 0 : i32
      %dma_start3A_156 = tpu.memref_slice %arg4[%add3A_133, %dma_start3A_155] : memref<4096x512xi32, #tpu.memory_space<hbm>> -> memref<64x512xi32, #tpu.memory_space<hbm>>
      tpu.enqueue_dma source(%arg7 : memref<64x512xi32, #tpu.memory_space<vmem>>) target(%dma_start3A_156 : memref<64x512xi32, #tpu.memory_space<hbm>>) target_semaphore(%run_scoped3A : memref<!tpu.dma_semaphore, #tpu.memory_space<semaphore_mem>>)
      %dma_wait3A_157 = arith.constant 0 : i32
      %dma_wait3A_158 = tpu.memref_slice %arg4[%add3A_133, %dma_wait3A_157] : memref<4096x512xi32, #tpu.memory_space<hbm>> -> memref<64x512xi32, #tpu.memory_space<hbm>>
      %dma_wait3A_159 = arith.constant 0 : i32
      %dma_wait3A_160 = tpu.memref_slice %arg4[%add3A_133, %dma_wait3A_159] : memref<4096x512xi32, #tpu.memory_space<hbm>> -> memref<64x512xi32, #tpu.memory_space<hbm>>
      tpu.wait_dma2 semaphore(%run_scoped3A : memref<!tpu.dma_semaphore, #tpu.memory_space<semaphore_mem>>) src(%arg7 : memref<64x512xi32, #tpu.memory_space<vmem>>) dst(%dma_wait3A_160 : memref<64x512xi32, #tpu.memory_space<hbm>>)
      tpu.yield
    }) : () -> ()
    %dma_wait3A_134 = arith.constant 0 : i32
    %dma_wait3A_135 = tpu.memref_slice %arg9[%dma_wait3A_134] : memref<128xi32, #tpu.memory_space<vmem>> -> memref<64xi32, #tpu.memory_space<vmem>>
    %dma_wait3A_136 = arith.constant 0 : i32
    %dma_wait3A_137 = arith.constant 0 : i32
    %dma_wait3A_138 = tpu.memref_slice %arg2[%dma_wait3A_136, %dma_wait3A_137] : memref<9984x512xi32, #tpu.memory_space<hbm>> -> memref<9984x512xi32, #tpu.memory_space<hbm>>
    tpu.wait_indirect_dma semaphore(%arg10 : memref<!tpu.dma_semaphore, #tpu.memory_space<semaphore_mem>>) src(%dma_wait3A_138 : memref<9984x512xi32, #tpu.memory_space<hbm>>) dst(%arg6 : memref<64x512xi32, #tpu.memory_space<vmem>>)
    %dma_start3A_139 = arith.constant 64 : i32
    %dma_start3A_140 = tpu.memref_slice %arg9[%dma_start3A_139] : memref<128xi32, #tpu.memory_space<vmem>> -> memref<64xi32, #tpu.memory_space<vmem>>
    %dma_start3A_141 = arith.constant 0 : i32
    %dma_start3A_142 = arith.constant 0 : i32
    %dma_start3A_143 = tpu.memref_slice %arg2[%dma_start3A_141, %dma_start3A_142] : memref<9984x512xi32, #tpu.memory_space<hbm>> -> memref<9984x512xi32, #tpu.memory_space<hbm>>
    tpu.enqueue_indirect_dma source(%dma_start3A_143 : memref<9984x512xi32, #tpu.memory_space<hbm>>) target(%arg7 : memref<64x512xi32, #tpu.memory_space<vmem>>) offsets(%dma_start3A_140 : memref<64xi32, #tpu.memory_space<vmem>>) semaphore(%arg11 : memref<!tpu.dma_semaphore, #tpu.memory_space<semaphore_mem>>)
    %add3A_144 = arith.constant 0 : i32
    %add3A_145 = arith.addi %mul3A_2, %add3A_144 : i32
    "tpu.region"() ({
      %run_scoped3A = tpu.sem_alloc : memref<!tpu.dma_semaphore, #tpu.memory_space<semaphore_mem>>
      %dma_start3A_153 = arith.constant 0 : i32
      %dma_start3A_154 = tpu.memref_slice %arg5[%add3A_145, %dma_start3A_153] : memref<4096x512xi32, #tpu.memory_space<hbm>> -> memref<64x512xi32, #tpu.memory_space<hbm>>
      %dma_start3A_155 = arith.constant 0 : i32
      %dma_start3A_156 = tpu.memref_slice %arg5[%add3A_145, %dma_start3A_155] : memref<4096x512xi32, #tpu.memory_space<hbm>> -> memref<64x512xi32, #tpu.memory_space<hbm>>
      tpu.enqueue_dma source(%arg6 : memref<64x512xi32, #tpu.memory_space<vmem>>) target(%dma_start3A_156 : memref<64x512xi32, #tpu.memory_space<hbm>>) target_semaphore(%run_scoped3A : memref<!tpu.dma_semaphore, #tpu.memory_space<semaphore_mem>>)
      %dma_wait3A_157 = arith.constant 0 : i32
      %dma_wait3A_158 = tpu.memref_slice %arg5[%add3A_145, %dma_wait3A_157] : memref<4096x512xi32, #tpu.memory_space<hbm>> -> memref<64x512xi32, #tpu.memory_space<hbm>>
      %dma_wait3A_159 = arith.constant 0 : i32
      %dma_wait3A_160 = tpu.memref_slice %arg5[%add3A_145, %dma_wait3A_159] : memref<4096x512xi32, #tpu.memory_space<hbm>> -> memref<64x512xi32, #tpu.memory_space<hbm>>
      tpu.wait_dma2 semaphore(%run_scoped3A : memref<!tpu.dma_semaphore, #tpu.memory_space<semaphore_mem>>) src(%arg6 : memref<64x512xi32, #tpu.memory_space<vmem>>) dst(%dma_wait3A_160 : memref<64x512xi32, #tpu.memory_space<hbm>>)
      tpu.yield
    }) : () -> ()
    %dma_wait3A_146 = arith.constant 64 : i32
    %dma_wait3A_147 = tpu.memref_slice %arg9[%dma_wait3A_146] : memref<128xi32, #tpu.memory_space<vmem>> -> memref<64xi32, #tpu.memory_space<vmem>>
    %dma_wait3A_148 = arith.constant 0 : i32
    %dma_wait3A_149 = arith.constant 0 : i32
    %dma_wait3A_150 = tpu.memref_slice %arg2[%dma_wait3A_148, %dma_wait3A_149] : memref<9984x512xi32, #tpu.memory_space<hbm>> -> memref<9984x512xi32, #tpu.memory_space<hbm>>
    tpu.wait_indirect_dma semaphore(%arg11 : memref<!tpu.dma_semaphore, #tpu.memory_space<semaphore_mem>>) src(%dma_wait3A_150 : memref<9984x512xi32, #tpu.memory_space<hbm>>) dst(%arg7 : memref<64x512xi32, #tpu.memory_space<vmem>>)
    %add3A_151 = arith.constant 64 : i32
    %add3A_152 = arith.addi %mul3A_2, %add3A_151 : i32
    "tpu.region"() ({
      %run_scoped3A = tpu.sem_alloc : memref<!tpu.dma_semaphore, #tpu.memory_space<semaphore_mem>>
      %dma_start3A_153 = arith.constant 0 : i32
      %dma_start3A_154 = tpu.memref_slice %arg5[%add3A_152, %dma_start3A_153] : memref<4096x512xi32, #tpu.memory_space<hbm>> -> memref<64x512xi32, #tpu.memory_space<hbm>>
      %dma_start3A_155 = arith.constant 0 : i32
      %dma_start3A_156 = tpu.memref_slice %arg5[%add3A_152, %dma_start3A_155] : memref<4096x512xi32, #tpu.memory_space<hbm>> -> memref<64x512xi32, #tpu.memory_space<hbm>>
      tpu.enqueue_dma source(%arg7 : memref<64x512xi32, #tpu.memory_space<vmem>>) target(%dma_start3A_156 : memref<64x512xi32, #tpu.memory_space<hbm>>) target_semaphore(%run_scoped3A : memref<!tpu.dma_semaphore, #tpu.memory_space<semaphore_mem>>)
      %dma_wait3A_157 = arith.constant 0 : i32
      %dma_wait3A_158 = tpu.memref_slice %arg5[%add3A_152, %dma_wait3A_157] : memref<4096x512xi32, #tpu.memory_space<hbm>> -> memref<64x512xi32, #tpu.memory_space<hbm>>
      %dma_wait3A_159 = arith.constant 0 : i32
      %dma_wait3A_160 = tpu.memref_slice %arg5[%add3A_152, %dma_wait3A_159] : memref<4096x512xi32, #tpu.memory_space<hbm>> -> memref<64x512xi32, #tpu.memory_space<hbm>>
      tpu.wait_dma2 semaphore(%run_scoped3A : memref<!tpu.dma_semaphore, #tpu.memory_space<semaphore_mem>>) src(%arg7 : memref<64x512xi32, #tpu.memory_space<vmem>>) dst(%dma_wait3A_160 : memref<64x512xi32, #tpu.memory_space<hbm>>)
      tpu.yield
    }) : () -> ()
    return
  }
}

module attributes {stable_mosaic.version = 14 : i64} {
  func.func @_route_body(%arg0: i32, %arg1: memref<512x1024xf32, #tpu.memory_space<vmem>>, %arg2: memref<512x512xf32, #tpu.memory_space<vmem>>, %arg3: memref<8x1024xf32, #tpu.memory_space<vmem>>, %arg4: memref<1x8xf32, #tpu.memory_space<vmem>>, %arg5: memref<4096x2xi32, #tpu.memory_space<vmem>>, %arg6: memref<512x2xf32, #tpu.memory_space<vmem>>, %arg7: memref<1x128xi32, #tpu.memory_space<vmem>>, %arg8: memref<1x1xi32, #tpu.memory_space<vmem>>, %arg9: memref<512x512xi32, #tpu.memory_space<vmem>>, %arg10: memref<512x256xi32, #tpu.memory_space<vmem>>, %arg11: memref<4096x2xi32, #tpu.memory_space<vmem>>, %arg12: memref<1x8xi32, #tpu.memory_space<vmem>>) attributes {dimension_semantics = [#tpu.dimension_semantics<arbitrary>], iteration_bounds = array<i64: 8>, scalar_prefetch = 0 : i64, scratch_operands = 2 : i64, tpu.core_type = #tpu.core_type<tc>, window_params = [{transform_indices = @transform_0, window_bounds = array<i64: 512, 1024>}, {transform_indices = @transform_1, window_bounds = array<i64: 512, 512>}, {pipeline_mode = #tpu.pipeline_mode<synchronous>, transform_indices = @transform_2, window_bounds = array<i64: 8, 1024>}, {pipeline_mode = #tpu.pipeline_mode<synchronous>, transform_indices = @transform_3, window_bounds = array<i64: 1, 8>}, {pipeline_mode = #tpu.pipeline_mode<synchronous>, transform_indices = @transform_4, window_bounds = array<i64: 4096, 2>}, {transform_indices = @transform_5, window_bounds = array<i64: 512, 2>}, {pipeline_mode = #tpu.pipeline_mode<synchronous>, transform_indices = @transform_6, window_bounds = array<i64: 1, 128>}, {pipeline_mode = #tpu.pipeline_mode<synchronous>, transform_indices = @transform_7, window_bounds = array<i64: 1, 1>}, {transform_indices = @transform_8, window_bounds = array<i64: 512, 512>}, {transform_indices = @transform_9, window_bounds = array<i64: 512, 256>}]} {
    %eq3A = arith.constant 0 : i32
    %eq3A_0 = arith.cmpi eq, %arg0, %eq3A : i32
    %convert_element_type3A = arith.extui %eq3A_0 : i1 to i32
    %cond3A = arith.constant 0 : i32
    %cond3A_1 = arith.cmpi ne, %convert_element_type3A, %cond3A : i32
    scf.if %cond3A_1 {
      %broadcast_in_dim3A_157 = arith.constant 0 : i32
      %broadcast_in_dim3A_158 = vector.broadcast %broadcast_in_dim3A_157 : i32 to vector<1x8xi32>
      %swap3A_159 = arith.constant 0 : index
      %swap3A_160 = arith.constant 0 : index
      %swap3A_161 = vector.load %arg12[%swap3A_159, %swap3A_160] : memref<1x8xi32, #tpu.memory_space<vmem>>, vector<1x8xi32>
      tpu.vector_store %arg12[%swap3A_159, %swap3A_160], %broadcast_in_dim3A_158 {strides = array<i32>} : memref<1x8xi32, #tpu.memory_space<vmem>>, vector<1x8xi32>,
    } else {
    }
    %get3A = arith.constant 0 : index
    %get3A_2 = arith.constant 0 : index
    %get3A_3 = vector.load %arg1[%get3A, %get3A_2] : memref<512x1024xf32, #tpu.memory_space<vmem>>, vector<512x1024xf32>
    %convert_element_type3A_4 = arith.truncf %get3A_3 : vector<512x1024xf32> to vector<512x1024xbf16>
    %convert_element_type3A_5 = arith.extf %convert_element_type3A_4 : vector<512x1024xbf16> to vector<512x1024xf32>
    %bitcast_convert_type3A = tpu.bitcast %convert_element_type3A_5 : vector<512x1024xf32> -> vector<512x1024xi32>
    %slice3A = vector.extract_strided_slice %bitcast_convert_type3A {offsets = [0, 0], sizes = [512, 512], strides = [1, 1]} : vector<512x1024xi32> to vector<512x512xi32>
    %slice3A_6 = vector.extract_strided_slice %bitcast_convert_type3A {offsets = [0, 512], sizes = [512, 512], strides = [1, 1]} : vector<512x1024xi32> to vector<512x512xi32>
    %shift_right_logical3A = arith.constant 16 : i32
    %shift_right_logical3A_7 = vector.broadcast %shift_right_logical3A : i32 to vector<512x512xi32>
    %shift_right_logical3A_8 = arith.shrui %slice3A_6, %shift_right_logical3A_7 : vector<512x512xi32>
    %or3A = arith.ori %slice3A, %shift_right_logical3A_8 : vector<512x512xi32>
    %swap3A = arith.constant 0 : index
    %swap3A_9 = arith.constant 0 : index
    %swap3A_10 = vector.load %arg9[%swap3A, %swap3A_9] : memref<512x512xi32, #tpu.memory_space<vmem>>, vector<512x512xi32>
    tpu.vector_store %arg9[%swap3A, %swap3A_9], %or3A {strides = array<i32>} : memref<512x512xi32, #tpu.memory_space<vmem>>, vector<512x512xi32>,
    %get3A_11 = arith.constant 0 : index
    %get3A_12 = arith.constant 0 : index
    %get3A_13 = vector.load %arg2[%get3A_11, %get3A_12] : memref<512x512xf32, #tpu.memory_space<vmem>>, vector<512x512xf32>
    %convert_element_type3A_14 = arith.truncf %get3A_13 : vector<512x512xf32> to vector<512x512xbf16>
    %convert_element_type3A_15 = arith.extf %convert_element_type3A_14 : vector<512x512xbf16> to vector<512x512xf32>
    %bitcast_convert_type3A_16 = tpu.bitcast %convert_element_type3A_15 : vector<512x512xf32> -> vector<512x512xi32>
    %slice3A_17 = vector.extract_strided_slice %bitcast_convert_type3A_16 {offsets = [0, 0], sizes = [512, 256], strides = [1, 1]} : vector<512x512xi32> to vector<512x256xi32>
    %slice3A_18 = vector.extract_strided_slice %bitcast_convert_type3A_16 {offsets = [0, 256], sizes = [512, 256], strides = [1, 1]} : vector<512x512xi32> to vector<512x256xi32>
    %shift_right_logical3A_19 = arith.constant 16 : i32
    %shift_right_logical3A_20 = vector.broadcast %shift_right_logical3A_19 : i32 to vector<512x256xi32>
    %shift_right_logical3A_21 = arith.shrui %slice3A_18, %shift_right_logical3A_20 : vector<512x256xi32>
    %or3A_22 = arith.ori %slice3A_17, %shift_right_logical3A_21 : vector<512x256xi32>
    %swap3A_23 = arith.constant 0 : index
    %swap3A_24 = arith.constant 0 : index
    %swap3A_25 = vector.load %arg10[%swap3A_23, %swap3A_24] : memref<512x256xi32, #tpu.memory_space<vmem>>, vector<512x256xi32>
    tpu.vector_store %arg10[%swap3A_23, %swap3A_24], %or3A_22 {strides = array<i32>} : memref<512x256xi32, #tpu.memory_space<vmem>>, vector<512x256xi32>,
    %get3A_26 = arith.constant 0 : index
    %get3A_27 = arith.constant 0 : index
    %get3A_28 = vector.load %arg3[%get3A_26, %get3A_27] : memref<8x1024xf32, #tpu.memory_space<vmem>>, vector<8x1024xf32>
    %dot_general3A = arith.constant dense<0.000000e+00> : vector<512x8xf32>
    %dot_general3A_29 = tpu.matmul %get3A_3, %get3A_28, %dot_general3A {dimension_numbers = #tpu.dot_dimension_numbers<[1], [1], [0], [0], [0, 0, 1, 0], [], []>, transpose_lhs_hint = false} : vector<512x1024xf32>, vector<8x1024xf32>, vector<512x8xf32> -> vector<512x8xf32>
    %get3A_30 = arith.constant 0 : index
    %get3A_31 = arith.constant 0 : index
    %get3A_32 = vector.load %arg4[%get3A_30, %get3A_31] : memref<1x8xf32, #tpu.memory_space<vmem>>, vector<1x8xf32>
    %add3A = vector.broadcast %get3A_32 : vector<1x8xf32> to vector<512x8xf32>
    %add3A_33 = arith.addf %dot_general3A_29, %add3A : vector<512x8xf32>
    %iota3A = tpu.iota {dimensions = array<i32: 1>} : vector<512x8xi32>
    %reduce_max3A = arith.constant dense<0xFF800000> : vector<512xf32>
    %reduce_max3A_34 = vector.multi_reduction <maximumf>, %add3A_33, %reduce_max3A [1] : vector<512x8xf32> to vector<512xf32>
    %broadcast_in_dim3A = vector.shape_cast %reduce_max3A_34 : vector<512xf32> to vector<512x1xf32>
    %eq3A_35 = vector.broadcast %broadcast_in_dim3A : vector<512x1xf32> to vector<512x8xf32>
    %eq3A_36 = arith.cmpf oeq, %add3A_33, %eq3A_35 : vector<512x8xf32>
    %jit3A = arith.constant 8 : i32
    %broadcast_in_dim3A_37 = vector.broadcast %jit3A : i32 to vector<512x8xi32>
    %select_n3A = arith.select %eq3A_36, %iota3A, %broadcast_in_dim3A_37 : vector<512x8xi1>, vector<512x8xi32>
    %reduce_min3A = arith.constant dense<2147483647> : vector<512xi32>
    %reduce_min3A_38 = vector.multi_reduction <minsi>, %select_n3A, %reduce_min3A [1] : vector<512x8xi32> to vector<512xi32>
    %broadcast_in_dim3A_39 = vector.shape_cast %reduce_min3A_38 : vector<512xi32> to vector<512x1xi32>
    %eq3A_40 = vector.broadcast %broadcast_in_dim3A_39 : vector<512x1xi32> to vector<512x8xi32>
    %eq3A_41 = arith.cmpi eq, %iota3A, %eq3A_40 : vector<512x8xi32>
    %jit3A_42 = arith.constant 0xFF800000 : f32
    %broadcast_in_dim3A_43 = vector.broadcast %jit3A_42 : f32 to vector<512x8xf32>
    %select_n3A_44 = arith.select %eq3A_41, %broadcast_in_dim3A_43, %add3A_33 : vector<512x8xi1>, vector<512x8xf32>
    %reduce_max3A_45 = arith.constant dense<0xFF800000> : vector<512xf32>
    %reduce_max3A_46 = vector.multi_reduction <maximumf>, %select_n3A_44, %reduce_max3A_45 [1] : vector<512x8xf32> to vector<512xf32>
    %broadcast_in_dim3A_47 = vector.shape_cast %reduce_max3A_46 : vector<512xf32> to vector<512x1xf32>
    %eq3A_48 = vector.broadcast %broadcast_in_dim3A_47 : vector<512x1xf32> to vector<512x8xf32>
    %eq3A_49 = arith.cmpf oeq, %select_n3A_44, %eq3A_48 : vector<512x8xf32>
    %jit3A_50 = arith.constant 8 : i32
    %broadcast_in_dim3A_51 = vector.broadcast %jit3A_50 : i32 to vector<512x8xi32>
    %select_n3A_52 = arith.select %eq3A_49, %iota3A, %broadcast_in_dim3A_51 : vector<512x8xi1>, vector<512x8xi32>
    %reduce_min3A_53 = arith.constant dense<2147483647> : vector<512xi32>
    %reduce_min3A_54 = vector.multi_reduction <minsi>, %select_n3A_52, %reduce_min3A_53 [1] : vector<512x8xi32> to vector<512xi32>
    %broadcast_in_dim3A_55 = vector.shape_cast %reduce_min3A_54 : vector<512xi32> to vector<512x1xi32>
    %sub3A = arith.subf %broadcast_in_dim3A_47, %broadcast_in_dim3A : vector<512x1xf32>
    %exp3A = math.exp %sub3A : vector<512x1xf32>
    %add3A_56 = arith.constant 1.000000e+00 : f32
    %add3A_57 = vector.broadcast %add3A_56 : f32 to vector<512x1xf32>
    %add3A_58 = arith.addf %add3A_57, %exp3A : vector<512x1xf32>
    %div3A = arith.constant 1.000000e+00 : f32
    %div3A_59 = vector.broadcast %div3A : f32 to vector<512x1xf32>
    %div3A_60 = arith.divf %div3A_59, %add3A_58 : vector<512x1xf32>
    %sub3A_61 = arith.constant 1.000000e+00 : f32
    %sub3A_62 = vector.broadcast %sub3A_61 : f32 to vector<512x1xf32>
    %sub3A_63 = arith.subf %sub3A_62, %div3A_60 : vector<512x1xf32>
    %concatenate3A = tpu.concatenate %div3A_60, %sub3A_63 in 1 : vector<512x1xf32>, vector<512x1xf32> -> vector<512x2xf32>
    %swap3A_64 = arith.constant 0 : index
    %swap3A_65 = arith.constant 0 : index
    %swap3A_66 = vector.load %arg6[%swap3A_64, %swap3A_65] : memref<512x2xf32, #tpu.memory_space<vmem>>, vector<512x2xf32>
    tpu.vector_store %arg6[%swap3A_64, %swap3A_65], %concatenate3A {strides = array<i32>} : memref<512x2xf32, #tpu.memory_space<vmem>>, vector<512x2xf32>,
    %eq3A_67 = vector.broadcast %broadcast_in_dim3A_39 : vector<512x1xi32> to vector<512x8xi32>
    %eq3A_68 = arith.cmpi eq, %iota3A, %eq3A_67 : vector<512x8xi32>
    %convert_element_type3A_69 = arith.extui %eq3A_68 : vector<512x8xi1> to vector<512x8xi32>
    %eq3A_70 = vector.broadcast %broadcast_in_dim3A_55 : vector<512x1xi32> to vector<512x8xi32>
    %eq3A_71 = arith.cmpi eq, %iota3A, %eq3A_70 : vector<512x8xi32>
    %convert_element_type3A_72 = arith.extui %eq3A_71 : vector<512x8xi1> to vector<512x8xi32>
    %add3A_73 = arith.addi %convert_element_type3A_69, %convert_element_type3A_72 : vector<512x8xi32>
    %broadcast_in_dim3A_74 = arith.constant 0 : i32
    %broadcast_in_dim3A_75 = vector.broadcast %broadcast_in_dim3A_74 : i32 to vector<1x8xi32>
    %slice3A_76 = vector.extract_strided_slice %add3A_73 {offsets = [0, 0], sizes = [511, 8], strides = [1, 1]} : vector<512x8xi32> to vector<511x8xi32>
    %concatenate3A_77 = tpu.concatenate %broadcast_in_dim3A_75, %slice3A_76 in 0 : vector<1x8xi32>, vector<511x8xi32> -> vector<512x8xi32>
    %add3A_78 = arith.addi %add3A_73, %concatenate3A_77 : vector<512x8xi32>
    %broadcast_in_dim3A_79 = arith.constant 0 : i32
    %broadcast_in_dim3A_80 = vector.broadcast %broadcast_in_dim3A_79 : i32 to vector<2x8xi32>
    %slice3A_81 = vector.extract_strided_slice %add3A_78 {offsets = [0, 0], sizes = [510, 8], strides = [1, 1]} : vector<512x8xi32> to vector<510x8xi32>
    %concatenate3A_82 = tpu.concatenate %broadcast_in_dim3A_80, %slice3A_81 in 0 : vector<2x8xi32>, vector<510x8xi32> -> vector<512x8xi32>
    %add3A_83 = arith.addi %add3A_78, %concatenate3A_82 : vector<512x8xi32>
    %broadcast_in_dim3A_84 = arith.constant 0 : i32
    %broadcast_in_dim3A_85 = vector.broadcast %broadcast_in_dim3A_84 : i32 to vector<4x8xi32>
    %slice3A_86 = vector.extract_strided_slice %add3A_83 {offsets = [0, 0], sizes = [508, 8], strides = [1, 1]} : vector<512x8xi32> to vector<508x8xi32>
    %concatenate3A_87 = tpu.concatenate %broadcast_in_dim3A_85, %slice3A_86 in 0 : vector<4x8xi32>, vector<508x8xi32> -> vector<512x8xi32>
    %add3A_88 = arith.addi %add3A_83, %concatenate3A_87 : vector<512x8xi32>
    %broadcast_in_dim3A_89 = arith.constant 0 : i32
    %broadcast_in_dim3A_90 = vector.broadcast %broadcast_in_dim3A_89 : i32 to vector<8x8xi32>
    %slice3A_91 = vector.extract_strided_slice %add3A_88 {offsets = [0, 0], sizes = [504, 8], strides = [1, 1]} : vector<512x8xi32> to vector<504x8xi32>
    %concatenate3A_92 = tpu.concatenate %broadcast_in_dim3A_90, %slice3A_91 in 0 : vector<8x8xi32>, vector<504x8xi32> -> vector<512x8xi32>
    %add3A_93 = arith.addi %add3A_88, %concatenate3A_92 : vector<512x8xi32>
    %broadcast_in_dim3A_94 = arith.constant 0 : i32
    %broadcast_in_dim3A_95 = vector.broadcast %broadcast_in_dim3A_94 : i32 to vector<16x8xi32>
    %slice3A_96 = vector.extract_strided_slice %add3A_93 {offsets = [0, 0], sizes = [496, 8], strides = [1, 1]} : vector<512x8xi32> to vector<496x8xi32>
    %concatenate3A_97 = tpu.concatenate %broadcast_in_dim3A_95, %slice3A_96 in 0 : vector<16x8xi32>, vector<496x8xi32> -> vector<512x8xi32>
    %add3A_98 = arith.addi %add3A_93, %concatenate3A_97 : vector<512x8xi32>
    %broadcast_in_dim3A_99 = arith.constant 0 : i32
    %broadcast_in_dim3A_100 = vector.broadcast %broadcast_in_dim3A_99 : i32 to vector<32x8xi32>
    %slice3A_101 = vector.extract_strided_slice %add3A_98 {offsets = [0, 0], sizes = [480, 8], strides = [1, 1]} : vector<512x8xi32> to vector<480x8xi32>
    %concatenate3A_102 = tpu.concatenate %broadcast_in_dim3A_100, %slice3A_101 in 0 : vector<32x8xi32>, vector<480x8xi32> -> vector<512x8xi32>
    %add3A_103 = arith.addi %add3A_98, %concatenate3A_102 : vector<512x8xi32>
    %broadcast_in_dim3A_104 = arith.constant 0 : i32
    %broadcast_in_dim3A_105 = vector.broadcast %broadcast_in_dim3A_104 : i32 to vector<64x8xi32>
    %slice3A_106 = vector.extract_strided_slice %add3A_103 {offsets = [0, 0], sizes = [448, 8], strides = [1, 1]} : vector<512x8xi32> to vector<448x8xi32>
    %concatenate3A_107 = tpu.concatenate %broadcast_in_dim3A_105, %slice3A_106 in 0 : vector<64x8xi32>, vector<448x8xi32> -> vector<512x8xi32>
    %add3A_108 = arith.addi %add3A_103, %concatenate3A_107 : vector<512x8xi32>
    %broadcast_in_dim3A_109 = arith.constant 0 : i32
    %broadcast_in_dim3A_110 = vector.broadcast %broadcast_in_dim3A_109 : i32 to vector<128x8xi32>
    %slice3A_111 = vector.extract_strided_slice %add3A_108 {offsets = [0, 0], sizes = [384, 8], strides = [1, 1]} : vector<512x8xi32> to vector<384x8xi32>
    %concatenate3A_112 = tpu.concatenate %broadcast_in_dim3A_110, %slice3A_111 in 0 : vector<128x8xi32>, vector<384x8xi32> -> vector<512x8xi32>
    %add3A_113 = arith.addi %add3A_108, %concatenate3A_112 : vector<512x8xi32>
    %broadcast_in_dim3A_114 = arith.constant 0 : i32
    %broadcast_in_dim3A_115 = vector.broadcast %broadcast_in_dim3A_114 : i32 to vector<256x8xi32>
    %slice3A_116 = vector.extract_strided_slice %add3A_113 {offsets = [0, 0], sizes = [256, 8], strides = [1, 1]} : vector<512x8xi32> to vector<256x8xi32>
    %concatenate3A_117 = tpu.concatenate %broadcast_in_dim3A_115, %slice3A_116 in 0 : vector<256x8xi32>, vector<256x8xi32> -> vector<512x8xi32>
    %add3A_118 = arith.addi %add3A_113, %concatenate3A_117 : vector<512x8xi32>
    %sub3A_119 = arith.subi %add3A_118, %add3A_73 : vector<512x8xi32>
    %get3A_120 = arith.constant 0 : index
    %get3A_121 = arith.constant 0 : index
    %get3A_122 = vector.load %arg12[%get3A_120, %get3A_121] : memref<1x8xi32, #tpu.memory_space<vmem>>, vector<1x8xi32>
    %add3A_123 = vector.broadcast %get3A_122 : vector<1x8xi32> to vector<512x8xi32>
    %add3A_124 = arith.addi %sub3A_119, %add3A_123 : vector<512x8xi32>
    %get3A_125 = arith.constant 0 : index
    %get3A_126 = arith.constant 0 : index
    %get3A_127 = vector.load %arg12[%get3A_125, %get3A_126] : memref<1x8xi32, #tpu.memory_space<vmem>>, vector<1x8xi32>
    %slice3A_128 = vector.extract_strided_slice %add3A_118 {offsets = [511, 0], sizes = [1, 8], strides = [1, 1]} : vector<512x8xi32> to vector<1x8xi32>
    %add3A_129 = arith.addi %get3A_127, %slice3A_128 : vector<1x8xi32>
    %swap3A_130 = arith.constant 0 : index
    %swap3A_131 = arith.constant 0 : index
    %swap3A_132 = vector.load %arg12[%swap3A_130, %swap3A_131] : memref<1x8xi32, #tpu.memory_space<vmem>>, vector<1x8xi32>
    tpu.vector_store %arg12[%swap3A_130, %swap3A_131], %add3A_129 {strides = array<i32>} : memref<1x8xi32, #tpu.memory_space<vmem>>, vector<1x8xi32>,
    %mul3A = arith.muli %convert_element_type3A_69, %add3A_124 : vector<512x8xi32>
    %reduce_sum3A = arith.constant dense<0> : vector<512xi32>
    %reduce_sum3A_133 = vector.multi_reduction <add>, %mul3A, %reduce_sum3A [1] : vector<512x8xi32> to vector<512xi32>
    %broadcast_in_dim3A_134 = vector.shape_cast %reduce_sum3A_133 : vector<512xi32> to vector<512x1xi32>
    %mul3A_135 = arith.muli %convert_element_type3A_72, %add3A_124 : vector<512x8xi32>
    %reduce_sum3A_136 = arith.constant dense<0> : vector<512xi32>
    %reduce_sum3A_137 = vector.multi_reduction <add>, %mul3A_135, %reduce_sum3A_136 [1] : vector<512x8xi32> to vector<512xi32>
    %broadcast_in_dim3A_138 = vector.shape_cast %reduce_sum3A_137 : vector<512xi32> to vector<512x1xi32>
    %shift_left3A = arith.constant 16 : i32
    %shift_left3A_139 = vector.broadcast %shift_left3A : i32 to vector<512x1xi32>
    %shift_left3A_140 = arith.shli %broadcast_in_dim3A_39, %shift_left3A_139 : vector<512x1xi32>
    %or3A_141 = arith.ori %broadcast_in_dim3A_134, %shift_left3A_140 : vector<512x1xi32>
    %shift_left3A_142 = arith.constant 16 : i32
    %shift_left3A_143 = vector.broadcast %shift_left3A_142 : i32 to vector<512x1xi32>
    %shift_left3A_144 = arith.shli %broadcast_in_dim3A_55, %shift_left3A_143 : vector<512x1xi32>
    %or3A_145 = arith.ori %broadcast_in_dim3A_138, %shift_left3A_144 : vector<512x1xi32>
    %concatenate3A_146 = tpu.concatenate %or3A_141, %or3A_145 in 1 : vector<512x1xi32>, vector<512x1xi32> -> vector<512x2xi32>
    %mul3A_147 = arith.constant 512 : i32
    %mul3A_148 = arith.muli %arg0, %mul3A_147 : i32
    %swap3A_149 = arith.index_cast %mul3A_148 : i32 to index
    %swap3A_150 = arith.constant 0 : index
    %swap3A_151 = vector.load %arg11[%swap3A_149, %swap3A_150] : memref<4096x2xi32, #tpu.memory_space<vmem>>, vector<512x2xi32>
    tpu.vector_store %arg11[%swap3A_149, %swap3A_150], %concatenate3A_146 {strides = array<i32>} : memref<4096x2xi32, #tpu.memory_space<vmem>>, vector<512x2xi32>,
    %eq3A_152 = arith.constant 7 : i32
    %eq3A_153 = arith.cmpi eq, %arg0, %eq3A_152 : i32
    %convert_element_type3A_154 = arith.extui %eq3A_153 : i1 to i32
    %cond3A_155 = arith.constant 0 : i32
    %cond3A_156 = arith.cmpi ne, %convert_element_type3A_154, %cond3A_155 : i32
    scf.if %cond3A_156 {
      %get3A_157 = arith.constant 0 : index
      %get3A_158 = arith.constant 0 : index
      %get3A_159 = vector.load %arg12[%get3A_157, %get3A_158] : memref<1x8xi32, #tpu.memory_space<vmem>>, vector<1x8xi32>
      %add3A_160 = arith.constant 255 : i32
      %add3A_161 = vector.broadcast %add3A_160 : i32 to vector<1x8xi32>
      %add3A_162 = arith.addi %get3A_159, %add3A_161 : vector<1x8xi32>
      %jit3A_163 = arith.constant 256 : i32
      %div3A_164 = vector.broadcast %jit3A_163 : i32 to vector<1x8xi32>
      %div3A_165 = arith.divsi %add3A_162, %div3A_164 : vector<1x8xi32>
      %sign3A = arith.constant 0 : i32
      %sign3A_166 = vector.broadcast %sign3A : i32 to vector<1x8xi32>
      %sign3A_167 = arith.cmpi sgt, %add3A_162, %sign3A_166 : vector<1x8xi32>
      %sign3A_168 = arith.extui %sign3A_167 : vector<1x8xi1> to vector<1x8xi32>
      %sign3A_169 = arith.constant 0 : i32
      %sign3A_170 = vector.broadcast %sign3A_169 : i32 to vector<1x8xi32>
      %sign3A_171 = arith.cmpi slt, %add3A_162, %sign3A_170 : vector<1x8xi32>
      %sign3A_172 = arith.extui %sign3A_171 : vector<1x8xi1> to vector<1x8xi32>
      %sign3A_173 = arith.subi %sign3A_168, %sign3A_172 : vector<1x8xi32>
      %sign3A_174 = arith.constant 0 : i32
      %sign3A_175 = arith.cmpi sgt, %jit3A_163, %sign3A_174 : i32
      %sign3A_176 = arith.extui %sign3A_175 : i1 to i32
      %sign3A_177 = arith.constant 0 : i32
      %sign3A_178 = arith.cmpi slt, %jit3A_163, %sign3A_177 : i32
      %sign3A_179 = arith.extui %sign3A_178 : i1 to i32
      %sign3A_180 = arith.subi %sign3A_176, %sign3A_179 : i32
      %ne3A = vector.broadcast %sign3A_180 : i32 to vector<1x8xi32>
      %ne3A_181 = arith.cmpi ne, %sign3A_173, %ne3A : vector<1x8xi32>
      %rem3A = vector.broadcast %jit3A_163 : i32 to vector<1x8xi32>
      %rem3A_182 = arith.remsi %add3A_162, %rem3A : vector<1x8xi32>
      %ne3A_183 = arith.constant 0 : i32
      %ne3A_184 = vector.broadcast %ne3A_183 : i32 to vector<1x8xi32>
      %ne3A_185 = arith.cmpi ne, %rem3A_182, %ne3A_184 : vector<1x8xi32>
      %and3A = arith.andi %ne3A_181, %ne3A_185 : vector<1x8xi1>
      %sub3A_186 = arith.constant 1 : i32
      %sub3A_187 = vector.broadcast %sub3A_186 : i32 to vector<1x8xi32>
      %sub3A_188 = arith.subi %div3A_165, %sub3A_187 : vector<1x8xi32>
      %select_n3A_189 = arith.select %and3A, %sub3A_188, %div3A_165 : vector<1x8xi1>, vector<1x8xi32>
      %mul3A_190 = arith.constant 256 : i32
      %mul3A_191 = vector.broadcast %mul3A_190 : i32 to vector<1x8xi32>
      %mul3A_192 = arith.muli %select_n3A_189, %mul3A_191 : vector<1x8xi32>
      %broadcast_in_dim3A_193 = arith.constant 0 : i32
      %broadcast_in_dim3A_194 = vector.broadcast %broadcast_in_dim3A_193 : i32 to vector<1x1xi32>
      %slice3A_195 = vector.extract_strided_slice %mul3A_192 {offsets = [0, 0], sizes = [1, 7], strides = [1, 1]} : vector<1x8xi32> to vector<1x7xi32>
      %concatenate3A_196 = tpu.concatenate %broadcast_in_dim3A_194, %slice3A_195 in 1 : vector<1x1xi32>, vector<1x7xi32> -> vector<1x8xi32>
      %add3A_197 = arith.addi %mul3A_192, %concatenate3A_196 : vector<1x8xi32>
      %broadcast_in_dim3A_198 = arith.constant 0 : i32
      %broadcast_in_dim3A_199 = vector.broadcast %broadcast_in_dim3A_198 : i32 to vector<1x2xi32>
      %slice3A_200 = vector.extract_strided_slice %add3A_197 {offsets = [0, 0], sizes = [1, 6], strides = [1, 1]} : vector<1x8xi32> to vector<1x6xi32>
      %concatenate3A_201 = tpu.concatenate %broadcast_in_dim3A_199, %slice3A_200 in 1 : vector<1x2xi32>, vector<1x6xi32> -> vector<1x8xi32>
      %add3A_202 = arith.addi %add3A_197, %concatenate3A_201 : vector<1x8xi32>
      %broadcast_in_dim3A_203 = arith.constant 0 : i32
      %broadcast_in_dim3A_204 = vector.broadcast %broadcast_in_dim3A_203 : i32 to vector<1x4xi32>
      %slice3A_205 = vector.extract_strided_slice %add3A_202 {offsets = [0, 0], sizes = [1, 4], strides = [1, 1]} : vector<1x8xi32> to vector<1x4xi32>
      %concatenate3A_206 = tpu.concatenate %broadcast_in_dim3A_204, %slice3A_205 in 1 : vector<1x4xi32>, vector<1x4xi32> -> vector<1x8xi32>
      %add3A_207 = arith.addi %add3A_202, %concatenate3A_206 : vector<1x8xi32>
      %sub3A_208 = arith.subi %add3A_207, %mul3A_192 : vector<1x8xi32>
      %add3A_209 = arith.addi %sub3A_208, %mul3A_192 : vector<1x8xi32>
      %get3A_210 = arith.constant 0 : index
      %get3A_211 = arith.constant 0 : index
      %get3A_212 = vector.load %arg11[%get3A_210, %get3A_211] : memref<4096x2xi32, #tpu.memory_space<vmem>>, vector<4096x2xi32>
      %shift_right_logical3A_213 = arith.constant 16 : i32
      %shift_right_logical3A_214 = vector.broadcast %shift_right_logical3A_213 : i32 to vector<4096x2xi32>
      %shift_right_logical3A_215 = arith.shrui %get3A_212, %shift_right_logical3A_214 : vector<4096x2xi32>
      %and3A_216 = arith.constant 65535 : i32
      %and3A_217 = vector.broadcast %and3A_216 : i32 to vector<4096x2xi32>
      %and3A_218 = arith.andi %get3A_212, %and3A_217 : vector<4096x2xi32>
      %broadcast_in_dim3A_219 = arith.constant 0 : i32
      %broadcast_in_dim3A_220 = vector.broadcast %broadcast_in_dim3A_219 : i32 to vector<4096x2xi32>
      %eq3A_221 = arith.constant 0 : i32
      %eq3A_222 = vector.broadcast %eq3A_221 : i32 to vector<4096x2xi32>
      %eq3A_223 = arith.cmpi eq, %shift_right_logical3A_215, %eq3A_222 : vector<4096x2xi32>
      %slice3A_224 = vector.extract_strided_slice %sub3A_208 {offsets = [0, 0], sizes = [1, 1], strides = [1, 1]} : vector<1x8xi32> to vector<1x1xi32>
      %jit3A_225 = arith.constant 0 : i32
      %broadcast_in_dim3A_226 = vector.shape_cast %slice3A_224 : vector<1x1xi32> to vector<1x1xi32>
      %broadcast_in_dim3A_227 = vector.broadcast %broadcast_in_dim3A_226 : vector<1x1xi32> to vector<4096x2xi32>
      %broadcast_in_dim3A_228 = vector.broadcast %jit3A_225 : i32 to vector<4096x2xi32>
      %select_n3A_229 = arith.select %eq3A_223, %broadcast_in_dim3A_227, %broadcast_in_dim3A_228 : vector<4096x2xi1>, vector<4096x2xi32>
      %add3A_230 = arith.addi %broadcast_in_dim3A_220, %select_n3A_229 : vector<4096x2xi32>
      %eq3A_231 = arith.constant 1 : i32
      %eq3A_232 = vector.broadcast %eq3A_231 : i32 to vector<4096x2xi32>
      %eq3A_233 = arith.cmpi eq, %shift_right_logical3A_215, %eq3A_232 : vector<4096x2xi32>
      %slice3A_234 = vector.extract_strided_slice %sub3A_208 {offsets = [0, 1], sizes = [1, 1], strides = [1, 1]} : vector<1x8xi32> to vector<1x1xi32>
      %jit3A_235 = arith.constant 0 : i32
      %broadcast_in_dim3A_236 = vector.shape_cast %slice3A_234 : vector<1x1xi32> to vector<1x1xi32>
      %broadcast_in_dim3A_237 = vector.broadcast %broadcast_in_dim3A_236 : vector<1x1xi32> to vector<4096x2xi32>
      %broadcast_in_dim3A_238 = vector.broadcast %jit3A_235 : i32 to vector<4096x2xi32>
      %select_n3A_239 = arith.select %eq3A_233, %broadcast_in_dim3A_237, %broadcast_in_dim3A_238 : vector<4096x2xi1>, vector<4096x2xi32>
      %add3A_240 = arith.addi %add3A_230, %select_n3A_239 : vector<4096x2xi32>
      %eq3A_241 = arith.constant 2 : i32
      %eq3A_242 = vector.broadcast %eq3A_241 : i32 to vector<4096x2xi32>
      %eq3A_243 = arith.cmpi eq, %shift_right_logical3A_215, %eq3A_242 : vector<4096x2xi32>
      %slice3A_244 = vector.extract_strided_slice %sub3A_208 {offsets = [0, 2], sizes = [1, 1], strides = [1, 1]} : vector<1x8xi32> to vector<1x1xi32>
      %jit3A_245 = arith.constant 0 : i32
      %broadcast_in_dim3A_246 = vector.shape_cast %slice3A_244 : vector<1x1xi32> to vector<1x1xi32>
      %broadcast_in_dim3A_247 = vector.broadcast %broadcast_in_dim3A_246 : vector<1x1xi32> to vector<4096x2xi32>
      %broadcast_in_dim3A_248 = vector.broadcast %jit3A_245 : i32 to vector<4096x2xi32>
      %select_n3A_249 = arith.select %eq3A_243, %broadcast_in_dim3A_247, %broadcast_in_dim3A_248 : vector<4096x2xi1>, vector<4096x2xi32>
      %add3A_250 = arith.addi %add3A_240, %select_n3A_249 : vector<4096x2xi32>
      %eq3A_251 = arith.constant 3 : i32
      %eq3A_252 = vector.broadcast %eq3A_251 : i32 to vector<4096x2xi32>
      %eq3A_253 = arith.cmpi eq, %shift_right_logical3A_215, %eq3A_252 : vector<4096x2xi32>
      %slice3A_254 = vector.extract_strided_slice %sub3A_208 {offsets = [0, 3], sizes = [1, 1], strides = [1, 1]} : vector<1x8xi32> to vector<1x1xi32>
      %jit3A_255 = arith.constant 0 : i32
      %broadcast_in_dim3A_256 = vector.shape_cast %slice3A_254 : vector<1x1xi32> to vector<1x1xi32>
      %broadcast_in_dim3A_257 = vector.broadcast %broadcast_in_dim3A_256 : vector<1x1xi32> to vector<4096x2xi32>
      %broadcast_in_dim3A_258 = vector.broadcast %jit3A_255 : i32 to vector<4096x2xi32>
      %select_n3A_259 = arith.select %eq3A_253, %broadcast_in_dim3A_257, %broadcast_in_dim3A_258 : vector<4096x2xi1>, vector<4096x2xi32>
      %add3A_260 = arith.addi %add3A_250, %select_n3A_259 : vector<4096x2xi32>
      %eq3A_261 = arith.constant 4 : i32
      %eq3A_262 = vector.broadcast %eq3A_261 : i32 to vector<4096x2xi32>
      %eq3A_263 = arith.cmpi eq, %shift_right_logical3A_215, %eq3A_262 : vector<4096x2xi32>
      %slice3A_264 = vector.extract_strided_slice %sub3A_208 {offsets = [0, 4], sizes = [1, 1], strides = [1, 1]} : vector<1x8xi32> to vector<1x1xi32>
      %jit3A_265 = arith.constant 0 : i32
      %broadcast_in_dim3A_266 = vector.shape_cast %slice3A_264 : vector<1x1xi32> to vector<1x1xi32>
      %broadcast_in_dim3A_267 = vector.broadcast %broadcast_in_dim3A_266 : vector<1x1xi32> to vector<4096x2xi32>
      %broadcast_in_dim3A_268 = vector.broadcast %jit3A_265 : i32 to vector<4096x2xi32>
      %select_n3A_269 = arith.select %eq3A_263, %broadcast_in_dim3A_267, %broadcast_in_dim3A_268 : vector<4096x2xi1>, vector<4096x2xi32>
      %add3A_270 = arith.addi %add3A_260, %select_n3A_269 : vector<4096x2xi32>
      %eq3A_271 = arith.constant 5 : i32
      %eq3A_272 = vector.broadcast %eq3A_271 : i32 to vector<4096x2xi32>
      %eq3A_273 = arith.cmpi eq, %shift_right_logical3A_215, %eq3A_272 : vector<4096x2xi32>
      %slice3A_274 = vector.extract_strided_slice %sub3A_208 {offsets = [0, 5], sizes = [1, 1], strides = [1, 1]} : vector<1x8xi32> to vector<1x1xi32>
      %jit3A_275 = arith.constant 0 : i32
      %broadcast_in_dim3A_276 = vector.shape_cast %slice3A_274 : vector<1x1xi32> to vector<1x1xi32>
      %broadcast_in_dim3A_277 = vector.broadcast %broadcast_in_dim3A_276 : vector<1x1xi32> to vector<4096x2xi32>
      %broadcast_in_dim3A_278 = vector.broadcast %jit3A_275 : i32 to vector<4096x2xi32>
      %select_n3A_279 = arith.select %eq3A_273, %broadcast_in_dim3A_277, %broadcast_in_dim3A_278 : vector<4096x2xi1>, vector<4096x2xi32>
      %add3A_280 = arith.addi %add3A_270, %select_n3A_279 : vector<4096x2xi32>
      %eq3A_281 = arith.constant 6 : i32
      %eq3A_282 = vector.broadcast %eq3A_281 : i32 to vector<4096x2xi32>
      %eq3A_283 = arith.cmpi eq, %shift_right_logical3A_215, %eq3A_282 : vector<4096x2xi32>
      %slice3A_284 = vector.extract_strided_slice %sub3A_208 {offsets = [0, 6], sizes = [1, 1], strides = [1, 1]} : vector<1x8xi32> to vector<1x1xi32>
      %jit3A_285 = arith.constant 0 : i32
      %broadcast_in_dim3A_286 = vector.shape_cast %slice3A_284 : vector<1x1xi32> to vector<1x1xi32>
      %broadcast_in_dim3A_287 = vector.broadcast %broadcast_in_dim3A_286 : vector<1x1xi32> to vector<4096x2xi32>
      %broadcast_in_dim3A_288 = vector.broadcast %jit3A_285 : i32 to vector<4096x2xi32>
      %select_n3A_289 = arith.select %eq3A_283, %broadcast_in_dim3A_287, %broadcast_in_dim3A_288 : vector<4096x2xi1>, vector<4096x2xi32>
      %add3A_290 = arith.addi %add3A_280, %select_n3A_289 : vector<4096x2xi32>
      %eq3A_291 = arith.constant 7 : i32
      %eq3A_292 = vector.broadcast %eq3A_291 : i32 to vector<4096x2xi32>
      %eq3A_293 = arith.cmpi eq, %shift_right_logical3A_215, %eq3A_292 : vector<4096x2xi32>
      %slice3A_294 = vector.extract_strided_slice %sub3A_208 {offsets = [0, 7], sizes = [1, 1], strides = [1, 1]} : vector<1x8xi32> to vector<1x1xi32>
      %jit3A_295 = arith.constant 0 : i32
      %broadcast_in_dim3A_296 = vector.shape_cast %slice3A_294 : vector<1x1xi32> to vector<1x1xi32>
      %broadcast_in_dim3A_297 = vector.broadcast %broadcast_in_dim3A_296 : vector<1x1xi32> to vector<4096x2xi32>
      %broadcast_in_dim3A_298 = vector.broadcast %jit3A_295 : i32 to vector<4096x2xi32>
      %select_n3A_299 = arith.select %eq3A_293, %broadcast_in_dim3A_297, %broadcast_in_dim3A_298 : vector<4096x2xi1>, vector<4096x2xi32>
      %add3A_300 = arith.addi %add3A_290, %select_n3A_299 : vector<4096x2xi32>
      %add3A_301 = arith.addi %and3A_218, %add3A_300 : vector<4096x2xi32>
      %swap3A_302 = arith.constant 0 : index
      %swap3A_303 = arith.constant 0 : index
      %swap3A_304 = vector.load %arg5[%swap3A_302, %swap3A_303] : memref<4096x2xi32, #tpu.memory_space<vmem>>, vector<4096x2xi32>
      tpu.vector_store %arg5[%swap3A_302, %swap3A_303], %add3A_301 {strides = array<i32>} : memref<4096x2xi32, #tpu.memory_space<vmem>>, vector<4096x2xi32>,
      %iota3A_305 = tpu.iota {dimensions = array<i32: 1>} : vector<1x128xi32>
      %mul3A_306 = arith.constant 256 : i32
      %mul3A_307 = vector.broadcast %mul3A_306 : i32 to vector<1x128xi32>
      %mul3A_308 = arith.muli %iota3A_305, %mul3A_307 : vector<1x128xi32>
      %broadcast_in_dim3A_309 = arith.constant 0 : i32
      %broadcast_in_dim3A_310 = vector.broadcast %broadcast_in_dim3A_309 : i32 to vector<1x128xi32>
      %slice3A_311 = vector.extract_strided_slice %add3A_209 {offsets = [0, 0], sizes = [1, 1], strides = [1, 1]} : vector<1x8xi32> to vector<1x1xi32>
      %ge3A = vector.broadcast %slice3A_311 : vector<1x1xi32> to vector<1x128xi32>
      %ge3A_312 = arith.cmpi sge, %mul3A_308, %ge3A : vector<1x128xi32>
      %convert_element_type3A_313 = arith.extui %ge3A_312 : vector<1x128xi1> to vector<1x128xi32>
      %add3A_314 = arith.addi %broadcast_in_dim3A_310, %convert_element_type3A_313 : vector<1x128xi32>
      %slice3A_315 = vector.extract_strided_slice %add3A_209 {offsets = [0, 1], sizes = [1, 1], strides = [1, 1]} : vector<1x8xi32> to vector<1x1xi32>
      %ge3A_316 = vector.broadcast %slice3A_315 : vector<1x1xi32> to vector<1x128xi32>
      %ge3A_317 = arith.cmpi sge, %mul3A_308, %ge3A_316 : vector<1x128xi32>
      %convert_element_type3A_318 = arith.extui %ge3A_317 : vector<1x128xi1> to vector<1x128xi32>
      %add3A_319 = arith.addi %add3A_314, %convert_element_type3A_318 : vector<1x128xi32>
      %slice3A_320 = vector.extract_strided_slice %add3A_209 {offsets = [0, 2], sizes = [1, 1], strides = [1, 1]} : vector<1x8xi32> to vector<1x1xi32>
      %ge3A_321 = vector.broadcast %slice3A_320 : vector<1x1xi32> to vector<1x128xi32>
      %ge3A_322 = arith.cmpi sge, %mul3A_308, %ge3A_321 : vector<1x128xi32>
      %convert_element_type3A_323 = arith.extui %ge3A_322 : vector<1x128xi1> to vector<1x128xi32>
      %add3A_324 = arith.addi %add3A_319, %convert_element_type3A_323 : vector<1x128xi32>
      %slice3A_325 = vector.extract_strided_slice %add3A_209 {offsets = [0, 3], sizes = [1, 1], strides = [1, 1]} : vector<1x8xi32> to vector<1x1xi32>
      %ge3A_326 = vector.broadcast %slice3A_325 : vector<1x1xi32> to vector<1x128xi32>
      %ge3A_327 = arith.cmpi sge, %mul3A_308, %ge3A_326 : vector<1x128xi32>
      %convert_element_type3A_328 = arith.extui %ge3A_327 : vector<1x128xi1> to vector<1x128xi32>
      %add3A_329 = arith.addi %add3A_324, %convert_element_type3A_328 : vector<1x128xi32>
      %slice3A_330 = vector.extract_strided_slice %add3A_209 {offsets = [0, 4], sizes = [1, 1], strides = [1, 1]} : vector<1x8xi32> to vector<1x1xi32>
      %ge3A_331 = vector.broadcast %slice3A_330 : vector<1x1xi32> to vector<1x128xi32>
      %ge3A_332 = arith.cmpi sge, %mul3A_308, %ge3A_331 : vector<1x128xi32>
      %convert_element_type3A_333 = arith.extui %ge3A_332 : vector<1x128xi1> to vector<1x128xi32>
      %add3A_334 = arith.addi %add3A_329, %convert_element_type3A_333 : vector<1x128xi32>
      %slice3A_335 = vector.extract_strided_slice %add3A_209 {offsets = [0, 5], sizes = [1, 1], strides = [1, 1]} : vector<1x8xi32> to vector<1x1xi32>
      %ge3A_336 = vector.broadcast %slice3A_335 : vector<1x1xi32> to vector<1x128xi32>
      %ge3A_337 = arith.cmpi sge, %mul3A_308, %ge3A_336 : vector<1x128xi32>
      %convert_element_type3A_338 = arith.extui %ge3A_337 : vector<1x128xi1> to vector<1x128xi32>
      %add3A_339 = arith.addi %add3A_334, %convert_element_type3A_338 : vector<1x128xi32>
      %slice3A_340 = vector.extract_strided_slice %add3A_209 {offsets = [0, 6], sizes = [1, 1], strides = [1, 1]} : vector<1x8xi32> to vector<1x1xi32>
      %ge3A_341 = vector.broadcast %slice3A_340 : vector<1x1xi32> to vector<1x128xi32>
      %ge3A_342 = arith.cmpi sge, %mul3A_308, %ge3A_341 : vector<1x128xi32>
      %convert_element_type3A_343 = arith.extui %ge3A_342 : vector<1x128xi1> to vector<1x128xi32>
      %add3A_344 = arith.addi %add3A_339, %convert_element_type3A_343 : vector<1x128xi32>
      %slice3A_345 = vector.extract_strided_slice %add3A_209 {offsets = [0, 7], sizes = [1, 1], strides = [1, 1]} : vector<1x8xi32> to vector<1x1xi32>
      %ge3A_346 = vector.broadcast %slice3A_345 : vector<1x1xi32> to vector<1x128xi32>
      %ge3A_347 = arith.cmpi sge, %mul3A_308, %ge3A_346 : vector<1x128xi32>
      %convert_element_type3A_348 = arith.extui %ge3A_347 : vector<1x128xi1> to vector<1x128xi32>
      %add3A_349 = arith.addi %add3A_344, %convert_element_type3A_348 : vector<1x128xi32>
      %min3A = arith.constant 7 : i32
      %min3A_350 = vector.broadcast %min3A : i32 to vector<1x128xi32>
      %min3A_351 = arith.minsi %add3A_349, %min3A_350 : vector<1x128xi32>
      %swap3A_352 = arith.constant 0 : index
      %swap3A_353 = arith.constant 0 : index
      %swap3A_354 = vector.load %arg7[%swap3A_352, %swap3A_353] : memref<1x128xi32, #tpu.memory_space<vmem>>, vector<1x128xi32>
      tpu.vector_store %arg7[%swap3A_352, %swap3A_353], %min3A_351 {strides = array<i32>} : memref<1x128xi32, #tpu.memory_space<vmem>>, vector<1x128xi32>,
      %slice3A_355 = vector.extract_strided_slice %add3A_209 {offsets = [0, 7], sizes = [1, 1], strides = [1, 1]} : vector<1x8xi32> to vector<1x1xi32>
      %jit3A_356 = arith.constant 256 : i32
      %div3A_357 = vector.broadcast %jit3A_356 : i32 to vector<1x1xi32>
      %div3A_358 = arith.divsi %slice3A_355, %div3A_357 : vector<1x1xi32>
      %sign3A_359 = arith.constant 0 : i32
      %sign3A_360 = vector.broadcast %sign3A_359 : i32 to vector<1x1xi32>
      %sign3A_361 = arith.cmpi sgt, %slice3A_355, %sign3A_360 : vector<1x1xi32>
      %sign3A_362 = arith.extui %sign3A_361 : vector<1x1xi1> to vector<1x1xi32>
      %sign3A_363 = arith.constant 0 : i32
      %sign3A_364 = vector.broadcast %sign3A_363 : i32 to vector<1x1xi32>
      %sign3A_365 = arith.cmpi slt, %slice3A_355, %sign3A_364 : vector<1x1xi32>
      %sign3A_366 = arith.extui %sign3A_365 : vector<1x1xi1> to vector<1x1xi32>
      %sign3A_367 = arith.subi %sign3A_362, %sign3A_366 : vector<1x1xi32>
      %sign3A_368 = arith.constant 0 : i32
      %sign3A_369 = arith.cmpi sgt, %jit3A_356, %sign3A_368 : i32
      %sign3A_370 = arith.extui %sign3A_369 : i1 to i32
      %sign3A_371 = arith.constant 0 : i32
      %sign3A_372 = arith.cmpi slt, %jit3A_356, %sign3A_371 : i32
      %sign3A_373 = arith.extui %sign3A_372 : i1 to i32
      %sign3A_374 = arith.subi %sign3A_370, %sign3A_373 : i32
      %ne3A_375 = vector.broadcast %sign3A_374 : i32 to vector<1x1xi32>
      %ne3A_376 = arith.cmpi ne, %sign3A_367, %ne3A_375 : vector<1x1xi32>
      %rem3A_377 = vector.broadcast %jit3A_356 : i32 to vector<1x1xi32>
      %rem3A_378 = arith.remsi %slice3A_355, %rem3A_377 : vector<1x1xi32>
      %ne3A_379 = arith.constant 0 : i32
      %ne3A_380 = vector.broadcast %ne3A_379 : i32 to vector<1x1xi32>
      %ne3A_381 = arith.cmpi ne, %rem3A_378, %ne3A_380 : vector<1x1xi32>
      %and3A_382 = arith.andi %ne3A_376, %ne3A_381 : vector<1x1xi1>
      %sub3A_383 = arith.constant 1 : i32
      %sub3A_384 = vector.broadcast %sub3A_383 : i32 to vector<1x1xi32>
      %sub3A_385 = arith.subi %div3A_358, %sub3A_384 : vector<1x1xi32>
      %select_n3A_386 = arith.select %and3A_382, %sub3A_385, %div3A_358 : vector<1x1xi1>, vector<1x1xi32>
      %swap3A_387 = arith.constant 0 : index
      %swap3A_388 = arith.constant 0 : index
      %swap3A_389 = vector.load %arg8[%swap3A_387, %swap3A_388] : memref<1x1xi32, #tpu.memory_space<vmem>>, vector<1x1xi32>
      tpu.vector_store %arg8[%swap3A_387, %swap3A_388], %select_n3A_386 {strides = array<i32>} : memref<1x1xi32, #tpu.memory_space<vmem>>, vector<1x1xi32>,
    } else {
    }
    return
  }
  func.func @transform_0(%arg0: i32) -> (i32, i32) {
    %c0_i32 = arith.constant 0 : i32
    %c0_i32_0 = arith.constant 0 : i32
    return %arg0, %c0_i32 : i32, i32
  }
  func.func @transform_1(%arg0: i32) -> (i32, i32) {
    %c0_i32 = arith.constant 0 : i32
    %c0_i32_0 = arith.constant 0 : i32
    return %arg0, %c0_i32 : i32, i32
  }
  func.func @transform_2(%arg0: i32) -> (i32, i32) {
    %c0_i32 = arith.constant 0 : i32
    %c0_i32_0 = arith.constant 0 : i32
    %c0_i32_1 = arith.constant 0 : i32
    return %c0_i32, %c0_i32_0 : i32, i32
  }
  func.func @transform_3(%arg0: i32) -> (i32, i32) {
    %c0_i32 = arith.constant 0 : i32
    %c0_i32_0 = arith.constant 0 : i32
    %c0_i32_1 = arith.constant 0 : i32
    return %c0_i32, %c0_i32_0 : i32, i32
  }
  func.func @transform_4(%arg0: i32) -> (i32, i32) {
    %c0_i32 = arith.constant 0 : i32
    %c0_i32_0 = arith.constant 0 : i32
    %c0_i32_1 = arith.constant 0 : i32
    return %c0_i32, %c0_i32_0 : i32, i32
  }
  func.func @transform_5(%arg0: i32) -> (i32, i32) {
    %c0_i32 = arith.constant 0 : i32
    %c0_i32_0 = arith.constant 0 : i32
    return %arg0, %c0_i32 : i32, i32
  }
  func.func @transform_6(%arg0: i32) -> (i32, i32) {
    %c0_i32 = arith.constant 0 : i32
    %c0_i32_0 = arith.constant 0 : i32
    %c0_i32_1 = arith.constant 0 : i32
    return %c0_i32, %c0_i32_0 : i32, i32
  }
  func.func @transform_7(%arg0: i32) -> (i32, i32) {
    %c0_i32 = arith.constant 0 : i32
    %c0_i32_0 = arith.constant 0 : i32
    %c0_i32_1 = arith.constant 0 : i32
    return %c0_i32, %c0_i32_0 : i32, i32
  }
  func.func @transform_8(%arg0: i32) -> (i32, i32) {
    %c0_i32 = arith.constant 0 : i32
    %c0_i32_0 = arith.constant 0 : i32
    return %arg0, %c0_i32 : i32, i32
  }
  func.func @transform_9(%arg0: i32) -> (i32, i32) {
    %c0_i32 = arith.constant 0 : i32
    %c0_i32_0 = arith.constant 0 : i32
    return %arg0, %c0_i32 : i32, i32
  }
}

module attributes {stable_mosaic.version = 14 : i64} {
  func.func @_combine_body(%arg0: i32, %arg1: memref<512x512xi32, #tpu.memory_space<vmem>>, %arg2: memref<512x512xi32, #tpu.memory_space<vmem>>, %arg3: memref<512x2xf32, #tpu.memory_space<vmem>>, %arg4: memref<512x1024xf32, #tpu.memory_space<vmem>>) attributes {dimension_semantics = [#tpu.dimension_semantics<arbitrary>], iteration_bounds = array<i64: 8>, scalar_prefetch = 0 : i64, scratch_operands = 0 : i64, tpu.core_type = #tpu.core_type<tc>, window_params = [{transform_indices = @transform_0, window_bounds = array<i64: 512, 512>}, {transform_indices = @transform_1, window_bounds = array<i64: 512, 512>}, {transform_indices = @transform_2, window_bounds = array<i64: 512, 2>}, {transform_indices = @transform_3, window_bounds = array<i64: 512, 1024>}]} {
    %get3A = arith.constant 0 : index
    %get3A_0 = arith.constant 0 : index
    %get3A_1 = vector.load %arg1[%get3A, %get3A_0] : memref<512x512xi32, #tpu.memory_space<vmem>>, vector<512x512xi32>
    %and3A = arith.constant -65536 : i32
    %and3A_2 = vector.broadcast %and3A : i32 to vector<512x512xi32>
    %and3A_3 = arith.andi %get3A_1, %and3A_2 : vector<512x512xi32>
    %bitcast_convert_type3A = tpu.bitcast %and3A_3 : vector<512x512xi32> -> vector<512x512xf32>
    %shift_left3A = arith.constant 16 : i32
    %shift_left3A_4 = vector.broadcast %shift_left3A : i32 to vector<512x512xi32>
    %shift_left3A_5 = arith.shli %get3A_1, %shift_left3A_4 : vector<512x512xi32>
    %bitcast_convert_type3A_6 = tpu.bitcast %shift_left3A_5 : vector<512x512xi32> -> vector<512x512xf32>
    %concatenate3A = tpu.concatenate %bitcast_convert_type3A, %bitcast_convert_type3A_6 in 1 : vector<512x512xf32>, vector<512x512xf32> -> vector<512x1024xf32>
    %convert_element_type3A = arith.truncf %concatenate3A : vector<512x1024xf32> to vector<512x1024xbf16>
    %convert_element_type3A_7 = arith.extf %convert_element_type3A : vector<512x1024xbf16> to vector<512x1024xf32>
    %get3A_8 = arith.constant 0 : index
    %get3A_9 = arith.constant 0 : index
    %get3A_10 = vector.load %arg2[%get3A_8, %get3A_9] : memref<512x512xi32, #tpu.memory_space<vmem>>, vector<512x512xi32>
    %and3A_11 = arith.constant -65536 : i32
    %and3A_12 = vector.broadcast %and3A_11 : i32 to vector<512x512xi32>
    %and3A_13 = arith.andi %get3A_10, %and3A_12 : vector<512x512xi32>
    %bitcast_convert_type3A_14 = tpu.bitcast %and3A_13 : vector<512x512xi32> -> vector<512x512xf32>
    %shift_left3A_15 = arith.constant 16 : i32
    %shift_left3A_16 = vector.broadcast %shift_left3A_15 : i32 to vector<512x512xi32>
    %shift_left3A_17 = arith.shli %get3A_10, %shift_left3A_16 : vector<512x512xi32>
    %bitcast_convert_type3A_18 = tpu.bitcast %shift_left3A_17 : vector<512x512xi32> -> vector<512x512xf32>
    %concatenate3A_19 = tpu.concatenate %bitcast_convert_type3A_14, %bitcast_convert_type3A_18 in 1 : vector<512x512xf32>, vector<512x512xf32> -> vector<512x1024xf32>
    %convert_element_type3A_20 = arith.truncf %concatenate3A_19 : vector<512x1024xf32> to vector<512x1024xbf16>
    %convert_element_type3A_21 = arith.extf %convert_element_type3A_20 : vector<512x1024xbf16> to vector<512x1024xf32>
    %get3A_22 = arith.constant 0 : index
    %get3A_23 = arith.constant 0 : index
    %get3A_24 = vector.load %arg3[%get3A_22, %get3A_23] : memref<512x2xf32, #tpu.memory_space<vmem>>, vector<512x1xf32>
    %mul3A = vector.broadcast %get3A_24 : vector<512x1xf32> to vector<512x1024xf32>
    %mul3A_25 = arith.mulf %mul3A, %convert_element_type3A_7 : vector<512x1024xf32>
    %get3A_26 = arith.constant 0 : index
    %get3A_27 = arith.constant 1 : index
    %get3A_28 = vector.load %arg3[%get3A_26, %get3A_27] : memref<512x2xf32, #tpu.memory_space<vmem>>, vector<512x1xf32>
    %mul3A_29 = vector.broadcast %get3A_28 : vector<512x1xf32> to vector<512x1024xf32>
    %mul3A_30 = arith.mulf %mul3A_29, %convert_element_type3A_21 : vector<512x1024xf32>
    %add3A = arith.addf %mul3A_25, %mul3A_30 : vector<512x1024xf32>
    %swap3A = arith.constant 0 : index
    %swap3A_31 = arith.constant 0 : index
    %swap3A_32 = vector.load %arg4[%swap3A, %swap3A_31] : memref<512x1024xf32, #tpu.memory_space<vmem>>, vector<512x1024xf32>
    tpu.vector_store %arg4[%swap3A, %swap3A_31], %add3A {strides = array<i32>} : memref<512x1024xf32, #tpu.memory_space<vmem>>, vector<512x1024xf32>,
    return
  }
  func.func @transform_0(%arg0: i32) -> (i32, i32) {
    %c0_i32 = arith.constant 0 : i32
    %c0_i32_0 = arith.constant 0 : i32
    return %arg0, %c0_i32 : i32, i32
  }
  func.func @transform_1(%arg0: i32) -> (i32, i32) {
    %c0_i32 = arith.constant 0 : i32
    %c0_i32_0 = arith.constant 0 : i32
    return %arg0, %c0_i32 : i32, i32
  }
  func.func @transform_2(%arg0: i32) -> (i32, i32) {
    %c0_i32 = arith.constant 0 : i32
    %c0_i32_0 = arith.constant 0 : i32
    return %arg0, %c0_i32 : i32, i32
  }
  func.func @transform_3(%arg0: i32) -> (i32, i32) {
    %c0_i32 = arith.constant 0 : i32
    %c0_i32_0 = arith.constant 0 : i32
    return %arg0, %c0_i32 : i32, i32
  }
}

module attributes {stable_mosaic.version = 14 : i64} {
  func.func @_grouped_body(%arg0: i32, %arg1: memref<128xi32, #tpu.memory_space<smem>>, %arg2: memref<1xi32, #tpu.memory_space<smem>>, %arg3: memref<256x512xi32, #tpu.memory_space<vmem>>, %arg4: memref<256x256xi32, #tpu.memory_space<vmem>>, %arg5: memref<1x1024x1024xf32, #tpu.memory_space<vmem>>, %arg6: memref<1x1x1024xf32, #tpu.memory_space<vmem>>, %arg7: memref<1x2048x512xf32, #tpu.memory_space<vmem>>, %arg8: memref<1x1x2048xf32, #tpu.memory_space<vmem>>, %arg9: memref<256x512xi32, #tpu.memory_space<vmem>>, %arg10: memref<1024x1024xbf16, #tpu.memory_space<vmem>>, %arg11: memref<2048x512xbf16, #tpu.memory_space<vmem>>) attributes {dimension_semantics = [#tpu.dimension_semantics<arbitrary>], iteration_bounds = array<i64: 39>, scalar_prefetch = 2 : i64, scratch_operands = 2 : i64, tpu.core_type = #tpu.core_type<tc>, window_params = [{transform_indices = @transform_0, window_bounds = array<i64: 256, 512>}, {transform_indices = @transform_1, window_bounds = array<i64: 256, 256>}, {transform_indices = @transform_2, window_bounds = array<i64: 1, 1024, 1024>}, {transform_indices = @transform_3, window_bounds = array<i64: 1, 1, 1024>}, {transform_indices = @transform_4, window_bounds = array<i64: 1, 2048, 512>}, {transform_indices = @transform_5, window_bounds = array<i64: 1, 1, 2048>}, {transform_indices = @transform_6, window_bounds = array<i64: 256, 512>}]} {
    %get3A = arith.constant 0 : index
    %get3A_0 = memref.load %arg2[%get3A] : memref<1xi32, #tpu.memory_space<smem>>
    %lt3A = arith.cmpi slt, %arg0, %get3A_0 : i32
    %convert_element_type3A = arith.extui %lt3A : i1 to i32
    %cond3A = arith.constant 0 : i32
    %cond3A_1 = arith.cmpi ne, %convert_element_type3A, %cond3A : i32
    scf.if %cond3A_1 {
      %eq3A = arith.constant 0 : i32
      %eq3A_2 = arith.cmpi eq, %arg0, %eq3A : i32
      %get3A_3 = arith.index_cast %arg0 : i32 to index
      %get3A_4 = memref.load %arg1[%get3A_3] : memref<128xi32, #tpu.memory_space<smem>>
      %sub3A = arith.constant 1 : i32
      %sub3A_5 = arith.subi %arg0, %sub3A : i32
      %max3A = arith.constant 0 : i32
      %max3A_6 = arith.maxsi %sub3A_5, %max3A : i32
      %get3A_7 = arith.index_cast %max3A_6 : i32 to index
      %get3A_8 = memref.load %arg1[%get3A_7] : memref<128xi32, #tpu.memory_space<smem>>
      %ne3A = arith.cmpi ne, %get3A_4, %get3A_8 : i32
      %or3A = arith.ori %eq3A_2, %ne3A : i1
      %convert_element_type3A_9 = arith.extui %or3A : i1 to i32
      %cond3A_10 = arith.constant 0 : i32
      %cond3A_11 = arith.cmpi ne, %convert_element_type3A_9, %cond3A_10 : i32
      scf.if %cond3A_11 {
        %get3A_107 = arith.constant 0 : index
        %get3A_108 = arith.constant 0 : index
        %get3A_109 = arith.constant 0 : index
        %get3A_110 = vector.load %arg5[%get3A_107, %get3A_108, %get3A_109] : memref<1x1024x1024xf32, #tpu.memory_space<vmem>>, vector<1x1024x1024xf32>
        %get3A_111 = vector.shape_cast %get3A_110 : vector<1x1024x1024xf32> to vector<1024x1024xf32>
        %convert_element_type3A_112 = arith.truncf %get3A_111 : vector<1024x1024xf32> to vector<1024x1024xbf16>
        %swap3A_113 = arith.constant 0 : index
        %swap3A_114 = arith.constant 0 : index
        %swap3A_115 = vector.load %arg10[%swap3A_113, %swap3A_114] : memref<1024x1024xbf16, #tpu.memory_space<vmem>>, vector<1024x1024xbf16>
        tpu.vector_store %arg10[%swap3A_113, %swap3A_114], %convert_element_type3A_112 {strides = array<i32>} : memref<1024x1024xbf16, #tpu.memory_space<vmem>>, vector<1024x1024xbf16>,
        %get3A_116 = arith.constant 0 : index
        %get3A_117 = arith.constant 0 : index
        %get3A_118 = arith.constant 0 : index
        %get3A_119 = vector.load %arg7[%get3A_116, %get3A_117, %get3A_118] : memref<1x2048x512xf32, #tpu.memory_space<vmem>>, vector<1x2048x512xf32>
        %get3A_120 = vector.shape_cast %get3A_119 : vector<1x2048x512xf32> to vector<2048x512xf32>
        %convert_element_type3A_121 = arith.truncf %get3A_120 : vector<2048x512xf32> to vector<2048x512xbf16>
        %swap3A_122 = arith.constant 0 : index
        %swap3A_123 = arith.constant 0 : index
        %swap3A_124 = vector.load %arg11[%swap3A_122, %swap3A_123] : memref<2048x512xbf16, #tpu.memory_space<vmem>>, vector<2048x512xbf16>
        tpu.vector_store %arg11[%swap3A_122, %swap3A_123], %convert_element_type3A_121 {strides = array<i32>} : memref<2048x512xbf16, #tpu.memory_space<vmem>>, vector<2048x512xbf16>,
      } else {
      }
      %get3A_12 = arith.constant 0 : index
      %get3A_13 = arith.constant 0 : index
      %get3A_14 = vector.load %arg3[%get3A_12, %get3A_13] : memref<256x512xi32, #tpu.memory_space<vmem>>, vector<256x512xi32>
      %and3A = arith.constant -65536 : i32
      %and3A_15 = vector.broadcast %and3A : i32 to vector<256x512xi32>
      %and3A_16 = arith.andi %get3A_14, %and3A_15 : vector<256x512xi32>
      %bitcast_convert_type3A = tpu.bitcast %and3A_16 : vector<256x512xi32> -> vector<256x512xf32>
      %shift_left3A = arith.constant 16 : i32
      %shift_left3A_17 = vector.broadcast %shift_left3A : i32 to vector<256x512xi32>
      %shift_left3A_18 = arith.shli %get3A_14, %shift_left3A_17 : vector<256x512xi32>
      %bitcast_convert_type3A_19 = tpu.bitcast %shift_left3A_18 : vector<256x512xi32> -> vector<256x512xf32>
      %concatenate3A = tpu.concatenate %bitcast_convert_type3A, %bitcast_convert_type3A_19 in 1 : vector<256x512xf32>, vector<256x512xf32> -> vector<256x1024xf32>
      %convert_element_type3A_20 = arith.truncf %concatenate3A : vector<256x1024xf32> to vector<256x1024xbf16>
      %get3A_21 = arith.constant 0 : index
      %get3A_22 = arith.constant 0 : index
      %get3A_23 = vector.load %arg10[%get3A_21, %get3A_22] : memref<1024x1024xbf16, #tpu.memory_space<vmem>>, vector<1024x1024xbf16>
      %dot_general3A = arith.constant dense<0.000000e+00> : vector<256x1024xf32>
      %dot_general3A_24 = tpu.matmul %convert_element_type3A_20, %get3A_23, %dot_general3A {dimension_numbers = #tpu.dot_dimension_numbers<[1], [1], [0], [0], [0, 0, 1, 0], [], []>, transpose_lhs_hint = false} : vector<256x1024xbf16>, vector<1024x1024xbf16>, vector<256x1024xf32> -> vector<256x1024xf32>
      %get3A_25 = arith.constant 0 : index
      %get3A_26 = arith.constant 0 : index
      %get3A_27 = arith.constant 0 : index
      %get3A_28 = vector.load %arg6[%get3A_25, %get3A_26, %get3A_27] : memref<1x1x1024xf32, #tpu.memory_space<vmem>>, vector<1x1x1024xf32>
      %get3A_29 = vector.shape_cast %get3A_28 : vector<1x1x1024xf32> to vector<1x1024xf32>
      %add3A = vector.broadcast %get3A_29 : vector<1x1024xf32> to vector<256x1024xf32>
      %add3A_30 = arith.addf %dot_general3A_24, %add3A : vector<256x1024xf32>
      %get3A_31 = arith.constant 0 : index
      %get3A_32 = arith.constant 0 : index
      %get3A_33 = vector.load %arg4[%get3A_31, %get3A_32] : memref<256x256xi32, #tpu.memory_space<vmem>>, vector<256x256xi32>
      %and3A_34 = arith.constant -65536 : i32
      %and3A_35 = vector.broadcast %and3A_34 : i32 to vector<256x256xi32>
      %and3A_36 = arith.andi %get3A_33, %and3A_35 : vector<256x256xi32>
      %bitcast_convert_type3A_37 = tpu.bitcast %and3A_36 : vector<256x256xi32> -> vector<256x256xf32>
      %shift_left3A_38 = arith.constant 16 : i32
      %shift_left3A_39 = vector.broadcast %shift_left3A_38 : i32 to vector<256x256xi32>
      %shift_left3A_40 = arith.shli %get3A_33, %shift_left3A_39 : vector<256x256xi32>
      %bitcast_convert_type3A_41 = tpu.bitcast %shift_left3A_40 : vector<256x256xi32> -> vector<256x256xf32>
      %concatenate3A_42 = tpu.concatenate %bitcast_convert_type3A_37, %bitcast_convert_type3A_41 in 1 : vector<256x256xf32>, vector<256x256xf32> -> vector<256x512xf32>
      %convert_element_type3A_43 = arith.truncf %concatenate3A_42 : vector<256x512xf32> to vector<256x512xbf16>
      %get3A_44 = arith.constant 0 : index
      %get3A_45 = arith.constant 0 : index
      %get3A_46 = vector.load %arg11[%get3A_44, %get3A_45] : memref<2048x512xbf16, #tpu.memory_space<vmem>>, vector<2048x512xbf16>
      %dot_general3A_47 = arith.constant dense<0.000000e+00> : vector<256x2048xf32>
      %dot_general3A_48 = tpu.matmul %convert_element_type3A_43, %get3A_46, %dot_general3A_47 {dimension_numbers = #tpu.dot_dimension_numbers<[1], [1], [0], [0], [0, 0, 1, 0], [], []>, transpose_lhs_hint = false} : vector<256x512xbf16>, vector<2048x512xbf16>, vector<256x2048xf32> -> vector<256x2048xf32>
      %get3A_49 = arith.constant 0 : index
      %get3A_50 = arith.constant 0 : index
      %get3A_51 = arith.constant 0 : index
      %get3A_52 = vector.load %arg8[%get3A_49, %get3A_50, %get3A_51] : memref<1x1x2048xf32, #tpu.memory_space<vmem>>, vector<1x1x2048xf32>
      %get3A_53 = vector.shape_cast %get3A_52 : vector<1x1x2048xf32> to vector<1x2048xf32>
      %add3A_54 = vector.broadcast %get3A_53 : vector<1x2048xf32> to vector<256x2048xf32>
      %add3A_55 = arith.addf %dot_general3A_48, %add3A_54 : vector<256x2048xf32>
      %slice3A = vector.extract_strided_slice %add3A_55 {offsets = [0, 0], sizes = [256, 1024], strides = [1, 1]} : vector<256x2048xf32> to vector<256x1024xf32>
      %slice3A_56 = vector.extract_strided_slice %add3A_55 {offsets = [0, 1024], sizes = [256, 1024], strides = [1, 1]} : vector<256x2048xf32> to vector<256x1024xf32>
      %mul3A = arith.constant 3.000000e+01 : f32
      %mul3A_57 = vector.broadcast %mul3A : f32 to vector<256x1024xf32>
      %mul3A_58 = arith.mulf %mul3A_57, %add3A_30 : vector<256x1024xf32>
      %mul3A_59 = arith.mulf %mul3A_58, %slice3A : vector<256x1024xf32>
      %add3A_60 = arith.addf %mul3A_59, %slice3A_56 : vector<256x1024xf32>
      %mul3A_61 = arith.constant 0.318309873 : f32
      %mul3A_62 = vector.broadcast %mul3A_61 : f32 to vector<256x1024xf32>
      %mul3A_63 = arith.mulf %add3A_60, %mul3A_62 : vector<256x1024xf32>
      %round3A = math.roundeven %mul3A_63 : vector<256x1024xf32>
      %convert_element_type3A_64 = arith.fptosi %round3A : vector<256x1024xf32> to vector<256x1024xi32>
      %and3A_65 = arith.constant 1 : i32
      %and3A_66 = vector.broadcast %and3A_65 : i32 to vector<256x1024xi32>
      %and3A_67 = arith.andi %convert_element_type3A_64, %and3A_66 : vector<256x1024xi32>
      %shift_left3A_68 = arith.constant 31 : i32
      %shift_left3A_69 = vector.broadcast %shift_left3A_68 : i32 to vector<256x1024xi32>
      %shift_left3A_70 = arith.shli %and3A_67, %shift_left3A_69 : vector<256x1024xi32>
      %mul3A_71 = arith.constant 3.140625 : f32
      %mul3A_72 = vector.broadcast %mul3A_71 : f32 to vector<256x1024xf32>
      %mul3A_73 = arith.mulf %round3A, %mul3A_72 : vector<256x1024xf32>
      %sub3A_74 = arith.subf %add3A_60, %mul3A_73 : vector<256x1024xf32>
      %mul3A_75 = arith.constant 9.67653584E-4 : f32
      %mul3A_76 = vector.broadcast %mul3A_75 : f32 to vector<256x1024xf32>
      %mul3A_77 = arith.mulf %round3A, %mul3A_76 : vector<256x1024xf32>
      %sub3A_78 = arith.subf %sub3A_74, %mul3A_77 : vector<256x1024xf32>
      %mul3A_79 = arith.mulf %sub3A_78, %sub3A_78 : vector<256x1024xf32>
      %mul3A_80 = arith.constant -1.8362749E-4 : f32
      %mul3A_81 = vector.broadcast %mul3A_80 : f32 to vector<256x1024xf32>
      %mul3A_82 = arith.mulf %mul3A_79, %mul3A_81 : vector<256x1024xf32>
      %add3A_83 = arith.constant 0.0083062863 : f32
      %add3A_84 = vector.broadcast %add3A_83 : f32 to vector<256x1024xf32>
      %add3A_85 = arith.addf %add3A_84, %mul3A_82 : vector<256x1024xf32>
      %mul3A_86 = arith.mulf %mul3A_79, %add3A_85 : vector<256x1024xf32>
      %add3A_87 = arith.constant -0.166648239 : f32
      %add3A_88 = vector.broadcast %add3A_87 : f32 to vector<256x1024xf32>
      %add3A_89 = arith.addf %add3A_88, %mul3A_86 : vector<256x1024xf32>
      %mul3A_90 = arith.mulf %mul3A_79, %add3A_89 : vector<256x1024xf32>
      %add3A_91 = arith.constant 0.999996602 : f32
      %add3A_92 = vector.broadcast %add3A_91 : f32 to vector<256x1024xf32>
      %add3A_93 = arith.addf %add3A_92, %mul3A_90 : vector<256x1024xf32>
      %mul3A_94 = arith.mulf %sub3A_78, %add3A_93 : vector<256x1024xf32>
      %bitcast_convert_type3A_95 = tpu.bitcast %mul3A_94 : vector<256x1024xf32> -> vector<256x1024xi32>
      %xor3A = arith.xori %bitcast_convert_type3A_95, %shift_left3A_70 : vector<256x1024xi32>
      %bitcast_convert_type3A_96 = tpu.bitcast %xor3A : vector<256x1024xi32> -> vector<256x1024xf32>
      %convert_element_type3A_97 = arith.truncf %bitcast_convert_type3A_96 : vector<256x1024xf32> to vector<256x1024xbf16>
      %convert_element_type3A_98 = arith.extf %convert_element_type3A_97 : vector<256x1024xbf16> to vector<256x1024xf32>
      %bitcast_convert_type3A_99 = tpu.bitcast %convert_element_type3A_98 : vector<256x1024xf32> -> vector<256x1024xi32>
      %slice3A_100 = vector.extract_strided_slice %bitcast_convert_type3A_99 {offsets = [0, 0], sizes = [256, 512], strides = [1, 1]} : vector<256x1024xi32> to vector<256x512xi32>
      %slice3A_101 = vector.extract_strided_slice %bitcast_convert_type3A_99 {offsets = [0, 512], sizes = [256, 512], strides = [1, 1]} : vector<256x1024xi32> to vector<256x512xi32>
      %shift_right_logical3A = arith.constant 16 : i32
      %shift_right_logical3A_102 = vector.broadcast %shift_right_logical3A : i32 to vector<256x512xi32>
      %shift_right_logical3A_103 = arith.shrui %slice3A_101, %shift_right_logical3A_102 : vector<256x512xi32>
      %or3A_104 = arith.ori %slice3A_100, %shift_right_logical3A_103 : vector<256x512xi32>
      %swap3A = arith.constant 0 : index
      %swap3A_105 = arith.constant 0 : index
      %swap3A_106 = vector.load %arg9[%swap3A, %swap3A_105] : memref<256x512xi32, #tpu.memory_space<vmem>>, vector<256x512xi32>
      tpu.vector_store %arg9[%swap3A, %swap3A_105], %or3A_104 {strides = array<i32>} : memref<256x512xi32, #tpu.memory_space<vmem>>, vector<256x512xi32>,
    } else {
    }
    return
  }
  func.func @transform_0(%arg0: i32, %arg1: memref<128xi32, #tpu.memory_space<smem>>, %arg2: memref<1xi32, #tpu.memory_space<smem>>) -> (i32, i32) {
    %c0_i32 = arith.constant 0 : i32
    %c0_i32_0 = arith.constant 0 : i32
    return %arg0, %c0_i32 : i32, i32
  }
  func.func @transform_1(%arg0: i32, %arg1: memref<128xi32, #tpu.memory_space<smem>>, %arg2: memref<1xi32, #tpu.memory_space<smem>>) -> (i32, i32) {
    %c0_i32 = arith.constant 0 : i32
    %c0_i32_0 = arith.constant 0 : i32
    return %arg0, %c0_i32 : i32, i32
  }
  func.func @transform_2(%arg0: i32, %arg1: memref<128xi32, #tpu.memory_space<smem>>, %arg2: memref<1xi32, #tpu.memory_space<smem>>) -> (i32, i32, i32) {
    %get3A = arith.index_cast %arg0 : i32 to index
    %get3A_0 = memref.load %arg1[%get3A] : memref<128xi32, #tpu.memory_space<smem>>
    %c0_i32 = arith.constant 0 : i32
    %c0_i32_1 = arith.constant 0 : i32
    %c0_i32_2 = arith.constant 0 : i32
    return %get3A_0, %c0_i32, %c0_i32_1 : i32, i32, i32
  }
  func.func @transform_3(%arg0: i32, %arg1: memref<128xi32, #tpu.memory_space<smem>>, %arg2: memref<1xi32, #tpu.memory_space<smem>>) -> (i32, i32, i32) {
    %get3A = arith.index_cast %arg0 : i32 to index
    %get3A_0 = memref.load %arg1[%get3A] : memref<128xi32, #tpu.memory_space<smem>>
    %c0_i32 = arith.constant 0 : i32
    %c0_i32_1 = arith.constant 0 : i32
    %c0_i32_2 = arith.constant 0 : i32
    return %get3A_0, %c0_i32, %c0_i32_1 : i32, i32, i32
  }
  func.func @transform_4(%arg0: i32, %arg1: memref<128xi32, #tpu.memory_space<smem>>, %arg2: memref<1xi32, #tpu.memory_space<smem>>) -> (i32, i32, i32) {
    %get3A = arith.index_cast %arg0 : i32 to index
    %get3A_0 = memref.load %arg1[%get3A] : memref<128xi32, #tpu.memory_space<smem>>
    %c0_i32 = arith.constant 0 : i32
    %c0_i32_1 = arith.constant 0 : i32
    %c0_i32_2 = arith.constant 0 : i32
    return %get3A_0, %c0_i32, %c0_i32_1 : i32, i32, i32
  }
  func.func @transform_5(%arg0: i32, %arg1: memref<128xi32, #tpu.memory_space<smem>>, %arg2: memref<1xi32, #tpu.memory_space<smem>>) -> (i32, i32, i32) {
    %get3A = arith.index_cast %arg0 : i32 to index
    %get3A_0 = memref.load %arg1[%get3A] : memref<128xi32, #tpu.memory_space<smem>>
    %c0_i32 = arith.constant 0 : i32
    %c0_i32_1 = arith.constant 0 : i32
    %c0_i32_2 = arith.constant 0 : i32
    return %get3A_0, %c0_i32, %c0_i32_1 : i32, i32, i32
  }
  func.func @transform_6(%arg0: i32, %arg1: memref<128xi32, #tpu.memory_space<smem>>, %arg2: memref<1xi32, #tpu.memory_space<smem>>) -> (i32, i32) {
    %c0_i32 = arith.constant 0 : i32
    %c0_i32_0 = arith.constant 0 : i32
    return %arg0, %c0_i32 : i32, i32
  }
}

</mosaic_0001>

<sc_bundles>
// kernel: kernel.10.cloned.1.call-start
scs
__scs_entry_jumppad:
0x0: {  	(pc) =	sbr.rel $0x88, $3  }
0x1: {  	(tag) =	ssettag $0x0;
	lr =	simm.s32 $0x1  }
0x2: {  	[smem:$0x3F99] =	sst lr;
	_ =	strace $0xD0000000  }
0x3: {  	_ = 	snop  }
0x4: {  	_ = 	snop  }
0x5: {  	_ = 	snop  }
0x6: {  	_ = 	snop  }
0x7: {  	_ = 	snop  }
__scs_overlays_trampoline_lowered:
0x8: {  	[smem:$0x3FA8] =	sst s0  }
0x9: {  	[smem:$0x3FA9] =	sst s1  }
0xa: {  	[smem:$0x3FAA] =	sst s2  }
0xb: {  	[smem:$0x3FAB] =	sst s3  }
0xc: {  	[smem:$0x3FAC] =	sst s4  }
0xd: {  	[smem:$0x3FAD] =	sst s5  }
0xe: {  	[smem:$0x3FAE] =	sst s6  }
0xf: {  	[smem:$0x3FAF] =	sst s7  }
0x10: {  	[smem:$0x3FB0] =	sst s8  }
0x11: {  	[smem:$0x3FB1] =	sst s9;
	s0 =	simm.s32 @!p0 $0x0  }
0x12: {  	s1 =	sld [smem:$0x3F97];
	s0 =	simm.s32 @p0 $0x1  }
0x13: {  	[smem:$0x3FB2] =	sst s0;
	s0 =	simm.s32 @!p1 $0x0  }
0x14: {  	s2 =	sld [smem:$0x3F96];
	s0 =	simm.s32 @p1 $0x1  }
0x15: {  	[smem:$0x3FB3] =	sst s0;
	s0 =	simm.s32 @!p2 $0x0  }
0x16: {  	s3 =	sld [smem:$0x3FDB];
	s0 =	simm.s32 @p2 $0x1  }
0x17: {  	s4 =	simm.s32 $0x1BF5;
	[smem:$0x3FB5] =	sst s0  }
0x18: {  	s0 =	sld [smem:$0x3F98];
	_ =	swait.ge [sflag:s4], $0x0  }
0x19: {  	s7 =	sld [smem:$0x3F99]  }
0x1a: {  	s8 =	sadd.s32 $0xFFFFE003, lr  }
0x1b: {  	s9 =	sadd.s32 $0xFFFFFEF7, lr;
	s5 =	simm.s32 $0xFFFFFFFF;
	p2 =	slt.u32 s8, $0xFFFFF086  }
0x1c: {  	p1 =	slt.u32 s9, $0xF7A;
	s5 =	simm.s32 @!p2 $0x0  }
0x1d: {  	s5 =	simm.s32 @p1 $0x1;
	p0 =	seq.s32 s7, s2  }
0x1e: {  	s7 =	smul.u32 @!p0 $0xF7A, s2;
	p2 =	seq.s32 @!p0 s5, $0x0  }
0x1f: {  	s9 =	smul.u32 $0xF7A, s1;
	s8 =	simm.s32 @!p0 $0x1BF5;
	p2 =	por !p2, p0  }
0x20: {  	[sflag:s8] =	ssyncset.s32 @!p0 $0xFFFFF086;
	s6 =	sadd.s32 @!p0 s3, s7;
	s7 =	simm.s32 @!p0 $0x108  }
0x21: {  	s3 =	sadd.s32 s3, s9;
	s6 =	sadd.s32 @!p0 $0x88, s6;
	s7 =	simm.s32 @p2 $0x1082  }
0x22: {  	[simem:s7], [sflag:s8] =	dma.local @!p0 [hbm:s6], $0xF7A  }
0x23: {  	s9 =	sor.u32 $0xD0000000, s2;
	s6 =	simm.s32 $0x108;
	_ =	swait.ge @!p0 [sflag:s8], $0x0  }
0x24: {  	s3 =	sadd.s32 $0x88, s3;
	s6 =	simm.s32 @!p1 $0x1082;
	[sflag:s4] =	ssyncset.s32 $0xFFFFF086  }
0x25: {  	[simem:s6], [sflag:s4] =	dma.local [hbm:s3], $0xF7A  }
0x26: {  	[smem:$0x3F99] =	sst s1;
	(tag) =	ssettag s2;
	_ =	strace s9  }
0x27: {  	s1 =	sld [smem:$0x3FA9]  }
0x28: {  	s2 =	sld [smem:$0x3FAA]  }
0x29: {  	s4 =	sld [smem:$0x3FAC]  }
0x2a: {  	p0 =	seq.s32 s5, $0x0;
	s5 =	sld [smem:$0x3FAD]  }
0x2b: {  	s6 =	sld [smem:$0x3FAE]  }
0x2c: {  	s7 =	sld [smem:$0x3FAF]  }
0x2d: {  	s3 =	simm.s32 $0x108;
	s8 =	sld [smem:$0x3FB0]  }
0x2e: {  	s3 =	simm.s32 @!p0 $0x1082;
	s9 =	sld [smem:$0x3FB1]  }
0x2f: {  	lr =	sadd.s32 s0, s3;
	s0 =	sld [smem:$0x3FA8]  }
0x30: {  	s3 =	sld [smem:$0x3FAB]  }
0x31: {  	[smem:$0x3FB4] =	sst s10  }
0x32: {  	s10 =	sld [smem:$0x3FB2];
	_ =	sdelay $0x3  }
0x33: {  	p0 =	seq.s32 s10, $0x1;
	s10 =	sld [smem:$0x3FB4];
	_ =	sdelay $0x3  }
0x34: {  	[smem:$0x3FB4] =	sst s10  }
0x35: {  	s10 =	sld [smem:$0x3FB3];
	_ =	sdelay $0x3  }
0x36: {  	p1 =	seq.s32 s10, $0x1;
	s10 =	sld [smem:$0x3FB4];
	_ =	sdelay $0x3  }
0x37: {  	[smem:$0x3FB4] =	sst s10  }
0x38: {  	s10 =	sld [smem:$0x3FB5]  }
0x39: {  	_ = 	snop;
	(pc) =	sbr.ind lr, $3  }
0x3a: {  	_ = 	snop  }
0x3b: {  	_ = 	snop  }
0x3c: {  	p2 =	seq.s32 s10, $0x1;
	s10 =	sld [smem:$0x3FB4]  }
0x3d: {  	_ =	shalt  }
0x3e: {  	_ =	shalt  }
0x3f: {  	_ =	shalt  }
0x40: {  	_ =	shalt  }
0x41: {  	_ =	shalt  }
0x42: {  	_ =	shalt  }
0x43: {  	_ =	shalt  }
0x44: {  	_ =	shalt  }
0x45: {  	_ =	shalt  }
0x46: {  	_ =	shalt  }
0x47: {  	_ =	shalt  }
0x48: {  	_ =	shalt  }
0x49: {  	_ =	shalt  }
0x4a: {  	_ =	shalt  }
0x4b: {  	_ =	shalt  }
0x4c: {  	_ =	shalt  }
0x4d: {  	_ =	shalt  }
0x4e: {  	_ =	shalt  }
0x4f: {  	_ =	shalt  }
0x50: {  	_ =	shalt  }
0x51: {  	_ =	shalt  }
0x52: {  	_ =	shalt  }
0x53: {  	_ =	shalt  }
0x54: {  	_ =	shalt  }
0x55: {  	_ =	shalt  }
0x56: {  	_ =	shalt  }
0x57: {  	_ =	shalt  }
0x58: {  	_ =	shalt  }
0x59: {  	_ =	shalt  }
0x5a: {  	_ =	shalt  }
0x5b: {  	_ =	shalt  }
0x5c: {  	_ =	shalt  }
0x5d: {  	_ =	shalt  }
0x5e: {  	_ =	shalt  }
0x5f: {  	_ =	shalt  }
0x60: {  	_ =	shalt  }
0x61: {  	_ =	shalt  }
0x62: {  	_ =	shalt  }
0x63: {  	_ =	shalt  }
0x64: {  	_ =	shalt  }
0x65: {  	_ =	shalt  }
0x66: {  	_ =	shalt  }
0x67: {  	_ =	shalt  }
0x68: {  	_ =	shalt  }
0x69: {  	_ =	shalt  }
0x6a: {  	_ =	shalt  }
0x6b: {  	_ =	shalt  }
0x6c: {  	_ =	shalt  }
0x6d: {  	_ =	shalt  }
0x6e: {  	_ =	shalt  }
0x6f: {  	_ =	shalt  }
0x70: {  	_ =	shalt  }
0x71: {  	_ =	shalt  }
0x72: {  	_ =	shalt  }
0x73: {  	_ =	shalt  }
0x74: {  	_ =	shalt  }
0x75: {  	_ =	shalt  }
0x76: {  	_ =	shalt  }
0x77: {  	_ =	shalt  }
0x78: {  	_ =	shalt  }
0x79: {  	_ =	shalt  }
0x7a: {  	_ =	shalt  }
0x7b: {  	_ =	shalt  }
0x7c: {  	_ =	shalt  }
0x7d: {  	_ =	shalt  }
0x7e: {  	_ =	shalt  }
0x7f: {  	_ =	shalt  }
0x80: {  	_ =	shalt  }
0x81: {  	_ =	shalt  }
0x82: {  	_ =	shalt  }
0x83: {  	_ =	shalt  }
0x84: {  	_ =	shalt  }
0x85: {  	_ =	shalt  }
0x86: {  	_ =	shalt  }
0x87: {  	_ =	shalt  }
.Lfunc_end0:
.L_simem_size_0:
called_computation.1_lowered:
.L_overlay_start_0:
0x88: {  	s2 =	sld [smem:$0x3FD9]  }
0x89: {  	s3 =	sld [smem:$0x3FFE];
	_ =	sdelay $0x1  }
0x8a: {  	s1 =	srdreg.scid  }
0x8b: {  	s0 =	sand.u32 $0x1, s1  }
0x8c: {  	s14 =	sshll.u32 s0, $0xA;
	s2 =	sadd.s32 s3, s2  }
0x8d: {  	s2 =	sadd.s32 s2, s14  }
0x8e: {  	[smem:$0x3FC0] =	sst s2  }
0x8f: {  	_ = 	snop  }
0x90: {  	s2 =	sld [smem:$0x3FD0];
	_ =	sdelay $0x2  }
0x91: {  	s15 =	simm.s32 $0xA;
	s4 =	simm.s32 $0x10  }
0x92: {  	[smem:s4], [sflag:s15] =	dma.local [hbm:s2], $0x1  }
0x93: {  	_ =	swait.eq [sflag:s15], $0x1  }
0x94: {  	[sflag:s15] =	ssyncset.done $0x0  }
0x95: {  	s16 =	sld [smem:$0x10];
	[sflag:s15] =	ssyncadd.s32 $0xFFFFFFFF  }
0x96: {  	s17 =	sld [smem:$0x11];
	(tm) =	ssettm $0x1  }
0x97: {  	s18 =	sld [smem:$0x3FFB];
	_ =	sdelay $0x3  }
0x98: {  	_ =	strace s18  }
0x99: {  	s4 =	sld [smem:$0x3FFC];
	_ =	sdelay $0x3  }
0x9a: {  	_ =	strace s4  }
0x9b: {  	s4 =	sld [smem:$0x3FFD];
	_ =	sdelay $0x3  }
0x9c: {  	_ =	strace s4  }
0x9d: {  	_ =	strace $0x8FFFFFFF  }
0x9e: {  	s19 =	sld [smem:$0x3FDB];
	_ =	sdelay $0x1  }
0x9f: {  	s5 =	simm.s32 $_scs_section_size  }
0xa0: {  	s6 =	simm.s32 $_size__tile_overlayer_lowered;
	s7 =	simm.s32 $_tile_overlayer_lowered  }
0xa1: {  	s22 =	simm.s32 $0x1BFF;
	s21 =	sshll.u32 s7, $0x1;
	s4 =	sadd.s32 s5, s19  }
0xa2: {  	s8 =	simm.s32 $0x0;
	s20 =	sshll.u32 s6, $0x1;
	s6 =	sadd.s32 s21, s4  }
0xa3: {  	[timem:s8], [sflag:s22] =	dma.local [hbm:s6], s20  }
0xa4: {  	_ =	swait.ge [sflag:s22], s20  }
0xa5: {  	s5 =	ssub.s32 $0x0, s20;
	[sflag:s22] =	ssyncset.done $0x0  }
0xa6: {  	[sflag:s22] =	ssyncadd.s32 s5;
	_ =	sdelay $0x1  }
0xa7: {  	s23 =	simm.s32 $0x1B8B  }
0xa8: {  	_ =	swait.ge [sflag:s23], $0x1  }
0xa9: {  	[sflag:s23] =	ssyncset.done $0x0  }
0xaa: {  	s25 =	simm.s32 $0x1B8E;
	s24 =	sld [smem:$0x3FFE];
	[sflag:s23] =	ssyncadd.s32 $0xFFFFFFFF  }
0xab: {  	s26 =	simm.s32 $execute0_lowered;
	[smem:$0x3FD2] =	sst s25  }
0xac: {  	s6 =	sshll.u32 s26, $0x1;
	_ =	strace $0x80000049;
	[dreg:$0x1] =	wrdreg $0xFFFFFFFF  }
0xad: {  	s28 =	simm.s32 $_size_execute0_lowered;
	s4 =	sadd.s32 s4, s6;
	[dreg:$0x0] =	wrdreg $0x0  }
0xae: {  	s6 =	sshll.u32 s28, $0x1;
	[dreg:$0x2] =	wrdreg s4  }
0xaf: {  	[dreg:$0x3] =	wrdreg s6  }
0xb0: {  	[dreg:$0x4] =	wrdreg $0xC0  }
0xb1: {  	_ =	task [dreg:s8], $0x5FFFF  }
0xb2: {  	[dreg:$0x1] =	wrdreg $0xFFFFFFFF  }
0xb3: {  	[dreg:$0x0] =	wrdreg $0x60  }
0xb4: {  	[dreg:$0x2] =	wrdreg s24  }
0xb5: {  	[dreg:$0x3] =	wrdreg s17  }
0xb6: {  	[dreg:$0x4] =	wrdreg s16  }
0xb7: {  	[dreg:$0x5] =	wrdreg $0x9  }
0xb8: {  	_ =	task.clear_ibuf [dreg:s8], $0x6FFFF;
	_ =	strace $0x90000049  }
0xb9: {  	s29 =	simm.s32 $0x9;
	_ =	strace $0x8000004B  }
0xba: {  	_ =	swait.ge [sflag:s29], $0x1  }
0xbb: {  	[sflag:s29] =	ssyncadd.s32 $0xFFFFFFFF  }
0xbc: {  	_ =	strace $0x9000004B  }
0xbd: {  	_ =	sfence  }
0xbe: {  	s30 =	sld [smem:$0x0];
	_ =	sdelay $0x2  }
0xbf: {  	s31 =	sshll.u32 s1, $0xD;
	s1 =	sshrl.u32 s1, $0x2  }
0xc0: {  	s3 =	sand.u32 $0x4000, s31;
	s1 =	sadd.s32 s1, s30  }
0xc1: {  	s0 =	sor.u32 s3, s0;
	s1 =	sshll.u32 s1, $0x11  }
0xc2: {  	s0 =	sor.u32 s1, s0  }
0xc3: {  	s0 =	sadd.s32 $0x8F2B, s0  }
0xc4: {  	[sflag:s0] =	ssyncadd.remote.s32 $0x1  }
0xc5: {  	_ =	sfence.sel $0xFFFF  }
0xc6: {  	[dreg:$0x0] =	wrdreg $0xFFFFFFFF;
	(pc) =	sbr.abs _section_cstart, $3  }
0xc7: {  	[dreg:$0x1] =	wrdreg $0xFFFFFFFF  }
0xc8: {  	_ =	task.clear_ibuf [dreg:s8], $0x2FFFF;
	_ =	strace $0x9FFFFFFF  }
0xc9: {  	(tm) =	ssettm $0x7FFFFFFF  }
tec
execute0_lowered:
.L_overlay_start_1:
0x0: {  	(tag) =	ssettag $0x1  }
0x1: {  	s1 =	rddreg [dreg:$0x0]  }
0x2: {  	s0 =	srdreg.scid;
	s4 =	rddreg [dreg:$0x1]  }
0x3: {  	s2 =	stileid.u32;
	s5 =	rddreg [dreg:$0x2]  }
0x4: {  	s25 =	simm.s32 $0x10000;
	s26 =	simm.s32 $0x10080;
	s12 =	simm.s32 $0x3  }
0x5: {  	s13 =	simm.s32 $0x2;
	s16 =	simm.s32 $0x1000;
	s17 =	simm.s32 $0x1800  }
0x6: {  	s18 =	simm.s32 $0x2000;
	s19 =	simm.s32 $0x2800;
	s28 =	simm.s32 $0x6000  }
0x7: {  	s29 =	simm.s32 $0x6800;
	s30 =	simm.s32 $0x7000;
	s31 =	simm.s32 $0x7800  }
0x8: {  	s10 =	simm.s32 $0xB000;
	s11 =	simm.s32 $0xB800;
	s0 =	sand.u32 $0x1, s0  }
0x9: {  	s2 =	sshll.u32 s2, $0x8;
	s24 =	sadd.s32 $0x23000, s1;
	s3 =	sshll.u32 s0, $0x7  }
0xa: {  	s0 =	ssub.s32 $0x2, s0;
	s3 =	sor.u32 s3, s2;
	s2 =	simm.s32 $0x0  }
0xb: {  	s22 =	sshrl.u32 s0, $0x1;
	s6 =	sshrl.u32 s3, $0x3;
	[smem:$0x7FF] =	sst s2  }
0xc: {  	s8 =	sshll.u32 s3, $0x6;
	s3 =	sadd.s32 $0xBF200, s1;
	s0 =	ssub.s32 s0, s22  }
0xd: {  	s22 =	simm.s32 $0xC000;
	s7 =	sadd.s32 s6, s1;
	_ =	strace $0x8000004A  }
0xe: {  	s20 =	sadd.s32 s4, s8;
	s9 =	sor.u32 $0x1000, s8;
	[dreg:$0x9] =	wrdreg s25  }
0xf: {  	s21 =	sadd.s32 s5, s8;
	[dreg:$0xb] =	wrdreg s26;
	s25 =	simm.s32 $0x5000  }
0x10: {  	s26 =	simm.s32 $0x5800;
	s8 =	simm.s32 $0xA000;
	[dreg:$0x5] =	wrdreg s20  }
0x11: {  	s7 =	sadd.s32 $0x22E00, s7;
	s4 =	sadd.s32 s4, s9;
	[dreg:$0x7] =	wrdreg s21  }
0x12: {  	s23 =	sadd.s32 s5, s9;
	s5 =	sadd.s32 s6, s24;
	[dreg:$0x4] =	wrdreg s7  }
0x13: {  	s6 =	simm.s32 $0x1;
	s20 =	simm.s32 $0x3000;
	[dreg:$0x6] =	wrdreg s4  }
0x14: {  	v2 =	vlaneseq.u32;
	s21 =	simm.s32 $0x3800;
	s24 =	simm.s32 $0x4800;
	[dreg:$0x8] =	wrdreg s23  }
0x15: {  	vm0 =	vmmov $0xffff;
	v1 =	vshrl.u32 v2, $0x3;
	s9 =	simm.s32 $0xA800;
	s4 =	sadd.s32 $0xBF300, s1;
	[dreg:$0xa] =	wrdreg s5  }
0x16: {  	v0 =	vand.u32 $0x7, v2;
	v2 =	vor.u32 $0x8, v2;
	v1 =	vmul.u32 $0x8, v1;
	s5 =	smax.u32 s0, $0x1;
	s23 =	simm.s32 $0x4000;
	s0 =	simm.s32 $0x8000  }
.LBB2_1:
0x17: {  	s14 =	rddreg [dreg:$0x4]  }
0x18: {  	s15 =	rddreg [dreg:$0x9]  }
0x19: {  	[tilespmem:s15], [sflag:$0x1] =	stream.linear.gather [hbm4b:s14+s2], $0x80, $0x38;
	[tilespmem:$0x10100] =	vst v63  }
0x1a: {  	_ =	swait.ge [sflag:s6], $0x80  }
0x1b: {  	s1 =	rddreg [dreg:$0xa];
	[sflag:s6] =	ssyncset.done $0x0  }
0x1c: {  	s7 =	rddreg [dreg:$0xb];
	[sflag:s6] =	ssyncadd.s32 $0xFFFFFF80  }
0x1d: {  	[tilespmem:s7], [sflag:$0x1] =	stream.linear.gather [hbm4b:s1+s2], $0x80, $0x38;
	[tilespmem:$0x10100] =	vst v63  }
0x1e: {  	_ =	swait.ge [sflag:s6], $0x80  }
0x1f: {  	[sflag:s6] =	ssyncset.done $0x0  }
0x20: {  	[sflag:s6] =	ssyncadd.s32 $0xFFFFFF80  }
0x21: {  	v3 =	vld [tilespmem:$0x10000];
	_ =	sdelay $0x4  }
0x22: {  	v4 =	vshll.u32 v3, $0x2  }
0x23: {  	v3 =	vand.u32 $0x7, v3;
	v4 =	vand.u32 $0xFFFFFFE0, v4  }
0x24: {  	v3 =	vor.u32 v3, v4  }
0x25: {  	v4 =	vperm.xlane v3, v0;
	_ =	sdelay $0x1  }
0x26: {  	v4 =	vadd.s32 v1, v4;
	_ =	sdelay $0x1  }
0x27: {  	v3 =	vperm.xlane v3, v2;
	_ =	sdelay $0x1  }
0x28: {  	v3 =	vadd.s32 v1, v3  }
0x29: {  	[tilespmem:s2], [sflag:$0x1] =	stream.indirect_vreg.gather [hbm4b:s3+s2], $0x80, v4, vm0, $0xb8;
	[tilespmem:$0x10100] =	vst v63  }
0x2a: {  	s15 =	simm.s32 $0x800  }
0x2b: {  	[tilespmem:s15], [sflag:$0x1] =	stream.indirect_vreg.gather [hbm4b:s4+s2], $0x80, v4, vm0, $0xb8;
	[tilespmem:$0x10100] =	vst v63  }
0x2c: {  	_ = 	snop  }
0x2d: {  	[tilespmem:s16], [sflag:$0x1] =	stream.indirect_vreg.gather [hbm4b:s3+s2], $0x80, v3, vm0, $0xb8;
	[tilespmem:$0x10100] =	vst v63  }
0x2e: {  	_ = 	snop  }
0x2f: {  	[tilespmem:s17], [sflag:$0x1] =	stream.indirect_vreg.gather [hbm4b:s4+s2], $0x80, v3, vm0, $0xb8;
	[tilespmem:$0x10100] =	vst v63  }
0x30: {  	v3 =	vld [tilespmem:$0x10010];
	_ =	sdelay $0x4  }
0x31: {  	v49 =	vshll.u32 v3, $0x2  }
0x32: {  	v3 =	vand.u32 $0x7, v3;
	v4 =	vand.u32 $0xFFFFFFE0, v49  }
0x33: {  	v3 =	vor.u32 v3, v4  }
0x34: {  	v4 =	vperm.xlane v3, v0;
	_ =	sdelay $0x1  }
0x35: {  	v4 =	vadd.s32 v1, v4;
	_ =	sdelay $0x1  }
0x36: {  	v3 =	vperm.xlane v3, v2;
	_ =	sdelay $0x1  }
0x37: {  	v3 =	vadd.s32 v1, v3  }
0x38: {  	[tilespmem:s18], [sflag:$0x1] =	stream.indirect_vreg.gather [hbm4b:s3+s2], $0x80, v4, vm0, $0xb8;
	[tilespmem:$0x10100] =	vst v63  }
0x39: {  	_ = 	snop  }
0x3a: {  	[tilespmem:s19], [sflag:$0x1] =	stream.indirect_vreg.gather [hbm4b:s4+s2], $0x80, v4, vm0, $0xb8;
	[tilespmem:$0x10100] =	vst v63  }
0x3b: {  	_ = 	snop  }
0x3c: {  	[tilespmem:s20], [sflag:$0x1] =	stream.indirect_vreg.gather [hbm4b:s3+s2], $0x80, v3, vm0, $0xb8;
	[tilespmem:$0x10100] =	vst v63  }
0x3d: {  	_ = 	snop  }
0x3e: {  	[tilespmem:s21], [sflag:$0x1] =	stream.indirect_vreg.gather [hbm4b:s4+s2], $0x80, v3, vm0, $0xb8;
	[tilespmem:$0x10100] =	vst v63  }
0x3f: {  	v3 =	vld [tilespmem:$0x10020];
	_ =	sdelay $0x4  }
0x40: {  	v50 =	vshll.u32 v3, $0x2  }
0x41: {  	v3 =	vand.u32 $0x7, v3;
	v4 =	vand.u32 $0xFFFFFFE0, v50  }
0x42: {  	v3 =	vor.u32 v3, v4  }
0x43: {  	v4 =	vperm.xlane v3, v0;
	_ =	sdelay $0x1  }
0x44: {  	v4 =	vadd.s32 v1, v4;
	_ =	sdelay $0x1  }
0x45: {  	v3 =	vperm.xlane v3, v2;
	_ =	sdelay $0x1  }
0x46: {  	v3 =	vadd.s32 v1, v3  }
0x47: {  	[tilespmem:s23], [sflag:$0x1] =	stream.indirect_vreg.gather [hbm4b:s3+s2], $0x80, v4, vm0, $0xb8;
	[tilespmem:$0x10100] =	vst v63  }
0x48: {  	_ = 	snop  }
0x49: {  	[tilespmem:s24], [sflag:$0x1] =	stream.indirect_vreg.gather [hbm4b:s4+s2], $0x80, v4, vm0, $0xb8;
	[tilespmem:$0x10100] =	vst v63  }
0x4a: {  	_ = 	snop  }
0x4b: {  	[tilespmem:s25], [sflag:$0x1] =	stream.indirect_vreg.gather [hbm4b:s3+s2], $0x80, v3, vm0, $0xb8;
	[tilespmem:$0x10100] =	vst v63  }
0x4c: {  	_ = 	snop  }
0x4d: {  	[tilespmem:s26], [sflag:$0x1] =	stream.indirect_vreg.gather [hbm4b:s4+s2], $0x80, v3, vm0, $0xb8;
	[tilespmem:$0x10100] =	vst v63  }
0x4e: {  	v3 =	vld [tilespmem:$0x10030];
	_ =	sdelay $0x4  }
0x4f: {  	v51 =	vshll.u32 v3, $0x2  }
0x50: {  	v3 =	vand.u32 $0x7, v3;
	v4 =	vand.u32 $0xFFFFFFE0, v51  }
0x51: {  	v3 =	vor.u32 v3, v4  }
0x52: {  	v4 =	vperm.xlane v3, v0;
	_ =	sdelay $0x1  }
0x53: {  	v4 =	vadd.s32 v1, v4;
	_ =	sdelay $0x1  }
0x54: {  	v3 =	vperm.xlane v3, v2;
	_ =	sdelay $0x1  }
0x55: {  	v3 =	vadd.s32 v1, v3  }
0x56: {  	[tilespmem:s28], [sflag:$0x1] =	stream.indirect_vreg.gather [hbm4b:s3+s2], $0x80, v4, vm0, $0xb8;
	[tilespmem:$0x10100] =	vst v63  }
0x57: {  	_ = 	snop  }
0x58: {  	[tilespmem:s29], [sflag:$0x1] =	stream.indirect_vreg.gather [hbm4b:s4+s2], $0x80, v4, vm0, $0xb8;
	[tilespmem:$0x10100] =	vst v63  }
0x59: {  	_ = 	snop  }
0x5a: {  	[tilespmem:s30], [sflag:$0x1] =	stream.indirect_vreg.gather [hbm4b:s3+s2], $0x80, v3, vm0, $0xb8;
	[tilespmem:$0x10100] =	vst v63  }
0x5b: {  	_ = 	snop  }
0x5c: {  	[tilespmem:s31], [sflag:$0x1] =	stream.indirect_vreg.gather [hbm4b:s4+s2], $0x80, v3, vm0, $0xb8;
	[tilespmem:$0x10100] =	vst v63  }
0x5d: {  	_ =	swait.ge [sflag:s6], $0x8000  }
0x5e: {  	[sflag:s6] =	ssyncset.done $0x0  }
0x5f: {  	[sflag:s6] =	ssyncadd.s32 $0xFFFF8000  }
0x60: {  	v3 =	vld [tilespmem:$0x10040];
	_ =	sdelay $0x4  }
0x61: {  	v52 =	vshll.u32 v3, $0x2  }
0x62: {  	v3 =	vand.u32 $0x7, v3;
	v4 =	vand.u32 $0xFFFFFFE0, v52  }
0x63: {  	v3 =	vor.u32 v3, v4  }
0x64: {  	v4 =	vperm.xlane v3, v0;
	_ =	sdelay $0x1  }
0x65: {  	v4 =	vadd.s32 v1, v4;
	_ =	sdelay $0x1  }
0x66: {  	v3 =	vperm.xlane v3, v2;
	_ =	sdelay $0x1  }
0x67: {  	v3 =	vadd.s32 v1, v3  }
0x68: {  	[tilespmem:s0], [sflag:$0x2] =	stream.indirect_vreg.gather [hbm4b:s3+s2], $0x80, v4, vm0, $0xb8;
	[tilespmem:$0x10100] =	vst v63  }
0x69: {  	s1 =	simm.s32 $0x8800  }
0x6a: {  	[tilespmem:s1], [sflag:$0x2] =	stream.indirect_vreg.gather [hbm4b:s4+s2], $0x80, v4, vm0, $0xb8;
	[tilespmem:$0x10100] =	vst v63  }
0x6b: {  	s7 =	simm.s32 $0x9000  }
0x6c: {  	[tilespmem:s7], [sflag:$0x2] =	stream.indirect_vreg.gather [hbm4b:s3+s2], $0x80, v3, vm0, $0xb8;
	[tilespmem:$0x10100] =	vst v63  }
0x6d: {  	s7 =	simm.s32 $0x9800  }
0x6e: {  	[tilespmem:s7], [sflag:$0x2] =	stream.indirect_vreg.gather [hbm4b:s4+s2], $0x80, v3, vm0, $0xb8;
	[tilespmem:$0x10100] =	vst v63  }
0x6f: {  	v3 =	vld [tilespmem:$0x10050];
	_ =	sdelay $0x4  }
0x70: {  	v53 =	vshll.u32 v3, $0x2  }
0x71: {  	v3 =	vand.u32 $0x7, v3;
	v4 =	vand.u32 $0xFFFFFFE0, v53  }
0x72: {  	v3 =	vor.u32 v3, v4  }
0x73: {  	v4 =	vperm.xlane v3, v0;
	_ =	sdelay $0x1  }
0x74: {  	v4 =	vadd.s32 v1, v4;
	_ =	sdelay $0x1  }
0x75: {  	v3 =	vperm.xlane v3, v2;
	_ =	sdelay $0x1  }
0x76: {  	v3 =	vadd.s32 v1, v3  }
0x77: {  	[tilespmem:s8], [sflag:$0x2] =	stream.indirect_vreg.gather [hbm4b:s3+s2], $0x80, v4, vm0, $0xb8;
	[tilespmem:$0x10100] =	vst v63  }
0x78: {  	_ = 	snop  }
0x79: {  	[tilespmem:s9], [sflag:$0x2] =	stream.indirect_vreg.gather [hbm4b:s4+s2], $0x80, v4, vm0, $0xb8;
	[tilespmem:$0x10100] =	vst v63  }
0x7a: {  	_ = 	snop  }
0x7b: {  	[tilespmem:s10], [sflag:$0x2] =	stream.indirect_vreg.gather [hbm4b:s3+s2], $0x80, v3, vm0, $0xb8;
	[tilespmem:$0x10100] =	vst v63  }
0x7c: {  	_ = 	snop  }
0x7d: {  	[tilespmem:s11], [sflag:$0x2] =	stream.indirect_vreg.gather [hbm4b:s4+s2], $0x80, v3, vm0, $0xb8;
	[tilespmem:$0x10100] =	vst v63  }
0x7e: {  	v3 =	vld [tilespmem:$0x10060];
	_ =	sdelay $0x4  }
0x7f: {  	v54 =	vshll.u32 v3, $0x2  }
0x80: {  	v3 =	vand.u32 $0x7, v3;
	v4 =	vand.u32 $0xFFFFFFE0, v54  }
0x81: {  	v3 =	vor.u32 v3, v4  }
0x82: {  	v4 =	vperm.xlane v3, v0;
	_ =	sdelay $0x1  }
0x83: {  	v4 =	vadd.s32 v1, v4;
	_ =	sdelay $0x1  }
0x84: {  	v3 =	vperm.xlane v3, v2;
	_ =	sdelay $0x1  }
0x85: {  	v3 =	vadd.s32 v1, v3  }
0x86: {  	[tilespmem:s22], [sflag:$0x2] =	stream.indirect_vreg.gather [hbm4b:s3+s2], $0x80, v4, vm0, $0xb8;
	[tilespmem:$0x10100] =	vst v63  }
0x87: {  	s1 =	simm.s32 $0xC800  }
0x88: {  	[tilespmem:s1], [sflag:$0x2] =	stream.indirect_vreg.gather [hbm4b:s4+s2], $0x80, v4, vm0, $0xb8;
	[tilespmem:$0x10100] =	vst v63  }
0x89: {  	s1 =	simm.s32 $0xD000  }
0x8a: {  	[tilespmem:s1], [sflag:$0x2] =	stream.indirect_vreg.gather [hbm4b:s3+s2], $0x80, v3, vm0, $0xb8;
	[tilespmem:$0x10100] =	vst v63  }
0x8b: {  	s1 =	simm.s32 $0xD800  }
0x8c: {  	[tilespmem:s1], [sflag:$0x2] =	stream.indirect_vreg.gather [hbm4b:s4+s2], $0x80, v3, vm0, $0xb8;
	[tilespmem:$0x10100] =	vst v63  }
0x8d: {  	v3 =	vld [tilespmem:$0x10070];
	_ =	sdelay $0x4  }
0x8e: {  	v55 =	vshll.u32 v3, $0x2  }
0x8f: {  	v3 =	vand.u32 $0x7, v3;
	v4 =	vand.u32 $0xFFFFFFE0, v55  }
0x90: {  	v3 =	vor.u32 v3, v4  }
0x91: {  	v4 =	vperm.xlane v3, v0;
	_ =	sdelay $0x1  }
0x92: {  	v4 =	vadd.s32 v1, v4;
	_ =	sdelay $0x1  }
0x93: {  	v3 =	vperm.xlane v3, v2;
	_ =	sdelay $0x1  }
0x94: {  	s1 =	simm.s32 $0xE000;
	v3 =	vadd.s32 v1, v3  }
0x95: {  	[tilespmem:s1], [sflag:$0x2] =	stream.indirect_vreg.gather [hbm4b:s3+s2], $0x80, v4, vm0, $0xb8;
	[tilespmem:$0x10100] =	vst v63  }
0x96: {  	s1 =	simm.s32 $0xE800  }
0x97: {  	[tilespmem:s1], [sflag:$0x2] =	stream.indirect_vreg.gather [hbm4b:s4+s2], $0x80, v4, vm0, $0xb8;
	[tilespmem:$0x10100] =	vst v63  }
0x98: {  	s1 =	simm.s32 $0xF000  }
0x99: {  	[tilespmem:s1], [sflag:$0x2] =	stream.indirect_vreg.gather [hbm4b:s3+s2], $0x80, v3, vm0, $0xb8;
	[tilespmem:$0x10100] =	vst v63  }
0x9a: {  	s1 =	simm.s32 $0xF800  }
0x9b: {  	[tilespmem:s1], [sflag:$0x2] =	stream.indirect_vreg.gather [hbm4b:s4+s2], $0x80, v3, vm0, $0xb8;
	[tilespmem:$0x10100] =	vst v63  }
0x9c: {  	s14 =	rddreg [dreg:$0x5]  }
0x9d: {  	[hbm4b:s14+s2] =	stream.linear.scatter [tilespmem:s2], [sflag:$0x3], $0x8000, $0x38;
	[tilespmem:$0x10100] =	vst v63  }
0x9e: {  	_ =	swait.ge [sflag:s12], $0x8000  }
0x9f: {  	[sflag:s12] =	ssyncset.done $0x0  }
0xa0: {  	[sflag:s12] =	ssyncadd.s32 $0xFFFF8000  }
0xa1: {  	_ =	swait.ge [sflag:s13], $0x8000  }
0xa2: {  	[sflag:s13] =	ssyncset.done $0x0  }
0xa3: {  	[sflag:s13] =	ssyncadd.s32 $0xFFFF8000  }
0xa4: {  	v3 =	vld [tilespmem:$0x10080];
	_ =	sdelay $0x4  }
0xa5: {  	v56 =	vshll.u32 v3, $0x2  }
0xa6: {  	v3 =	vand.u32 $0x7, v3;
	v4 =	vand.u32 $0xFFFFFFE0, v56  }
0xa7: {  	v3 =	vor.u32 v3, v4  }
0xa8: {  	v4 =	vperm.xlane v3, v0;
	_ =	sdelay $0x1  }
0xa9: {  	v4 =	vadd.s32 v1, v4;
	_ =	sdelay $0x1  }
0xaa: {  	v3 =	vperm.xlane v3, v2;
	_ =	sdelay $0x1  }
0xab: {  	v3 =	vadd.s32 v1, v3  }
0xac: {  	[tilespmem:s2], [sflag:$0x1] =	stream.indirect_vreg.gather [hbm4b:s3+s2], $0x80, v4, vm0, $0xb8;
	[tilespmem:$0x10100] =	vst v63  }
0xad: {  	_ = 	snop  }
0xae: {  	[tilespmem:s15], [sflag:$0x1] =	stream.indirect_vreg.gather [hbm4b:s4+s2], $0x80, v4, vm0, $0xb8;
	[tilespmem:$0x10100] =	vst v63  }
0xaf: {  	_ = 	snop  }
0xb0: {  	[tilespmem:s16], [sflag:$0x1] =	stream.indirect_vreg.gather [hbm4b:s3+s2], $0x80, v3, vm0, $0xb8;
	[tilespmem:$0x10100] =	vst v63  }
0xb1: {  	_ = 	snop  }
0xb2: {  	[tilespmem:s17], [sflag:$0x1] =	stream.indirect_vreg.gather [hbm4b:s4+s2], $0x80, v3, vm0, $0xb8;
	[tilespmem:$0x10100] =	vst v63  }
0xb3: {  	v3 =	vld [tilespmem:$0x10090];
	_ =	sdelay $0x4  }
0xb4: {  	v57 =	vshll.u32 v3, $0x2  }
0xb5: {  	v3 =	vand.u32 $0x7, v3;
	v4 =	vand.u32 $0xFFFFFFE0, v57  }
0xb6: {  	v3 =	vor.u32 v3, v4  }
0xb7: {  	v4 =	vperm.xlane v3, v0;
	_ =	sdelay $0x1  }
0xb8: {  	v4 =	vadd.s32 v1, v4;
	_ =	sdelay $0x1  }
0xb9: {  	v3 =	vperm.xlane v3, v2;
	_ =	sdelay $0x1  }
0xba: {  	v3 =	vadd.s32 v1, v3  }
0xbb: {  	[tilespmem:s18], [sflag:$0x1] =	stream.indirect_vreg.gather [hbm4b:s3+s2], $0x80, v4, vm0, $0xb8;
	[tilespmem:$0x10100] =	vst v63  }
0xbc: {  	_ = 	snop  }
0xbd: {  	[tilespmem:s19], [sflag:$0x1] =	stream.indirect_vreg.gather [hbm4b:s4+s2], $0x80, v4, vm0, $0xb8;
	[tilespmem:$0x10100] =	vst v63  }
0xbe: {  	_ = 	snop  }
0xbf: {  	[tilespmem:s20], [sflag:$0x1] =	stream.indirect_vreg.gather [hbm4b:s3+s2], $0x80, v3, vm0, $0xb8;
	[tilespmem:$0x10100] =	vst v63  }
0xc0: {  	_ = 	snop  }
0xc1: {  	[tilespmem:s21], [sflag:$0x1] =	stream.indirect_vreg.gather [hbm4b:s4+s2], $0x80, v3, vm0, $0xb8;
	[tilespmem:$0x10100] =	vst v63  }
0xc2: {  	v3 =	vld [tilespmem:$0x100A0];
	_ =	sdelay $0x4  }
0xc3: {  	v58 =	vshll.u32 v3, $0x2  }
0xc4: {  	v3 =	vand.u32 $0x7, v3;
	v4 =	vand.u32 $0xFFFFFFE0, v58  }
0xc5: {  	v3 =	vor.u32 v3, v4  }
0xc6: {  	v4 =	vperm.xlane v3, v0;
	_ =	sdelay $0x1  }
0xc7: {  	v4 =	vadd.s32 v1, v4;
	_ =	sdelay $0x1  }
0xc8: {  	v3 =	vperm.xlane v3, v2;
	_ =	sdelay $0x1  }
0xc9: {  	v3 =	vadd.s32 v1, v3  }
0xca: {  	[tilespmem:s23], [sflag:$0x1] =	stream.indirect_vreg.gather [hbm4b:s3+s2], $0x80, v4, vm0, $0xb8;
	[tilespmem:$0x10100] =	vst v63  }
0xcb: {  	_ = 	snop  }
0xcc: {  	[tilespmem:s24], [sflag:$0x1] =	stream.indirect_vreg.gather [hbm4b:s4+s2], $0x80, v4, vm0, $0xb8;
	[tilespmem:$0x10100] =	vst v63  }
0xcd: {  	_ = 	snop  }
0xce: {  	[tilespmem:s25], [sflag:$0x1] =	stream.indirect_vreg.gather [hbm4b:s3+s2], $0x80, v3, vm0, $0xb8;
	[tilespmem:$0x10100] =	vst v63  }
0xcf: {  	_ = 	snop  }
0xd0: {  	[tilespmem:s26], [sflag:$0x1] =	stream.indirect_vreg.gather [hbm4b:s4+s2], $0x80, v3, vm0, $0xb8;
	[tilespmem:$0x10100] =	vst v63  }
0xd1: {  	v3 =	vld [tilespmem:$0x100B0];
	_ =	sdelay $0x4  }
0xd2: {  	v59 =	vshll.u32 v3, $0x2  }
0xd3: {  	v3 =	vand.u32 $0x7, v3;
	v4 =	vand.u32 $0xFFFFFFE0, v59  }
0xd4: {  	v3 =	vor.u32 v3, v4  }
0xd5: {  	v4 =	vperm.xlane v3, v0;
	_ =	sdelay $0x1  }
0xd6: {  	v4 =	vadd.s32 v1, v4;
	_ =	sdelay $0x1  }
0xd7: {  	v3 =	vperm.xlane v3, v2;
	_ =	sdelay $0x1  }
0xd8: {  	v3 =	vadd.s32 v1, v3  }
0xd9: {  	[tilespmem:s28], [sflag:$0x1] =	stream.indirect_vreg.gather [hbm4b:s3+s2], $0x80, v4, vm0, $0xb8;
	[tilespmem:$0x10100] =	vst v63  }
0xda: {  	_ = 	snop  }
0xdb: {  	[tilespmem:s29], [sflag:$0x1] =	stream.indirect_vreg.gather [hbm4b:s4+s2], $0x80, v4, vm0, $0xb8;
	[tilespmem:$0x10100] =	vst v63  }
0xdc: {  	_ = 	snop  }
0xdd: {  	[tilespmem:s30], [sflag:$0x1] =	stream.indirect_vreg.gather [hbm4b:s3+s2], $0x80, v3, vm0, $0xb8;
	[tilespmem:$0x10100] =	vst v63  }
0xde: {  	_ = 	snop  }
0xdf: {  	[tilespmem:s31], [sflag:$0x1] =	stream.indirect_vreg.gather [hbm4b:s4+s2], $0x80, v3, vm0, $0xb8;
	[tilespmem:$0x10100] =	vst v63  }
0xe0: {  	s1 =	rddreg [dreg:$0x6]  }
0xe1: {  	[hbm4b:s1+s2] =	stream.linear.scatter [tilespmem:s0], [sflag:$0x3], $0x8000, $0x38;
	[tilespmem:$0x10100] =	vst v63  }
0xe2: {  	_ =	swait.ge [sflag:s12], $0x8000  }
0xe3: {  	[sflag:s12] =	ssyncset.done $0x0  }
0xe4: {  	[sflag:s12] =	ssyncadd.s32 $0xFFFF8000  }
0xe5: {  	_ =	swait.ge [sflag:s6], $0x8000  }
0xe6: {  	[sflag:s6] =	ssyncset.done $0x0  }
0xe7: {  	[sflag:s6] =	ssyncadd.s32 $0xFFFF8000  }
0xe8: {  	v3 =	vld [tilespmem:$0x100C0];
	_ =	sdelay $0x4  }
0xe9: {  	v60 =	vshll.u32 v3, $0x2  }
0xea: {  	v3 =	vand.u32 $0x7, v3;
	v4 =	vand.u32 $0xFFFFFFE0, v60  }
0xeb: {  	v3 =	vor.u32 v3, v4  }
0xec: {  	v4 =	vperm.xlane v3, v0;
	_ =	sdelay $0x1  }
0xed: {  	v4 =	vadd.s32 v1, v4;
	_ =	sdelay $0x1  }
0xee: {  	v3 =	vperm.xlane v3, v2;
	_ =	sdelay $0x1  }
0xef: {  	v3 =	vadd.s32 v1, v3  }
0xf0: {  	[tilespmem:s0], [sflag:$0x2] =	stream.indirect_vreg.gather [hbm4b:s3+s2], $0x80, v4, vm0, $0xb8;
	[tilespmem:$0x10100] =	vst v63  }
0xf1: {  	s15 =	simm.s32 $0x8800  }
0xf2: {  	[tilespmem:s15], [sflag:$0x2] =	stream.indirect_vreg.gather [hbm4b:s4+s2], $0x80, v4, vm0, $0xb8;
	[tilespmem:$0x10100] =	vst v63  }
0xf3: {  	s14 =	simm.s32 $0x9000  }
0xf4: {  	[tilespmem:s14], [sflag:$0x2] =	stream.indirect_vreg.gather [hbm4b:s3+s2], $0x80, v3, vm0, $0xb8;
	[tilespmem:$0x10100] =	vst v63  }
0xf5: {  	_ = 	snop  }
0xf6: {  	[tilespmem:s7], [sflag:$0x2] =	stream.indirect_vreg.gather [hbm4b:s4+s2], $0x80, v3, vm0, $0xb8;
	[tilespmem:$0x10100] =	vst v63  }
0xf7: {  	v3 =	vld [tilespmem:$0x100D0];
	_ =	sdelay $0x4  }
0xf8: {  	v61 =	vshll.u32 v3, $0x2  }
0xf9: {  	v3 =	vand.u32 $0x7, v3;
	v4 =	vand.u32 $0xFFFFFFE0, v61  }
0xfa: {  	v3 =	vor.u32 v3, v4  }
0xfb: {  	v4 =	vperm.xlane v3, v0;
	_ =	sdelay $0x1  }
0xfc: {  	v4 =	vadd.s32 v1, v4;
	_ =	sdelay $0x1  }
0xfd: {  	v3 =	vperm.xlane v3, v2;
	_ =	sdelay $0x1  }
0xfe: {  	v3 =	vadd.s32 v1, v3  }
0xff: {  	[tilespmem:s8], [sflag:$0x2] =	stream.indirect_vreg.gather [hbm4b:s3+s2], $0x80, v4, vm0, $0xb8;
	[tilespmem:$0x10100] =	vst v63  }
0x100: {  	_ = 	snop  }
0x101: {  	[tilespmem:s9], [sflag:$0x2] =	stream.indirect_vreg.gather [hbm4b:s4+s2], $0x80, v4, vm0, $0xb8;
	[tilespmem:$0x10100] =	vst v63  }
0x102: {  	_ = 	snop  }
0x103: {  	[tilespmem:s10], [sflag:$0x2] =	stream.indirect_vreg.gather [hbm4b:s3+s2], $0x80, v3, vm0, $0xb8;
	[tilespmem:$0x10100] =	vst v63  }
0x104: {  	_ = 	snop  }
0x105: {  	[tilespmem:s11], [sflag:$0x2] =	stream.indirect_vreg.gather [hbm4b:s4+s2], $0x80, v3, vm0, $0xb8;
	[tilespmem:$0x10100] =	vst v63  }
0x106: {  	v3 =	vld [tilespmem:$0x100E0];
	_ =	sdelay $0x4  }
0x107: {  	v62 =	vshll.u32 v3, $0x2  }
0x108: {  	v3 =	vand.u32 $0x7, v3;
	v4 =	vand.u32 $0xFFFFFFE0, v62  }
0x109: {  	v3 =	vor.u32 v3, v4  }
0x10a: {  	v4 =	vperm.xlane v3, v0;
	_ =	sdelay $0x1  }
0x10b: {  	v4 =	vadd.s32 v1, v4;
	_ =	sdelay $0x1  }
0x10c: {  	v3 =	vperm.xlane v3, v2;
	_ =	sdelay $0x1  }
0x10d: {  	v3 =	vadd.s32 v1, v3  }
0x10e: {  	[tilespmem:s22], [sflag:$0x2] =	stream.indirect_vreg.gather [hbm4b:s3+s2], $0x80, v4, vm0, $0xb8;
	[tilespmem:$0x10100] =	vst v63  }
0x10f: {  	s15 =	simm.s32 $0xC800  }
0x110: {  	[tilespmem:s15], [sflag:$0x2] =	stream.indirect_vreg.gather [hbm4b:s4+s2], $0x80, v4, vm0, $0xb8;
	[tilespmem:$0x10100] =	vst v63  }
0x111: {  	s7 =	simm.s32 $0xD000  }
0x112: {  	[tilespmem:s7], [sflag:$0x2] =	stream.indirect_vreg.gather [hbm4b:s3+s2], $0x80, v3, vm0, $0xb8;
	[tilespmem:$0x10100] =	vst v63  }
0x113: {  	s14 =	simm.s32 $0xD800  }
0x114: {  	[tilespmem:s14], [sflag:$0x2] =	stream.indirect_vreg.gather [hbm4b:s4+s2], $0x80, v3, vm0, $0xb8;
	[tilespmem:$0x10100] =	vst v63  }
0x115: {  	v3 =	vld [tilespmem:$0x100F0];
	_ =	sdelay $0x4  }
0x116: {  	v63 =	vshll.u32 v3, $0x2  }
0x117: {  	v3 =	vand.u32 $0x7, v3;
	v4 =	vand.u32 $0xFFFFFFE0, v63  }
0x118: {  	v3 =	vor.u32 v3, v4  }
0x119: {  	v4 =	vperm.xlane v3, v0;
	_ =	sdelay $0x1  }
0x11a: {  	v4 =	vadd.s32 v1, v4;
	_ =	sdelay $0x1  }
0x11b: {  	v3 =	vperm.xlane v3, v2;
	_ =	sdelay $0x1  }
0x11c: {  	s15 =	simm.s32 $0xE000;
	v3 =	vadd.s32 v1, v3  }
0x11d: {  	[tilespmem:s15], [sflag:$0x2] =	stream.indirect_vreg.gather [hbm4b:s3+s2], $0x80, v4, vm0, $0xb8;
	[tilespmem:$0x10100] =	vst v63  }
0x11e: {  	s7 =	simm.s32 $0xE800  }
0x11f: {  	[tilespmem:s7], [sflag:$0x2] =	stream.indirect_vreg.gather [hbm4b:s4+s2], $0x80, v4, vm0, $0xb8;
	[tilespmem:$0x10100] =	vst v63  }
0x120: {  	s14 =	simm.s32 $0xF000  }
0x121: {  	[tilespmem:s14], [sflag:$0x2] =	stream.indirect_vreg.gather [hbm4b:s3+s2], $0x80, v3, vm0, $0xb8;
	[tilespmem:$0x10100] =	vst v63  }
0x122: {  	s7 =	simm.s32 $0xF800  }
0x123: {  	[tilespmem:s7], [sflag:$0x2] =	stream.indirect_vreg.gather [hbm4b:s4+s2], $0x80, v3, vm0, $0xb8;
	[tilespmem:$0x10100] =	vst v63  }
0x124: {  	s15 =	rddreg [dreg:$0x7]  }
0x125: {  	[hbm4b:s15+s2] =	stream.linear.scatter [tilespmem:s2], [sflag:$0x3], $0x8000, $0x38;
	[tilespmem:$0x10100] =	vst v63  }
0x126: {  	_ =	swait.ge [sflag:s12], $0x8000  }
0x127: {  	[sflag:s12] =	ssyncset.done $0x0  }
0x128: {  	[sflag:s12] =	ssyncadd.s32 $0xFFFF8000  }
0x129: {  	_ =	swait.ge [sflag:s13], $0x8000  }
0x12a: {  	p0 =	sne.s32 s5, $0x1;
	[sflag:s13] =	ssyncset.done $0x0  }
.Ltmp0:
0x12b: {  	s15 =	rddreg [dreg:$0x8];
	[sflag:s13] =	ssyncadd.s32 $0xFFFF8000;
	(pc) =	sbr.rel @p0 .LBB2_1-.Ltmp0, $4  }
0x12c: {  	[hbm4b:s15+s2] =	stream.linear.scatter [tilespmem:s0], [sflag:$0x3], $0x8000, $0x38;
	[tilespmem:$0x10100] =	vst v63  }
0x12d: {  	_ =	swait.ge [sflag:s12], $0x8000  }
0x12e: {  	[sflag:s12] =	ssyncset.done $0x0  }
0x12f: {  	s5 =	sadd.s32 $0xFFFFFFFF, s5;
	[sflag:s12] =	ssyncadd.s32 $0xFFFF8000  }
0x130: {  	_ =	sfence.sel $0x180000  }
0x131: {  	[bflag:$0x0] =	sbarrier.arrive $0xFFFF  }
0x132: {  	_ =	strace $0x9000004A  }
0x133: {  	s0 =	stileid.u32;
	[bflag:$0x2] =	sbarrier.arrive $0xFFFF  }
0x134: {  	p0 =	sne.s32 s0, $0x0;
	s0 =	rddreg [dreg:$0x3]  }
0x135: {  	s0 =	sadd.s32 @!p0 $0x100000, s0  }
0x136: {  	[sflag:s0] =	ssyncadd.tile.s32 @!p0 $0x1;
	_ =	shalt  }
.Lfunc_end2:
_tile_overlayer_lowered:
.L_overlay_start_2:
0x137: {  	(tag) =	ssettag $0x2  }
0x138: {  	s0 =	rddreg [dreg:$0x0];
	s2 =	stileid.u32  }
0x139: {  	s1 =	rddreg [dreg:$0x1];
	p0 =	sne.s32 s2, $0x0  }
0x13a: {  	s3 =	rddreg [dreg:$0x2];
	[bflag:$0x3] =	sbarrier.arrive $0xFFFF;
	s2 =	simm.s32 @!p0 $0x1C03  }
0x13b: {  	[timem:s3], [sflag:s2] =	dma.local @!p0 [hbm:s0], s1  }
0x13c: {  	s0 =	simm.s32 @!p0 $0x3  }
0x13d: {  	_ =	swait.ge @!p0 [sflag:s0], s1  }
0x13e: {  	s1 =	ssub.s32 @!p0 $0x0, s1;
	[sflag:s0] =	ssyncset.done @!p0 $0x0  }
0x13f: {  	[sflag:s0] =	ssyncadd.s32 @!p0 s1  }
0x140: {  	[bflag:$0x3] =	sbarrier.arrive $0xFFFF  }
0x141: {  	_ =	shalt  }

// kernel: kernel.7.cloned.1.call-start
scs
__scs_entry_jumppad:
0x0: {  	(pc) =	sbr.rel $0x88, $3  }
0x1: {  	(tag) =	ssettag $0x0;
	lr =	simm.s32 $0x1  }
0x2: {  	[smem:$0x3F99] =	sst lr;
	_ =	strace $0xD0000000  }
0x3: {  	_ = 	snop  }
0x4: {  	_ = 	snop  }
0x5: {  	_ = 	snop  }
0x6: {  	_ = 	snop  }
0x7: {  	_ = 	snop  }
__scs_overlays_trampoline_lowered:
0x8: {  	[smem:$0x3FA8] =	sst s0  }
0x9: {  	[smem:$0x3FA9] =	sst s1  }
0xa: {  	[smem:$0x3FAA] =	sst s2  }
0xb: {  	[smem:$0x3FAB] =	sst s3  }
0xc: {  	[smem:$0x3FAC] =	sst s4  }
0xd: {  	[smem:$0x3FAD] =	sst s5  }
0xe: {  	[smem:$0x3FAE] =	sst s6  }
0xf: {  	[smem:$0x3FAF] =	sst s7  }
0x10: {  	[smem:$0x3FB0] =	sst s8  }
0x11: {  	[smem:$0x3FB1] =	sst s9;
	s0 =	simm.s32 @!p0 $0x0  }
0x12: {  	s1 =	sld [smem:$0x3F97];
	s0 =	simm.s32 @p0 $0x1  }
0x13: {  	[smem:$0x3FB2] =	sst s0;
	s0 =	simm.s32 @!p1 $0x0  }
0x14: {  	s2 =	sld [smem:$0x3F96];
	s0 =	simm.s32 @p1 $0x1  }
0x15: {  	[smem:$0x3FB3] =	sst s0;
	s0 =	simm.s32 @!p2 $0x0  }
0x16: {  	s3 =	sld [smem:$0x3FDB];
	s0 =	simm.s32 @p2 $0x1  }
0x17: {  	s4 =	simm.s32 $0x1BF5;
	[smem:$0x3FB5] =	sst s0  }
0x18: {  	s0 =	sld [smem:$0x3F98];
	_ =	swait.ge [sflag:s4], $0x0  }
0x19: {  	s7 =	sld [smem:$0x3F99]  }
0x1a: {  	s8 =	sadd.s32 $0xFFFFE003, lr  }
0x1b: {  	s9 =	sadd.s32 $0xFFFFFEF7, lr;
	s5 =	simm.s32 $0xFFFFFFFF;
	p2 =	slt.u32 s8, $0xFFFFF086  }
0x1c: {  	p1 =	slt.u32 s9, $0xF7A;
	s5 =	simm.s32 @!p2 $0x0  }
0x1d: {  	s5 =	simm.s32 @p1 $0x1;
	p0 =	seq.s32 s7, s2  }
0x1e: {  	s7 =	smul.u32 @!p0 $0xF7A, s2;
	p2 =	seq.s32 @!p0 s5, $0x0  }
0x1f: {  	s9 =	smul.u32 $0xF7A, s1;
	s8 =	simm.s32 @!p0 $0x1BF5;
	p2 =	por !p2, p0  }
0x20: {  	[sflag:s8] =	ssyncset.s32 @!p0 $0xFFFFF086;
	s6 =	sadd.s32 @!p0 s3, s7;
	s7 =	simm.s32 @!p0 $0x108  }
0x21: {  	s3 =	sadd.s32 s3, s9;
	s6 =	sadd.s32 @!p0 $0x88, s6;
	s7 =	simm.s32 @p2 $0x1082  }
0x22: {  	[simem:s7], [sflag:s8] =	dma.local @!p0 [hbm:s6], $0xF7A  }
0x23: {  	s9 =	sor.u32 $0xD0000000, s2;
	s6 =	simm.s32 $0x108;
	_ =	swait.ge @!p0 [sflag:s8], $0x0  }
0x24: {  	s3 =	sadd.s32 $0x88, s3;
	s6 =	simm.s32 @!p1 $0x1082;
	[sflag:s4] =	ssyncset.s32 $0xFFFFF086  }
0x25: {  	[simem:s6], [sflag:s4] =	dma.local [hbm:s3], $0xF7A  }
0x26: {  	[smem:$0x3F99] =	sst s1;
	(tag) =	ssettag s2;
	_ =	strace s9  }
0x27: {  	s1 =	sld [smem:$0x3FA9]  }
0x28: {  	s2 =	sld [smem:$0x3FAA]  }
0x29: {  	s4 =	sld [smem:$0x3FAC]  }
0x2a: {  	p0 =	seq.s32 s5, $0x0;
	s5 =	sld [smem:$0x3FAD]  }
0x2b: {  	s6 =	sld [smem:$0x3FAE]  }
0x2c: {  	s7 =	sld [smem:$0x3FAF]  }
0x2d: {  	s3 =	simm.s32 $0x108;
	s8 =	sld [smem:$0x3FB0]  }
0x2e: {  	s3 =	simm.s32 @!p0 $0x1082;
	s9 =	sld [smem:$0x3FB1]  }
0x2f: {  	lr =	sadd.s32 s0, s3;
	s0 =	sld [smem:$0x3FA8]  }
0x30: {  	s3 =	sld [smem:$0x3FAB]  }
0x31: {  	[smem:$0x3FB4] =	sst s10  }
0x32: {  	s10 =	sld [smem:$0x3FB2];
	_ =	sdelay $0x3  }
0x33: {  	p0 =	seq.s32 s10, $0x1;
	s10 =	sld [smem:$0x3FB4];
	_ =	sdelay $0x3  }
0x34: {  	[smem:$0x3FB4] =	sst s10  }
0x35: {  	s10 =	sld [smem:$0x3FB3];
	_ =	sdelay $0x3  }
0x36: {  	p1 =	seq.s32 s10, $0x1;
	s10 =	sld [smem:$0x3FB4];
	_ =	sdelay $0x3  }
0x37: {  	[smem:$0x3FB4] =	sst s10  }
0x38: {  	s10 =	sld [smem:$0x3FB5]  }
0x39: {  	_ = 	snop;
	(pc) =	sbr.ind lr, $3  }
0x3a: {  	_ = 	snop  }
0x3b: {  	_ = 	snop  }
0x3c: {  	p2 =	seq.s32 s10, $0x1;
	s10 =	sld [smem:$0x3FB4]  }
0x3d: {  	_ =	shalt  }
0x3e: {  	_ =	shalt  }
0x3f: {  	_ =	shalt  }
0x40: {  	_ =	shalt  }
0x41: {  	_ =	shalt  }
0x42: {  	_ =	shalt  }
0x43: {  	_ =	shalt  }
0x44: {  	_ =	shalt  }
0x45: {  	_ =	shalt  }
0x46: {  	_ =	shalt  }
0x47: {  	_ =	shalt  }
0x48: {  	_ =	shalt  }
0x49: {  	_ =	shalt  }
0x4a: {  	_ =	shalt  }
0x4b: {  	_ =	shalt  }
0x4c: {  	_ =	shalt  }
0x4d: {  	_ =	shalt  }
0x4e: {  	_ =	shalt  }
0x4f: {  	_ =	shalt  }
0x50: {  	_ =	shalt  }
0x51: {  	_ =	shalt  }
0x52: {  	_ =	shalt  }
0x53: {  	_ =	shalt  }
0x54: {  	_ =	shalt  }
0x55: {  	_ =	shalt  }
0x56: {  	_ =	shalt  }
0x57: {  	_ =	shalt  }
0x58: {  	_ =	shalt  }
0x59: {  	_ =	shalt  }
0x5a: {  	_ =	shalt  }
0x5b: {  	_ =	shalt  }
0x5c: {  	_ =	shalt  }
0x5d: {  	_ =	shalt  }
0x5e: {  	_ =	shalt  }
0x5f: {  	_ =	shalt  }
0x60: {  	_ =	shalt  }
0x61: {  	_ =	shalt  }
0x62: {  	_ =	shalt  }
0x63: {  	_ =	shalt  }
0x64: {  	_ =	shalt  }
0x65: {  	_ =	shalt  }
0x66: {  	_ =	shalt  }
0x67: {  	_ =	shalt  }
0x68: {  	_ =	shalt  }
0x69: {  	_ =	shalt  }
0x6a: {  	_ =	shalt  }
0x6b: {  	_ =	shalt  }
0x6c: {  	_ =	shalt  }
0x6d: {  	_ =	shalt  }
0x6e: {  	_ =	shalt  }
0x6f: {  	_ =	shalt  }
0x70: {  	_ =	shalt  }
0x71: {  	_ =	shalt  }
0x72: {  	_ =	shalt  }
0x73: {  	_ =	shalt  }
0x74: {  	_ =	shalt  }
0x75: {  	_ =	shalt  }
0x76: {  	_ =	shalt  }
0x77: {  	_ =	shalt  }
0x78: {  	_ =	shalt  }
0x79: {  	_ =	shalt  }
0x7a: {  	_ =	shalt  }
0x7b: {  	_ =	shalt  }
0x7c: {  	_ =	shalt  }
0x7d: {  	_ =	shalt  }
0x7e: {  	_ =	shalt  }
0x7f: {  	_ =	shalt  }
0x80: {  	_ =	shalt  }
0x81: {  	_ =	shalt  }
0x82: {  	_ =	shalt  }
0x83: {  	_ =	shalt  }
0x84: {  	_ =	shalt  }
0x85: {  	_ =	shalt  }
0x86: {  	_ =	shalt  }
0x87: {  	_ =	shalt  }
.Lfunc_end0:
.L_simem_size_0:
called_computation_lowered:
.L_overlay_start_0:
0x88: {  	s2 =	sld [smem:$0x3FD9]  }
0x89: {  	s3 =	sld [smem:$0x3FFE];
	_ =	sdelay $0x1  }
0x8a: {  	s1 =	srdreg.scid  }
0x8b: {  	s0 =	sand.u32 $0x1, s1  }
0x8c: {  	s14 =	sshll.u32 s0, $0xA;
	s2 =	sadd.s32 s3, s2  }
0x8d: {  	s2 =	sadd.s32 s2, s14  }
0x8e: {  	[smem:$0x3FC0] =	sst s2  }
0x8f: {  	_ = 	snop  }
0x90: {  	s2 =	sld [smem:$0x3FD0];
	_ =	sdelay $0x2  }
0x91: {  	s15 =	simm.s32 $0xA;
	s4 =	simm.s32 $0x10  }
0x92: {  	[smem:s4], [sflag:s15] =	dma.local [hbm:s2], $0x1  }
0x93: {  	_ =	swait.eq [sflag:s15], $0x1  }
0x94: {  	[sflag:s15] =	ssyncset.done $0x0  }
0x95: {  	s16 =	sld [smem:$0x10];
	[sflag:s15] =	ssyncadd.s32 $0xFFFFFFFF  }
0x96: {  	s17 =	sld [smem:$0x11];
	(tm) =	ssettm $0x1  }
0x97: {  	s18 =	sld [smem:$0x3FFB];
	_ =	sdelay $0x3  }
0x98: {  	_ =	strace s18  }
0x99: {  	s4 =	sld [smem:$0x3FFC];
	_ =	sdelay $0x3  }
0x9a: {  	_ =	strace s4  }
0x9b: {  	s4 =	sld [smem:$0x3FFD];
	_ =	sdelay $0x3  }
0x9c: {  	_ =	strace s4  }
0x9d: {  	_ =	strace $0x8FFFFFFF  }
0x9e: {  	s19 =	sld [smem:$0x3FDB];
	_ =	sdelay $0x1  }
0x9f: {  	s5 =	simm.s32 $_scs_section_size  }
0xa0: {  	s6 =	simm.s32 $_size__tile_overlayer_lowered;
	s7 =	simm.s32 $_tile_overlayer_lowered  }
0xa1: {  	s22 =	simm.s32 $0x1BFF;
	s21 =	sshll.u32 s7, $0x1;
	s4 =	sadd.s32 s5, s19  }
0xa2: {  	s8 =	simm.s32 $0x0;
	s20 =	sshll.u32 s6, $0x1;
	s6 =	sadd.s32 s21, s4  }
0xa3: {  	[timem:s8], [sflag:s22] =	dma.local [hbm:s6], s20  }
0xa4: {  	_ =	swait.ge [sflag:s22], s20  }
0xa5: {  	s5 =	ssub.s32 $0x0, s20;
	[sflag:s22] =	ssyncset.done $0x0  }
0xa6: {  	[sflag:s22] =	ssyncadd.s32 s5;
	_ =	sdelay $0x1  }
0xa7: {  	s23 =	simm.s32 $0x1B8B  }
0xa8: {  	_ =	swait.ge [sflag:s23], $0x1  }
0xa9: {  	[sflag:s23] =	ssyncset.done $0x0  }
0xaa: {  	s25 =	simm.s32 $0x1B8E;
	s24 =	sld [smem:$0x3FFE];
	[sflag:s23] =	ssyncadd.s32 $0xFFFFFFFF  }
0xab: {  	s26 =	simm.s32 $execute0_lowered;
	[smem:$0x3FD2] =	sst s25  }
0xac: {  	s6 =	sshll.u32 s26, $0x1;
	_ =	strace $0x80000046;
	[dreg:$0x1] =	wrdreg $0xFFFFFFFF  }
0xad: {  	s28 =	simm.s32 $_size_execute0_lowered;
	s4 =	sadd.s32 s4, s6;
	[dreg:$0x0] =	wrdreg $0x0  }
0xae: {  	s6 =	sshll.u32 s28, $0x1;
	[dreg:$0x2] =	wrdreg s4  }
0xaf: {  	[dreg:$0x3] =	wrdreg s6  }
0xb0: {  	[dreg:$0x4] =	wrdreg $0xC0  }
0xb1: {  	_ =	task [dreg:s8], $0x5FFFF  }
0xb2: {  	[dreg:$0x1] =	wrdreg $0xFFFFFFFF  }
0xb3: {  	[dreg:$0x0] =	wrdreg $0x60  }
0xb4: {  	[dreg:$0x2] =	wrdreg s17  }
0xb5: {  	[dreg:$0x3] =	wrdreg s24  }
0xb6: {  	[dreg:$0x4] =	wrdreg s16  }
0xb7: {  	[dreg:$0x5] =	wrdreg $0x9  }
0xb8: {  	_ =	task.clear_ibuf [dreg:s8], $0x6FFFF;
	_ =	strace $0x90000046  }
0xb9: {  	s29 =	simm.s32 $0x9;
	_ =	strace $0x80000048  }
0xba: {  	_ =	swait.ge [sflag:s29], $0x1  }
0xbb: {  	[sflag:s29] =	ssyncadd.s32 $0xFFFFFFFF  }
0xbc: {  	_ =	strace $0x90000048  }
0xbd: {  	_ =	sfence  }
0xbe: {  	s30 =	sld [smem:$0x0];
	_ =	sdelay $0x2  }
0xbf: {  	s31 =	sshll.u32 s1, $0xD;
	s1 =	sshrl.u32 s1, $0x2  }
0xc0: {  	s3 =	sand.u32 $0x4000, s31;
	s1 =	sadd.s32 s1, s30  }
0xc1: {  	s0 =	sor.u32 s3, s0;
	s1 =	sshll.u32 s1, $0x11  }
0xc2: {  	s0 =	sor.u32 s1, s0  }
0xc3: {  	s0 =	sadd.s32 $0x8F2B, s0  }
0xc4: {  	[sflag:s0] =	ssyncadd.remote.s32 $0x1  }
0xc5: {  	_ =	sfence.sel $0xFFFF  }
0xc6: {  	[dreg:$0x0] =	wrdreg $0xFFFFFFFF;
	(pc) =	sbr.abs _section_cstart, $3  }
0xc7: {  	[dreg:$0x1] =	wrdreg $0xFFFFFFFF  }
0xc8: {  	_ =	task.clear_ibuf [dreg:s8], $0x2FFFF;
	_ =	strace $0x9FFFFFFF  }
0xc9: {  	(tm) =	ssettm $0x7FFFFFFF  }
tec
execute0_lowered:
.L_overlay_start_1:
0x0: {  	(tag) =	ssettag $0x1  }
0x1: {  	s0 =	rddreg [dreg:$0x0]  }
0x2: {  	s1 =	rddreg [dreg:$0x1]  }
0x3: {  	s2 =	rddreg [dreg:$0x2];
	s4 =	srdreg.scid;
	s3 =	simm.s32 $0x0  }
0x4: {  	s6 =	stileid.u32;
	s25 =	simm.s32 $0x18000;
	s26 =	simm.s32 $0x18080  }
0x5: {  	s8 =	simm.s32 $0x1;
	s12 =	simm.s32 $0x2800;
	s13 =	simm.s32 $0x3000  }
0x6: {  	s14 =	simm.s32 $0x3800;
	s15 =	simm.s32 $0x4000;
	s16 =	simm.s32 $0x4800  }
0x7: {  	s17 =	simm.s32 $0x5000;
	s18 =	simm.s32 $0x5800;
	s28 =	simm.s32 $0xA000  }
0x8: {  	s29 =	simm.s32 $0xA800;
	s30 =	simm.s32 $0xB000;
	s31 =	simm.s32 $0xB800  }
0x9: {  	s5 =	sand.u32 $0x1, s4;
	[smem:$0x7FF] =	sst s3;
	s19 =	sshll.u32 s6, $0x8  }
0xa: {  	s20 =	sshll.u32 s5, $0x7;
	_ =	strace $0x80000047;
	[dreg:$0x8] =	wrdreg s25  }
0xb: {  	s5 =	ssub.s32 $0x2, s5;
	[dreg:$0x9] =	wrdreg s26;
	s25 =	simm.s32 $0x9000  }
0xc: {  	s26 =	simm.s32 $0x9800;
	s4 =	sor.u32 s20, s19;
	s23 =	sshrl.u32 s5, $0x1  }
0xd: {  	s19 =	simm.s32 $0x6000;
	s20 =	simm.s32 $0x6800;
	s6 =	sshll.u32 s4, $0x5  }
0xe: {  	s7 =	sshrl.u32 s4, $0x3;
	s4 =	sshll.u32 s4, $0x6;
	s6 =	sadd.s32 s6, s1  }
0xf: {  	s7 =	sadd.s32 s7, s1;
	s0 =	sadd.s32 s0, s4;
	s4 =	sadd.s32 $0x23200, s1  }
0x10: {  	[dreg:$0x4] =	wrdreg s0;
	s21 =	sadd.s32 $0x2E00, s6;
	s22 =	sadd.s32 $0x22E00, s7  }
0x11: {  	s24 =	sadd.s32 $0x23000, s7;
	s6 =	ssub.s32 s5, s23;
	[dreg:$0x5] =	wrdreg s21  }
0x12: {  	v2 =	vlaneseq.u32;
	s5 =	sadd.s32 $0x23300, s1;
	s0 =	simm.s32 $0x2;
	[dreg:$0x6] =	wrdreg s22  }
0x13: {  	vm0 =	vmmov $0xffff;
	v1 =	vshrl.u32 v2, $0x3;
	s23 =	simm.s32 $0x8000;
	[dreg:$0x7] =	wrdreg s24;
	s6 =	smax.u32 s6, $0x1  }
0x14: {  	v0 =	vand.u32 $0x7, v2;
	v2 =	vor.u32 $0x8, v2;
	v1 =	vmul.u32 $0x8, v1;
	s21 =	simm.s32 $0x7000;
	s22 =	simm.s32 $0x7800;
	s24 =	simm.s32 $0x8800  }
.LBB2_1:
0x15: {  	s1 =	rddreg [dreg:$0x4]  }
0x16: {  	s9 =	rddreg [dreg:$0x5]  }
0x17: {  	[tilespmem:s3], [sflag:$0x1] =	stream.linear.gather [hbm4b:s1+s3], $0x10000, $0x38;
	[tilespmem:$0x18100] =	vst v63  }
0x18: {  	s7 =	simm.s32 $0x10000;
	s10 =	rddreg [dreg:$0x7]  }
0x19: {  	[tilespmem:s7], [sflag:$0x1] =	stream.linear.gather [hbm4b:s9+s3], $0x8000, $0x38;
	[tilespmem:$0x18100] =	vst v63  }
0x1a: {  	s9 =	rddreg [dreg:$0x6]  }
0x1b: {  	s7 =	rddreg [dreg:$0x8]  }
0x1c: {  	[tilespmem:s7], [sflag:$0x1] =	stream.linear.gather [hbm4b:s9+s3], $0x80, $0x38;
	[tilespmem:$0x18100] =	vst v63  }
0x1d: {  	s11 =	rddreg [dreg:$0x9]  }
0x1e: {  	[tilespmem:s11], [sflag:$0x1] =	stream.linear.gather [hbm4b:s10+s3], $0x80, $0x38;
	[tilespmem:$0x18100] =	vst v63  }
0x1f: {  	_ =	swait.ge [sflag:s8], $0x10000  }
0x20: {  	[sflag:s8] =	ssyncset.done $0x0  }
0x21: {  	[sflag:s8] =	ssyncadd.s32 $0xFFFF0000  }
0x22: {  	_ =	swait.ge [sflag:s8], $0x8000  }
0x23: {  	[sflag:s8] =	ssyncset.done $0x0  }
0x24: {  	[sflag:s8] =	ssyncadd.s32 $0xFFFF8000  }
0x25: {  	_ =	swait.ge [sflag:s8], $0x80  }
0x26: {  	[sflag:s8] =	ssyncset.done $0x0  }
0x27: {  	[sflag:s8] =	ssyncadd.s32 $0xFFFFFF80  }
0x28: {  	_ =	swait.ge [sflag:s8], $0x80  }
0x29: {  	[sflag:s8] =	ssyncset.done $0x0  }
0x2a: {  	[sflag:s8] =	ssyncadd.s32 $0xFFFFFF80  }
0x2b: {  	v3 =	vld [tilespmem:$0x18000];
	_ =	sdelay $0x4  }
0x2c: {  	v4 =	vshll.u32 v3, $0x2  }
0x2d: {  	v3 =	vand.u32 $0x7, v3;
	v4 =	vand.u32 $0xFFFFFFE0, v4  }
0x2e: {  	v3 =	vor.u32 v3, v4  }
0x2f: {  	v4 =	vperm.xlane v3, v0;
	_ =	sdelay $0x1  }
0x30: {  	v4 =	vadd.s32 v1, v4;
	_ =	sdelay $0x1  }
0x31: {  	v3 =	vperm.xlane v3, v2;
	_ =	sdelay $0x1  }
0x32: {  	v3 =	vadd.s32 v1, v3  }
0x33: {  	[hbm4b:s4+s3] =	stream.indirect_vreg.scatter [tilespmem:s3], [sflag:$0x2], $0x80, v4, vm0, $0xb8;
	[tilespmem:$0x18100] =	vst v63  }
0x34: {  	s7 =	simm.s32 $0x800  }
0x35: {  	[hbm4b:s5+s3] =	stream.indirect_vreg.scatter [tilespmem:s7], [sflag:$0x2], $0x80, v4, vm0, $0xb8;
	[tilespmem:$0x18100] =	vst v63  }
0x36: {  	s9 =	simm.s32 $0x1000  }
0x37: {  	[hbm4b:s4+s3] =	stream.indirect_vreg.scatter [tilespmem:s9], [sflag:$0x2], $0x80, v3, vm0, $0xb8;
	[tilespmem:$0x18100] =	vst v63  }
0x38: {  	s10 =	simm.s32 $0x1800  }
0x39: {  	[hbm4b:s5+s3] =	stream.indirect_vreg.scatter [tilespmem:s10], [sflag:$0x2], $0x80, v3, vm0, $0xb8;
	[tilespmem:$0x18100] =	vst v63  }
0x3a: {  	v3 =	vld [tilespmem:$0x18010];
	_ =	sdelay $0x4  }
0x3b: {  	v33 =	vshll.u32 v3, $0x2  }
0x3c: {  	v3 =	vand.u32 $0x7, v3;
	v4 =	vand.u32 $0xFFFFFFE0, v33  }
0x3d: {  	v3 =	vor.u32 v3, v4  }
0x3e: {  	v4 =	vperm.xlane v3, v0;
	_ =	sdelay $0x1  }
0x3f: {  	v4 =	vadd.s32 v1, v4;
	_ =	sdelay $0x1  }
0x40: {  	v3 =	vperm.xlane v3, v2;
	_ =	sdelay $0x1  }
0x41: {  	s11 =	simm.s32 $0x2000;
	v3 =	vadd.s32 v1, v3  }
0x42: {  	[hbm4b:s4+s3] =	stream.indirect_vreg.scatter [tilespmem:s11], [sflag:$0x2], $0x80, v4, vm0, $0xb8;
	[tilespmem:$0x18100] =	vst v63  }
0x43: {  	_ = 	snop  }
0x44: {  	[hbm4b:s5+s3] =	stream.indirect_vreg.scatter [tilespmem:s12], [sflag:$0x2], $0x80, v4, vm0, $0xb8;
	[tilespmem:$0x18100] =	vst v63  }
0x45: {  	_ = 	snop  }
0x46: {  	[hbm4b:s4+s3] =	stream.indirect_vreg.scatter [tilespmem:s13], [sflag:$0x2], $0x80, v3, vm0, $0xb8;
	[tilespmem:$0x18100] =	vst v63  }
0x47: {  	_ = 	snop  }
0x48: {  	[hbm4b:s5+s3] =	stream.indirect_vreg.scatter [tilespmem:s14], [sflag:$0x2], $0x80, v3, vm0, $0xb8;
	[tilespmem:$0x18100] =	vst v63  }
0x49: {  	v3 =	vld [tilespmem:$0x18020];
	_ =	sdelay $0x4  }
0x4a: {  	v34 =	vshll.u32 v3, $0x2  }
0x4b: {  	v3 =	vand.u32 $0x7, v3;
	v4 =	vand.u32 $0xFFFFFFE0, v34  }
0x4c: {  	v3 =	vor.u32 v3, v4  }
0x4d: {  	v4 =	vperm.xlane v3, v0;
	_ =	sdelay $0x1  }
0x4e: {  	v4 =	vadd.s32 v1, v4;
	_ =	sdelay $0x1  }
0x4f: {  	v3 =	vperm.xlane v3, v2;
	_ =	sdelay $0x1  }
0x50: {  	v3 =	vadd.s32 v1, v3  }
0x51: {  	[hbm4b:s4+s3] =	stream.indirect_vreg.scatter [tilespmem:s15], [sflag:$0x2], $0x80, v4, vm0, $0xb8;
	[tilespmem:$0x18100] =	vst v63  }
0x52: {  	_ = 	snop  }
0x53: {  	[hbm4b:s5+s3] =	stream.indirect_vreg.scatter [tilespmem:s16], [sflag:$0x2], $0x80, v4, vm0, $0xb8;
	[tilespmem:$0x18100] =	vst v63  }
0x54: {  	_ = 	snop  }
0x55: {  	[hbm4b:s4+s3] =	stream.indirect_vreg.scatter [tilespmem:s17], [sflag:$0x2], $0x80, v3, vm0, $0xb8;
	[tilespmem:$0x18100] =	vst v63  }
0x56: {  	_ = 	snop  }
0x57: {  	[hbm4b:s5+s3] =	stream.indirect_vreg.scatter [tilespmem:s18], [sflag:$0x2], $0x80, v3, vm0, $0xb8;
	[tilespmem:$0x18100] =	vst v63  }
0x58: {  	v3 =	vld [tilespmem:$0x18030];
	_ =	sdelay $0x4  }
0x59: {  	v35 =	vshll.u32 v3, $0x2  }
0x5a: {  	v3 =	vand.u32 $0x7, v3;
	v4 =	vand.u32 $0xFFFFFFE0, v35  }
0x5b: {  	v3 =	vor.u32 v3, v4  }
0x5c: {  	v4 =	vperm.xlane v3, v0;
	_ =	sdelay $0x1  }
0x5d: {  	v4 =	vadd.s32 v1, v4;
	_ =	sdelay $0x1  }
0x5e: {  	v3 =	vperm.xlane v3, v2;
	_ =	sdelay $0x1  }
0x5f: {  	v3 =	vadd.s32 v1, v3  }
0x60: {  	[hbm4b:s4+s3] =	stream.indirect_vreg.scatter [tilespmem:s19], [sflag:$0x2], $0x80, v4, vm0, $0xb8;
	[tilespmem:$0x18100] =	vst v63  }
0x61: {  	_ = 	snop  }
0x62: {  	[hbm4b:s5+s3] =	stream.indirect_vreg.scatter [tilespmem:s20], [sflag:$0x2], $0x80, v4, vm0, $0xb8;
	[tilespmem:$0x18100] =	vst v63  }
0x63: {  	_ = 	snop  }
0x64: {  	[hbm4b:s4+s3] =	stream.indirect_vreg.scatter [tilespmem:s21], [sflag:$0x2], $0x80, v3, vm0, $0xb8;
	[tilespmem:$0x18100] =	vst v63  }
0x65: {  	_ = 	snop  }
0x66: {  	[hbm4b:s5+s3] =	stream.indirect_vreg.scatter [tilespmem:s22], [sflag:$0x2], $0x80, v3, vm0, $0xb8;
	[tilespmem:$0x18100] =	vst v63  }
0x67: {  	v3 =	vld [tilespmem:$0x18040];
	_ =	sdelay $0x4  }
0x68: {  	v36 =	vshll.u32 v3, $0x2  }
0x69: {  	v3 =	vand.u32 $0x7, v3;
	v4 =	vand.u32 $0xFFFFFFE0, v36  }
0x6a: {  	v3 =	vor.u32 v3, v4  }
0x6b: {  	v4 =	vperm.xlane v3, v0;
	_ =	sdelay $0x1  }
0x6c: {  	v4 =	vadd.s32 v1, v4;
	_ =	sdelay $0x1  }
0x6d: {  	v3 =	vperm.xlane v3, v2;
	_ =	sdelay $0x1  }
0x6e: {  	v3 =	vadd.s32 v1, v3  }
0x6f: {  	[hbm4b:s4+s3] =	stream.indirect_vreg.scatter [tilespmem:s23], [sflag:$0x2], $0x80, v4, vm0, $0xb8;
	[tilespmem:$0x18100] =	vst v63  }
0x70: {  	_ = 	snop  }
0x71: {  	[hbm4b:s5+s3] =	stream.indirect_vreg.scatter [tilespmem:s24], [sflag:$0x2], $0x80, v4, vm0, $0xb8;
	[tilespmem:$0x18100] =	vst v63  }
0x72: {  	_ = 	snop  }
0x73: {  	[hbm4b:s4+s3] =	stream.indirect_vreg.scatter [tilespmem:s25], [sflag:$0x2], $0x80, v3, vm0, $0xb8;
	[tilespmem:$0x18100] =	vst v63  }
0x74: {  	_ = 	snop  }
0x75: {  	[hbm4b:s5+s3] =	stream.indirect_vreg.scatter [tilespmem:s26], [sflag:$0x2], $0x80, v3, vm0, $0xb8;
	[tilespmem:$0x18100] =	vst v63  }
0x76: {  	v3 =	vld [tilespmem:$0x18050];
	_ =	sdelay $0x4  }
0x77: {  	v37 =	vshll.u32 v3, $0x2  }
0x78: {  	v3 =	vand.u32 $0x7, v3;
	v4 =	vand.u32 $0xFFFFFFE0, v37  }
0x79: {  	v3 =	vor.u32 v3, v4  }
0x7a: {  	v4 =	vperm.xlane v3, v0;
	_ =	sdelay $0x1  }
0x7b: {  	v4 =	vadd.s32 v1, v4;
	_ =	sdelay $0x1  }
0x7c: {  	v3 =	vperm.xlane v3, v2;
	_ =	sdelay $0x1  }
0x7d: {  	v3 =	vadd.s32 v1, v3  }
0x7e: {  	[hbm4b:s4+s3] =	stream.indirect_vreg.scatter [tilespmem:s28], [sflag:$0x2], $0x80, v4, vm0, $0xb8;
	[tilespmem:$0x18100] =	vst v63  }
0x7f: {  	_ = 	snop  }
0x80: {  	[hbm4b:s5+s3] =	stream.indirect_vreg.scatter [tilespmem:s29], [sflag:$0x2], $0x80, v4, vm0, $0xb8;
	[tilespmem:$0x18100] =	vst v63  }
0x81: {  	_ = 	snop  }
0x82: {  	[hbm4b:s4+s3] =	stream.indirect_vreg.scatter [tilespmem:s30], [sflag:$0x2], $0x80, v3, vm0, $0xb8;
	[tilespmem:$0x18100] =	vst v63  }
0x83: {  	_ = 	snop  }
0x84: {  	[hbm4b:s5+s3] =	stream.indirect_vreg.scatter [tilespmem:s31], [sflag:$0x2], $0x80, v3, vm0, $0xb8;
	[tilespmem:$0x18100] =	vst v63  }
0x85: {  	v3 =	vld [tilespmem:$0x18060];
	_ =	sdelay $0x4  }
0x86: {  	v38 =	vshll.u32 v3, $0x2  }
0x87: {  	v3 =	vand.u32 $0x7, v3;
	v4 =	vand.u32 $0xFFFFFFE0, v38  }
0x88: {  	v3 =	vor.u32 v3, v4  }
0x89: {  	v4 =	vperm.xlane v3, v0;
	_ =	sdelay $0x1  }
0x8a: {  	v4 =	vadd.s32 v1, v4;
	_ =	sdelay $0x1  }
0x8b: {  	v3 =	vperm.xlane v3, v2;
	_ =	sdelay $0x1  }
0x8c: {  	s7 =	simm.s32 $0xC000;
	v3 =	vadd.s32 v1, v3  }
0x8d: {  	[hbm4b:s4+s3] =	stream.indirect_vreg.scatter [tilespmem:s7], [sflag:$0x2], $0x80, v4, vm0, $0xb8;
	[tilespmem:$0x18100] =	vst v63  }
0x8e: {  	s1 =	simm.s32 $0xC800  }
0x8f: {  	[hbm4b:s5+s3] =	stream.indirect_vreg.scatter [tilespmem:s1], [sflag:$0x2], $0x80, v4, vm0, $0xb8;
	[tilespmem:$0x18100] =	vst v63  }
0x90: {  	s1 =	simm.s32 $0xD000  }
0x91: {  	[hbm4b:s4+s3] =	stream.indirect_vreg.scatter [tilespmem:s1], [sflag:$0x2], $0x80, v3, vm0, $0xb8;
	[tilespmem:$0x18100] =	vst v63  }
0x92: {  	s1 =	simm.s32 $0xD800  }
0x93: {  	[hbm4b:s5+s3] =	stream.indirect_vreg.scatter [tilespmem:s1], [sflag:$0x2], $0x80, v3, vm0, $0xb8;
	[tilespmem:$0x18100] =	vst v63  }
0x94: {  	v3 =	vld [tilespmem:$0x18070];
	_ =	sdelay $0x4  }
0x95: {  	v39 =	vshll.u32 v3, $0x2  }
0x96: {  	v3 =	vand.u32 $0x7, v3;
	v4 =	vand.u32 $0xFFFFFFE0, v39  }
0x97: {  	v3 =	vor.u32 v3, v4  }
0x98: {  	v4 =	vperm.xlane v3, v0;
	_ =	sdelay $0x1  }
0x99: {  	v4 =	vadd.s32 v1, v4;
	_ =	sdelay $0x1  }
0x9a: {  	v3 =	vperm.xlane v3, v2;
	_ =	sdelay $0x1  }
0x9b: {  	s1 =	simm.s32 $0xE000;
	v3 =	vadd.s32 v1, v3  }
0x9c: {  	[hbm4b:s4+s3] =	stream.indirect_vreg.scatter [tilespmem:s1], [sflag:$0x2], $0x80, v4, vm0, $0xb8;
	[tilespmem:$0x18100] =	vst v63  }
0x9d: {  	s1 =	simm.s32 $0xE800  }
0x9e: {  	[hbm4b:s5+s3] =	stream.indirect_vreg.scatter [tilespmem:s1], [sflag:$0x2], $0x80, v4, vm0, $0xb8;
	[tilespmem:$0x18100] =	vst v63  }
0x9f: {  	s1 =	simm.s32 $0xF000  }
0xa0: {  	[hbm4b:s4+s3] =	stream.indirect_vreg.scatter [tilespmem:s1], [sflag:$0x2], $0x80, v3, vm0, $0xb8;
	[tilespmem:$0x18100] =	vst v63  }
0xa1: {  	s1 =	simm.s32 $0xF800  }
0xa2: {  	[hbm4b:s5+s3] =	stream.indirect_vreg.scatter [tilespmem:s1], [sflag:$0x2], $0x80, v3, vm0, $0xb8;
	[tilespmem:$0x18100] =	vst v63  }
0xa3: {  	v3 =	vld [tilespmem:$0x18000];
	_ =	sdelay $0x4  }
0xa4: {  	v40 =	vshll.u32 v3, $0x1  }
0xa5: {  	v3 =	vand.u32 $0x7, v3;
	v4 =	vand.u32 $0xFFFFFFF0, v40  }
0xa6: {  	v3 =	vor.u32 v3, v4  }
0xa7: {  	v4 =	vperm.xlane v3, v0;
	_ =	sdelay $0x1  }
0xa8: {  	v3 =	vperm.xlane v3, v2;
	v4 =	vadd.s32 v1, v4;
	_ =	sdelay $0x1  }
0xa9: {  	v3 =	vadd.s32 v1, v3;
	_ =	sdelay $0x1  }
0xaa: {  	s1 =	simm.s32 $0x10000  }
0xab: {  	[hbm4b:s2+s3] =	stream.indirect_vreg.scatter [tilespmem:s1], [sflag:$0x2], $0x80, v4, vm0, $0xb8;
	[tilespmem:$0x18100] =	vst v63  }
0xac: {  	s1 =	simm.s32 $0x10800  }
0xad: {  	[hbm4b:s2+s3] =	stream.indirect_vreg.scatter [tilespmem:s1], [sflag:$0x2], $0x80, v3, vm0, $0xb8;
	[tilespmem:$0x18100] =	vst v63  }
0xae: {  	v3 =	vld [tilespmem:$0x18010];
	_ =	sdelay $0x4  }
0xaf: {  	v41 =	vshll.u32 v3, $0x1  }
0xb0: {  	v3 =	vand.u32 $0x7, v3;
	v4 =	vand.u32 $0xFFFFFFF0, v41  }
0xb1: {  	v3 =	vor.u32 v3, v4  }
0xb2: {  	v4 =	vperm.xlane v3, v0;
	_ =	sdelay $0x1  }
0xb3: {  	v3 =	vperm.xlane v3, v2;
	v4 =	vadd.s32 v1, v4;
	_ =	sdelay $0x1  }
0xb4: {  	v3 =	vadd.s32 v1, v3;
	_ =	sdelay $0x1  }
0xb5: {  	s1 =	simm.s32 $0x11000  }
0xb6: {  	[hbm4b:s2+s3] =	stream.indirect_vreg.scatter [tilespmem:s1], [sflag:$0x2], $0x80, v4, vm0, $0xb8;
	[tilespmem:$0x18100] =	vst v63  }
0xb7: {  	s1 =	simm.s32 $0x11800  }
0xb8: {  	[hbm4b:s2+s3] =	stream.indirect_vreg.scatter [tilespmem:s1], [sflag:$0x2], $0x80, v3, vm0, $0xb8;
	[tilespmem:$0x18100] =	vst v63  }
0xb9: {  	v3 =	vld [tilespmem:$0x18020];
	_ =	sdelay $0x4  }
0xba: {  	v42 =	vshll.u32 v3, $0x1  }
0xbb: {  	v3 =	vand.u32 $0x7, v3;
	v4 =	vand.u32 $0xFFFFFFF0, v42  }
0xbc: {  	v3 =	vor.u32 v3, v4  }
0xbd: {  	v4 =	vperm.xlane v3, v0;
	_ =	sdelay $0x1  }
0xbe: {  	v3 =	vperm.xlane v3, v2;
	v4 =	vadd.s32 v1, v4;
	_ =	sdelay $0x1  }
0xbf: {  	v3 =	vadd.s32 v1, v3;
	_ =	sdelay $0x1  }
0xc0: {  	s1 =	simm.s32 $0x12000  }
0xc1: {  	[hbm4b:s2+s3] =	stream.indirect_vreg.scatter [tilespmem:s1], [sflag:$0x2], $0x80, v4, vm0, $0xb8;
	[tilespmem:$0x18100] =	vst v63  }
0xc2: {  	s1 =	simm.s32 $0x12800  }
0xc3: {  	[hbm4b:s2+s3] =	stream.indirect_vreg.scatter [tilespmem:s1], [sflag:$0x2], $0x80, v3, vm0, $0xb8;
	[tilespmem:$0x18100] =	vst v63  }
0xc4: {  	v3 =	vld [tilespmem:$0x18030];
	_ =	sdelay $0x4  }
0xc5: {  	v43 =	vshll.u32 v3, $0x1  }
0xc6: {  	v3 =	vand.u32 $0x7, v3;
	v4 =	vand.u32 $0xFFFFFFF0, v43  }
0xc7: {  	v3 =	vor.u32 v3, v4  }
0xc8: {  	v4 =	vperm.xlane v3, v0;
	_ =	sdelay $0x1  }
0xc9: {  	v3 =	vperm.xlane v3, v2;
	v4 =	vadd.s32 v1, v4;
	_ =	sdelay $0x1  }
0xca: {  	v3 =	vadd.s32 v1, v3;
	_ =	sdelay $0x1  }
0xcb: {  	s1 =	simm.s32 $0x13000  }
0xcc: {  	[hbm4b:s2+s3] =	stream.indirect_vreg.scatter [tilespmem:s1], [sflag:$0x2], $0x80, v4, vm0, $0xb8;
	[tilespmem:$0x18100] =	vst v63  }
0xcd: {  	s1 =	simm.s32 $0x13800  }
0xce: {  	[hbm4b:s2+s3] =	stream.indirect_vreg.scatter [tilespmem:s1], [sflag:$0x2], $0x80, v3, vm0, $0xb8;
	[tilespmem:$0x18100] =	vst v63  }
0xcf: {  	v3 =	vld [tilespmem:$0x18040];
	_ =	sdelay $0x4  }
0xd0: {  	v44 =	vshll.u32 v3, $0x1  }
0xd1: {  	v3 =	vand.u32 $0x7, v3;
	v4 =	vand.u32 $0xFFFFFFF0, v44  }
0xd2: {  	v3 =	vor.u32 v3, v4  }
0xd3: {  	v4 =	vperm.xlane v3, v0;
	_ =	sdelay $0x1  }
0xd4: {  	v3 =	vperm.xlane v3, v2;
	v4 =	vadd.s32 v1, v4;
	_ =	sdelay $0x1  }
0xd5: {  	v3 =	vadd.s32 v1, v3;
	_ =	sdelay $0x1  }
0xd6: {  	s1 =	simm.s32 $0x14000  }
0xd7: {  	[hbm4b:s2+s3] =	stream.indirect_vreg.scatter [tilespmem:s1], [sflag:$0x2], $0x80, v4, vm0, $0xb8;
	[tilespmem:$0x18100] =	vst v63  }
0xd8: {  	s1 =	simm.s32 $0x14800  }
0xd9: {  	[hbm4b:s2+s3] =	stream.indirect_vreg.scatter [tilespmem:s1], [sflag:$0x2], $0x80, v3, vm0, $0xb8;
	[tilespmem:$0x18100] =	vst v63  }
0xda: {  	v3 =	vld [tilespmem:$0x18050];
	_ =	sdelay $0x4  }
0xdb: {  	v45 =	vshll.u32 v3, $0x1  }
0xdc: {  	v3 =	vand.u32 $0x7, v3;
	v4 =	vand.u32 $0xFFFFFFF0, v45  }
0xdd: {  	v3 =	vor.u32 v3, v4  }
0xde: {  	v4 =	vperm.xlane v3, v0;
	_ =	sdelay $0x1  }
0xdf: {  	v3 =	vperm.xlane v3, v2;
	v4 =	vadd.s32 v1, v4;
	_ =	sdelay $0x1  }
0xe0: {  	v3 =	vadd.s32 v1, v3;
	_ =	sdelay $0x1  }
0xe1: {  	s1 =	simm.s32 $0x15000  }
0xe2: {  	[hbm4b:s2+s3] =	stream.indirect_vreg.scatter [tilespmem:s1], [sflag:$0x2], $0x80, v4, vm0, $0xb8;
	[tilespmem:$0x18100] =	vst v63  }
0xe3: {  	s1 =	simm.s32 $0x15800  }
0xe4: {  	[hbm4b:s2+s3] =	stream.indirect_vreg.scatter [tilespmem:s1], [sflag:$0x2], $0x80, v3, vm0, $0xb8;
	[tilespmem:$0x18100] =	vst v63  }
0xe5: {  	v3 =	vld [tilespmem:$0x18060];
	_ =	sdelay $0x4  }
0xe6: {  	v46 =	vshll.u32 v3, $0x1  }
0xe7: {  	v3 =	vand.u32 $0x7, v3;
	v4 =	vand.u32 $0xFFFFFFF0, v46  }
0xe8: {  	v3 =	vor.u32 v3, v4  }
0xe9: {  	v4 =	vperm.xlane v3, v0;
	_ =	sdelay $0x1  }
0xea: {  	v3 =	vperm.xlane v3, v2;
	v4 =	vadd.s32 v1, v4;
	_ =	sdelay $0x1  }
0xeb: {  	v3 =	vadd.s32 v1, v3;
	_ =	sdelay $0x1  }
0xec: {  	s1 =	simm.s32 $0x16000  }
0xed: {  	[hbm4b:s2+s3] =	stream.indirect_vreg.scatter [tilespmem:s1], [sflag:$0x2], $0x80, v4, vm0, $0xb8;
	[tilespmem:$0x18100] =	vst v63  }
0xee: {  	s1 =	simm.s32 $0x16800  }
0xef: {  	[hbm4b:s2+s3] =	stream.indirect_vreg.scatter [tilespmem:s1], [sflag:$0x2], $0x80, v3, vm0, $0xb8;
	[tilespmem:$0x18100] =	vst v63  }
0xf0: {  	v3 =	vld [tilespmem:$0x18070];
	_ =	sdelay $0x4  }
0xf1: {  	v47 =	vshll.u32 v3, $0x1  }
0xf2: {  	v3 =	vand.u32 $0x7, v3;
	v4 =	vand.u32 $0xFFFFFFF0, v47  }
0xf3: {  	v3 =	vor.u32 v3, v4  }
0xf4: {  	v4 =	vperm.xlane v3, v0;
	_ =	sdelay $0x1  }
0xf5: {  	v3 =	vperm.xlane v3, v2;
	v4 =	vadd.s32 v1, v4;
	_ =	sdelay $0x1  }
0xf6: {  	v3 =	vadd.s32 v1, v3;
	_ =	sdelay $0x1  }
0xf7: {  	s1 =	simm.s32 $0x17000  }
0xf8: {  	[hbm4b:s2+s3] =	stream.indirect_vreg.scatter [tilespmem:s1], [sflag:$0x2], $0x80, v4, vm0, $0xb8;
	[tilespmem:$0x18100] =	vst v63  }
0xf9: {  	s1 =	simm.s32 $0x17800  }
0xfa: {  	[hbm4b:s2+s3] =	stream.indirect_vreg.scatter [tilespmem:s1], [sflag:$0x2], $0x80, v3, vm0, $0xb8;
	[tilespmem:$0x18100] =	vst v63  }
0xfb: {  	v3 =	vld [tilespmem:$0x18080];
	_ =	sdelay $0x4  }
0xfc: {  	v48 =	vshll.u32 v3, $0x2  }
0xfd: {  	v3 =	vand.u32 $0x7, v3;
	v4 =	vand.u32 $0xFFFFFFE0, v48  }
0xfe: {  	v3 =	vor.u32 v3, v4  }
0xff: {  	v4 =	vperm.xlane v3, v0;
	_ =	sdelay $0x1  }
0x100: {  	v4 =	vadd.s32 v1, v4;
	_ =	sdelay $0x1  }
0x101: {  	v3 =	vperm.xlane v3, v2;
	_ =	sdelay $0x1  }
0x102: {  	v3 =	vadd.s32 v1, v3  }
0x103: {  	[hbm4b:s4+s3] =	stream.indirect_vreg.scatter [tilespmem:s3], [sflag:$0x2], $0x80, v4, vm0, $0xb8;
	[tilespmem:$0x18100] =	vst v63  }
0x104: {  	s1 =	simm.s32 $0x800  }
0x105: {  	[hbm4b:s5+s3] =	stream.indirect_vreg.scatter [tilespmem:s1], [sflag:$0x2], $0x80, v4, vm0, $0xb8;
	[tilespmem:$0x18100] =	vst v63  }
0x106: {  	_ = 	snop  }
0x107: {  	[hbm4b:s4+s3] =	stream.indirect_vreg.scatter [tilespmem:s9], [sflag:$0x2], $0x80, v3, vm0, $0xb8;
	[tilespmem:$0x18100] =	vst v63  }
0x108: {  	_ = 	snop  }
0x109: {  	[hbm4b:s5+s3] =	stream.indirect_vreg.scatter [tilespmem:s10], [sflag:$0x2], $0x80, v3, vm0, $0xb8;
	[tilespmem:$0x18100] =	vst v63  }
0x10a: {  	v3 =	vld [tilespmem:$0x18090];
	_ =	sdelay $0x4  }
0x10b: {  	v49 =	vshll.u32 v3, $0x2  }
0x10c: {  	v3 =	vand.u32 $0x7, v3;
	v4 =	vand.u32 $0xFFFFFFE0, v49  }
0x10d: {  	v3 =	vor.u32 v3, v4  }
0x10e: {  	v4 =	vperm.xlane v3, v0;
	_ =	sdelay $0x1  }
0x10f: {  	v4 =	vadd.s32 v1, v4;
	_ =	sdelay $0x1  }
0x110: {  	v3 =	vperm.xlane v3, v2;
	_ =	sdelay $0x1  }
0x111: {  	v3 =	vadd.s32 v1, v3  }
0x112: {  	[hbm4b:s4+s3] =	stream.indirect_vreg.scatter [tilespmem:s11], [sflag:$0x2], $0x80, v4, vm0, $0xb8;
	[tilespmem:$0x18100] =	vst v63  }
0x113: {  	_ = 	snop  }
0x114: {  	[hbm4b:s5+s3] =	stream.indirect_vreg.scatter [tilespmem:s12], [sflag:$0x2], $0x80, v4, vm0, $0xb8;
	[tilespmem:$0x18100] =	vst v63  }
0x115: {  	_ = 	snop  }
0x116: {  	[hbm4b:s4+s3] =	stream.indirect_vreg.scatter [tilespmem:s13], [sflag:$0x2], $0x80, v3, vm0, $0xb8;
	[tilespmem:$0x18100] =	vst v63  }
0x117: {  	_ = 	snop  }
0x118: {  	[hbm4b:s5+s3] =	stream.indirect_vreg.scatter [tilespmem:s14], [sflag:$0x2], $0x80, v3, vm0, $0xb8;
	[tilespmem:$0x18100] =	vst v63  }
0x119: {  	v3 =	vld [tilespmem:$0x180A0];
	_ =	sdelay $0x4  }
0x11a: {  	v50 =	vshll.u32 v3, $0x2  }
0x11b: {  	v3 =	vand.u32 $0x7, v3;
	v4 =	vand.u32 $0xFFFFFFE0, v50  }
0x11c: {  	v3 =	vor.u32 v3, v4  }
0x11d: {  	v4 =	vperm.xlane v3, v0;
	_ =	sdelay $0x1  }
0x11e: {  	v4 =	vadd.s32 v1, v4;
	_ =	sdelay $0x1  }
0x11f: {  	v3 =	vperm.xlane v3, v2;
	_ =	sdelay $0x1  }
0x120: {  	v3 =	vadd.s32 v1, v3  }
0x121: {  	[hbm4b:s4+s3] =	stream.indirect_vreg.scatter [tilespmem:s15], [sflag:$0x2], $0x80, v4, vm0, $0xb8;
	[tilespmem:$0x18100] =	vst v63  }
0x122: {  	_ = 	snop  }
0x123: {  	[hbm4b:s5+s3] =	stream.indirect_vreg.scatter [tilespmem:s16], [sflag:$0x2], $0x80, v4, vm0, $0xb8;
	[tilespmem:$0x18100] =	vst v63  }
0x124: {  	_ = 	snop  }
0x125: {  	[hbm4b:s4+s3] =	stream.indirect_vreg.scatter [tilespmem:s17], [sflag:$0x2], $0x80, v3, vm0, $0xb8;
	[tilespmem:$0x18100] =	vst v63  }
0x126: {  	_ = 	snop  }
0x127: {  	[hbm4b:s5+s3] =	stream.indirect_vreg.scatter [tilespmem:s18], [sflag:$0x2], $0x80, v3, vm0, $0xb8;
	[tilespmem:$0x18100] =	vst v63  }
0x128: {  	v3 =	vld [tilespmem:$0x180B0];
	_ =	sdelay $0x4  }
0x129: {  	v51 =	vshll.u32 v3, $0x2  }
0x12a: {  	v3 =	vand.u32 $0x7, v3;
	v4 =	vand.u32 $0xFFFFFFE0, v51  }
0x12b: {  	v3 =	vor.u32 v3, v4  }
0x12c: {  	v4 =	vperm.xlane v3, v0;
	_ =	sdelay $0x1  }
0x12d: {  	v4 =	vadd.s32 v1, v4;
	_ =	sdelay $0x1  }
0x12e: {  	v3 =	vperm.xlane v3, v2;
	_ =	sdelay $0x1  }
0x12f: {  	v3 =	vadd.s32 v1, v3  }
0x130: {  	[hbm4b:s4+s3] =	stream.indirect_vreg.scatter [tilespmem:s19], [sflag:$0x2], $0x80, v4, vm0, $0xb8;
	[tilespmem:$0x18100] =	vst v63  }
0x131: {  	_ = 	snop  }
0x132: {  	[hbm4b:s5+s3] =	stream.indirect_vreg.scatter [tilespmem:s20], [sflag:$0x2], $0x80, v4, vm0, $0xb8;
	[tilespmem:$0x18100] =	vst v63  }
0x133: {  	_ = 	snop  }
0x134: {  	[hbm4b:s4+s3] =	stream.indirect_vreg.scatter [tilespmem:s21], [sflag:$0x2], $0x80, v3, vm0, $0xb8;
	[tilespmem:$0x18100] =	vst v63  }
0x135: {  	_ = 	snop  }
0x136: {  	[hbm4b:s5+s3] =	stream.indirect_vreg.scatter [tilespmem:s22], [sflag:$0x2], $0x80, v3, vm0, $0xb8;
	[tilespmem:$0x18100] =	vst v63  }
0x137: {  	v3 =	vld [tilespmem:$0x180C0];
	_ =	sdelay $0x4  }
0x138: {  	v52 =	vshll.u32 v3, $0x2  }
0x139: {  	v3 =	vand.u32 $0x7, v3;
	v4 =	vand.u32 $0xFFFFFFE0, v52  }
0x13a: {  	v3 =	vor.u32 v3, v4  }
0x13b: {  	v4 =	vperm.xlane v3, v0;
	_ =	sdelay $0x1  }
0x13c: {  	v4 =	vadd.s32 v1, v4;
	_ =	sdelay $0x1  }
0x13d: {  	v3 =	vperm.xlane v3, v2;
	_ =	sdelay $0x1  }
0x13e: {  	v3 =	vadd.s32 v1, v3  }
0x13f: {  	[hbm4b:s4+s3] =	stream.indirect_vreg.scatter [tilespmem:s23], [sflag:$0x2], $0x80, v4, vm0, $0xb8;
	[tilespmem:$0x18100] =	vst v63  }
0x140: {  	_ = 	snop  }
0x141: {  	[hbm4b:s5+s3] =	stream.indirect_vreg.scatter [tilespmem:s24], [sflag:$0x2], $0x80, v4, vm0, $0xb8;
	[tilespmem:$0x18100] =	vst v63  }
0x142: {  	_ = 	snop  }
0x143: {  	[hbm4b:s4+s3] =	stream.indirect_vreg.scatter [tilespmem:s25], [sflag:$0x2], $0x80, v3, vm0, $0xb8;
	[tilespmem:$0x18100] =	vst v63  }
0x144: {  	_ = 	snop  }
0x145: {  	[hbm4b:s5+s3] =	stream.indirect_vreg.scatter [tilespmem:s26], [sflag:$0x2], $0x80, v3, vm0, $0xb8;
	[tilespmem:$0x18100] =	vst v63  }
0x146: {  	v3 =	vld [tilespmem:$0x180D0];
	_ =	sdelay $0x4  }
0x147: {  	v53 =	vshll.u32 v3, $0x2  }
0x148: {  	v3 =	vand.u32 $0x7, v3;
	v4 =	vand.u32 $0xFFFFFFE0, v53  }
0x149: {  	v3 =	vor.u32 v3, v4  }
0x14a: {  	v4 =	vperm.xlane v3, v0;
	_ =	sdelay $0x1  }
0x14b: {  	v4 =	vadd.s32 v1, v4;
	_ =	sdelay $0x1  }
0x14c: {  	v3 =	vperm.xlane v3, v2;
	_ =	sdelay $0x1  }
0x14d: {  	v3 =	vadd.s32 v1, v3  }
0x14e: {  	[hbm4b:s4+s3] =	stream.indirect_vreg.scatter [tilespmem:s28], [sflag:$0x2], $0x80, v4, vm0, $0xb8;
	[tilespmem:$0x18100] =	vst v63  }
0x14f: {  	_ = 	snop  }
0x150: {  	[hbm4b:s5+s3] =	stream.indirect_vreg.scatter [tilespmem:s29], [sflag:$0x2], $0x80, v4, vm0, $0xb8;
	[tilespmem:$0x18100] =	vst v63  }
0x151: {  	_ = 	snop  }
0x152: {  	[hbm4b:s4+s3] =	stream.indirect_vreg.scatter [tilespmem:s30], [sflag:$0x2], $0x80, v3, vm0, $0xb8;
	[tilespmem:$0x18100] =	vst v63  }
0x153: {  	_ = 	snop  }
0x154: {  	[hbm4b:s5+s3] =	stream.indirect_vreg.scatter [tilespmem:s31], [sflag:$0x2], $0x80, v3, vm0, $0xb8;
	[tilespmem:$0x18100] =	vst v63  }
0x155: {  	v3 =	vld [tilespmem:$0x180E0];
	_ =	sdelay $0x4  }
0x156: {  	v54 =	vshll.u32 v3, $0x2  }
0x157: {  	v3 =	vand.u32 $0x7, v3;
	v4 =	vand.u32 $0xFFFFFFE0, v54  }
0x158: {  	v3 =	vor.u32 v3, v4  }
0x159: {  	v4 =	vperm.xlane v3, v0;
	_ =	sdelay $0x1  }
0x15a: {  	v4 =	vadd.s32 v1, v4;
	_ =	sdelay $0x1  }
0x15b: {  	v3 =	vperm.xlane v3, v2;
	_ =	sdelay $0x1  }
0x15c: {  	v3 =	vadd.s32 v1, v3  }
0x15d: {  	[hbm4b:s4+s3] =	stream.indirect_vreg.scatter [tilespmem:s7], [sflag:$0x2], $0x80, v4, vm0, $0xb8;
	[tilespmem:$0x18100] =	vst v63  }
0x15e: {  	s9 =	simm.s32 $0xC800  }
0x15f: {  	[hbm4b:s5+s3] =	stream.indirect_vreg.scatter [tilespmem:s9], [sflag:$0x2], $0x80, v4, vm0, $0xb8;
	[tilespmem:$0x18100] =	vst v63  }
0x160: {  	s10 =	simm.s32 $0xD000  }
0x161: {  	[hbm4b:s4+s3] =	stream.indirect_vreg.scatter [tilespmem:s10], [sflag:$0x2], $0x80, v3, vm0, $0xb8;
	[tilespmem:$0x18100] =	vst v63  }
0x162: {  	s11 =	simm.s32 $0xD800  }
0x163: {  	[hbm4b:s5+s3] =	stream.indirect_vreg.scatter [tilespmem:s11], [sflag:$0x2], $0x80, v3, vm0, $0xb8;
	[tilespmem:$0x18100] =	vst v63  }
0x164: {  	v3 =	vld [tilespmem:$0x180F0];
	_ =	sdelay $0x4  }
0x165: {  	v55 =	vshll.u32 v3, $0x2  }
0x166: {  	v3 =	vand.u32 $0x7, v3;
	v4 =	vand.u32 $0xFFFFFFE0, v55  }
0x167: {  	v3 =	vor.u32 v3, v4  }
0x168: {  	v4 =	vperm.xlane v3, v0;
	_ =	sdelay $0x1  }
0x169: {  	v4 =	vadd.s32 v1, v4;
	_ =	sdelay $0x1  }
0x16a: {  	v3 =	vperm.xlane v3, v2;
	_ =	sdelay $0x1  }
0x16b: {  	s7 =	simm.s32 $0xE000;
	v3 =	vadd.s32 v1, v3  }
0x16c: {  	[hbm4b:s4+s3] =	stream.indirect_vreg.scatter [tilespmem:s7], [sflag:$0x2], $0x80, v4, vm0, $0xb8;
	[tilespmem:$0x18100] =	vst v63  }
0x16d: {  	s9 =	simm.s32 $0xE800  }
0x16e: {  	[hbm4b:s5+s3] =	stream.indirect_vreg.scatter [tilespmem:s9], [sflag:$0x2], $0x80, v4, vm0, $0xb8;
	[tilespmem:$0x18100] =	vst v63  }
0x16f: {  	s10 =	simm.s32 $0xF000  }
0x170: {  	[hbm4b:s4+s3] =	stream.indirect_vreg.scatter [tilespmem:s10], [sflag:$0x2], $0x80, v3, vm0, $0xb8;
	[tilespmem:$0x18100] =	vst v63  }
0x171: {  	s11 =	simm.s32 $0xF800  }
0x172: {  	[hbm4b:s5+s3] =	stream.indirect_vreg.scatter [tilespmem:s11], [sflag:$0x2], $0x80, v3, vm0, $0xb8;
	[tilespmem:$0x18100] =	vst v63  }
0x173: {  	v3 =	vld [tilespmem:$0x18080];
	_ =	sdelay $0x4  }
0x174: {  	v56 =	vshll.u32 v3, $0x1  }
0x175: {  	v3 =	vand.u32 $0x7, v3;
	v4 =	vand.u32 $0xFFFFFFF0, v56  }
0x176: {  	v3 =	vor.u32 v3, v4  }
0x177: {  	v4 =	vperm.xlane v3, v0;
	_ =	sdelay $0x1  }
0x178: {  	v3 =	vperm.xlane v3, v2;
	v4 =	vadd.s32 v1, v4;
	_ =	sdelay $0x1  }
0x179: {  	v3 =	vadd.s32 v1, v3;
	_ =	sdelay $0x1  }
0x17a: {  	s1 =	simm.s32 $0x10000  }
0x17b: {  	[hbm4b:s2+s3] =	stream.indirect_vreg.scatter [tilespmem:s1], [sflag:$0x2], $0x80, v4, vm0, $0xb8;
	[tilespmem:$0x18100] =	vst v63  }
0x17c: {  	s9 =	simm.s32 $0x10800  }
0x17d: {  	[hbm4b:s2+s3] =	stream.indirect_vreg.scatter [tilespmem:s9], [sflag:$0x2], $0x80, v3, vm0, $0xb8;
	[tilespmem:$0x18100] =	vst v63  }
0x17e: {  	v3 =	vld [tilespmem:$0x18090];
	_ =	sdelay $0x4  }
0x17f: {  	v57 =	vshll.u32 v3, $0x1  }
0x180: {  	v3 =	vand.u32 $0x7, v3;
	v4 =	vand.u32 $0xFFFFFFF0, v57  }
0x181: {  	v3 =	vor.u32 v3, v4  }
0x182: {  	v4 =	vperm.xlane v3, v0;
	_ =	sdelay $0x1  }
0x183: {  	v3 =	vperm.xlane v3, v2;
	v4 =	vadd.s32 v1, v4;
	_ =	sdelay $0x1  }
0x184: {  	v3 =	vadd.s32 v1, v3;
	_ =	sdelay $0x1  }
0x185: {  	s10 =	simm.s32 $0x11000  }
0x186: {  	[hbm4b:s2+s3] =	stream.indirect_vreg.scatter [tilespmem:s10], [sflag:$0x2], $0x80, v4, vm0, $0xb8;
	[tilespmem:$0x18100] =	vst v63  }
0x187: {  	s11 =	simm.s32 $0x11800  }
0x188: {  	[hbm4b:s2+s3] =	stream.indirect_vreg.scatter [tilespmem:s11], [sflag:$0x2], $0x80, v3, vm0, $0xb8;
	[tilespmem:$0x18100] =	vst v63  }
0x189: {  	v3 =	vld [tilespmem:$0x180A0];
	_ =	sdelay $0x4  }
0x18a: {  	v58 =	vshll.u32 v3, $0x1  }
0x18b: {  	v3 =	vand.u32 $0x7, v3;
	v4 =	vand.u32 $0xFFFFFFF0, v58  }
0x18c: {  	v3 =	vor.u32 v3, v4  }
0x18d: {  	v4 =	vperm.xlane v3, v0;
	_ =	sdelay $0x1  }
0x18e: {  	v3 =	vperm.xlane v3, v2;
	v4 =	vadd.s32 v1, v4;
	_ =	sdelay $0x1  }
0x18f: {  	v3 =	vadd.s32 v1, v3;
	_ =	sdelay $0x1  }
0x190: {  	s7 =	simm.s32 $0x12000  }
0x191: {  	[hbm4b:s2+s3] =	stream.indirect_vreg.scatter [tilespmem:s7], [sflag:$0x2], $0x80, v4, vm0, $0xb8;
	[tilespmem:$0x18100] =	vst v63  }
0x192: {  	s9 =	simm.s32 $0x12800  }
0x193: {  	[hbm4b:s2+s3] =	stream.indirect_vreg.scatter [tilespmem:s9], [sflag:$0x2], $0x80, v3, vm0, $0xb8;
	[tilespmem:$0x18100] =	vst v63  }
0x194: {  	v3 =	vld [tilespmem:$0x180B0];
	_ =	sdelay $0x4  }
0x195: {  	v59 =	vshll.u32 v3, $0x1  }
0x196: {  	v3 =	vand.u32 $0x7, v3;
	v4 =	vand.u32 $0xFFFFFFF0, v59  }
0x197: {  	v3 =	vor.u32 v3, v4  }
0x198: {  	v4 =	vperm.xlane v3, v0;
	_ =	sdelay $0x1  }
0x199: {  	v3 =	vperm.xlane v3, v2;
	v4 =	vadd.s32 v1, v4;
	_ =	sdelay $0x1  }
0x19a: {  	v3 =	vadd.s32 v1, v3;
	_ =	sdelay $0x1  }
0x19b: {  	s10 =	simm.s32 $0x13000  }
0x19c: {  	[hbm4b:s2+s3] =	stream.indirect_vreg.scatter [tilespmem:s10], [sflag:$0x2], $0x80, v4, vm0, $0xb8;
	[tilespmem:$0x18100] =	vst v63  }
0x19d: {  	s11 =	simm.s32 $0x13800  }
0x19e: {  	[hbm4b:s2+s3] =	stream.indirect_vreg.scatter [tilespmem:s11], [sflag:$0x2], $0x80, v3, vm0, $0xb8;
	[tilespmem:$0x18100] =	vst v63  }
0x19f: {  	v3 =	vld [tilespmem:$0x180C0];
	_ =	sdelay $0x4  }
0x1a0: {  	v60 =	vshll.u32 v3, $0x1  }
0x1a1: {  	v3 =	vand.u32 $0x7, v3;
	v4 =	vand.u32 $0xFFFFFFF0, v60  }
0x1a2: {  	v3 =	vor.u32 v3, v4  }
0x1a3: {  	v4 =	vperm.xlane v3, v0;
	_ =	sdelay $0x1  }
0x1a4: {  	v3 =	vperm.xlane v3, v2;
	v4 =	vadd.s32 v1, v4;
	_ =	sdelay $0x1  }
0x1a5: {  	v3 =	vadd.s32 v1, v3;
	_ =	sdelay $0x1  }
0x1a6: {  	s7 =	simm.s32 $0x14000  }
0x1a7: {  	[hbm4b:s2+s3] =	stream.indirect_vreg.scatter [tilespmem:s7], [sflag:$0x2], $0x80, v4, vm0, $0xb8;
	[tilespmem:$0x18100] =	vst v63  }
0x1a8: {  	s9 =	simm.s32 $0x14800  }
0x1a9: {  	[hbm4b:s2+s3] =	stream.indirect_vreg.scatter [tilespmem:s9], [sflag:$0x2], $0x80, v3, vm0, $0xb8;
	[tilespmem:$0x18100] =	vst v63  }
0x1aa: {  	v3 =	vld [tilespmem:$0x180D0];
	_ =	sdelay $0x4  }
0x1ab: {  	v61 =	vshll.u32 v3, $0x1  }
0x1ac: {  	v3 =	vand.u32 $0x7, v3;
	v4 =	vand.u32 $0xFFFFFFF0, v61  }
0x1ad: {  	v3 =	vor.u32 v3, v4  }
0x1ae: {  	v4 =	vperm.xlane v3, v0;
	_ =	sdelay $0x1  }
0x1af: {  	v3 =	vperm.xlane v3, v2;
	v4 =	vadd.s32 v1, v4;
	_ =	sdelay $0x1  }
0x1b0: {  	v3 =	vadd.s32 v1, v3;
	_ =	sdelay $0x1  }
0x1b1: {  	s10 =	simm.s32 $0x15000  }
0x1b2: {  	[hbm4b:s2+s3] =	stream.indirect_vreg.scatter [tilespmem:s10], [sflag:$0x2], $0x80, v4, vm0, $0xb8;
	[tilespmem:$0x18100] =	vst v63  }
0x1b3: {  	s11 =	simm.s32 $0x15800  }
0x1b4: {  	[hbm4b:s2+s3] =	stream.indirect_vreg.scatter [tilespmem:s11], [sflag:$0x2], $0x80, v3, vm0, $0xb8;
	[tilespmem:$0x18100] =	vst v63  }
0x1b5: {  	v3 =	vld [tilespmem:$0x180E0];
	_ =	sdelay $0x4  }
0x1b6: {  	v62 =	vshll.u32 v3, $0x1  }
0x1b7: {  	v3 =	vand.u32 $0x7, v3;
	v4 =	vand.u32 $0xFFFFFFF0, v62  }
0x1b8: {  	v3 =	vor.u32 v3, v4  }
0x1b9: {  	v4 =	vperm.xlane v3, v0;
	_ =	sdelay $0x1  }
0x1ba: {  	v3 =	vperm.xlane v3, v2;
	v4 =	vadd.s32 v1, v4;
	_ =	sdelay $0x1  }
0x1bb: {  	v3 =	vadd.s32 v1, v3;
	_ =	sdelay $0x1  }
0x1bc: {  	s7 =	simm.s32 $0x16000  }
0x1bd: {  	[hbm4b:s2+s3] =	stream.indirect_vreg.scatter [tilespmem:s7], [sflag:$0x2], $0x80, v4, vm0, $0xb8;
	[tilespmem:$0x18100] =	vst v63  }
0x1be: {  	s9 =	simm.s32 $0x16800  }
0x1bf: {  	[hbm4b:s2+s3] =	stream.indirect_vreg.scatter [tilespmem:s9], [sflag:$0x2], $0x80, v3, vm0, $0xb8;
	[tilespmem:$0x18100] =	vst v63  }
0x1c0: {  	v3 =	vld [tilespmem:$0x180F0];
	_ =	sdelay $0x4  }
0x1c1: {  	v63 =	vshll.u32 v3, $0x1  }
0x1c2: {  	v3 =	vand.u32 $0x7, v3;
	v4 =	vand.u32 $0xFFFFFFF0, v63  }
0x1c3: {  	v3 =	vor.u32 v3, v4  }
0x1c4: {  	v4 =	vperm.xlane v3, v0;
	_ =	sdelay $0x1  }
0x1c5: {  	v3 =	vperm.xlane v3, v2;
	v4 =	vadd.s32 v1, v4;
	_ =	sdelay $0x1  }
0x1c6: {  	v3 =	vadd.s32 v1, v3;
	_ =	sdelay $0x1  }
0x1c7: {  	s10 =	simm.s32 $0x17000  }
0x1c8: {  	[hbm4b:s2+s3] =	stream.indirect_vreg.scatter [tilespmem:s10], [sflag:$0x2], $0x80, v4, vm0, $0xb8;
	[tilespmem:$0x18100] =	vst v63  }
0x1c9: {  	s11 =	simm.s32 $0x17800  }
0x1ca: {  	[hbm4b:s2+s3] =	stream.indirect_vreg.scatter [tilespmem:s11], [sflag:$0x2], $0x80, v3, vm0, $0xb8;
	[tilespmem:$0x18100] =	vst v63  }
0x1cb: {  	_ =	swait.ge [sflag:s0], $0x10000  }
0x1cc: {  	[sflag:s0] =	ssyncset.done $0x0  }
0x1cd: {  	[sflag:s0] =	ssyncadd.s32 $0xFFFF0000  }
0x1ce: {  	_ =	swait.ge [sflag:s0], $0x8000  }
0x1cf: {  	[sflag:s0] =	ssyncset.done $0x0  }
0x1d0: {  	[sflag:s0] =	ssyncadd.s32 $0xFFFF8000  }
0x1d1: {  	p0 =	sne.s32 s6, $0x1;
	_ =	swait.ge [sflag:s0], $0x10000  }
.Ltmp0:
0x1d2: {  	[sflag:s0] =	ssyncset.done $0x0;
	(pc) =	sbr.rel @p0 .LBB2_1-.Ltmp0, $4  }
0x1d3: {  	[sflag:s0] =	ssyncadd.s32 $0xFFFF0000  }
0x1d4: {  	_ =	swait.ge [sflag:s0], $0x8000  }
0x1d5: {  	[sflag:s0] =	ssyncset.done $0x0  }
0x1d6: {  	s6 =	sadd.s32 $0xFFFFFFFF, s6;
	[sflag:s0] =	ssyncadd.s32 $0xFFFF8000  }
0x1d7: {  	_ =	sfence.sel $0x180000  }
0x1d8: {  	[bflag:$0x0] =	sbarrier.arrive $0xFFFF  }
0x1d9: {  	_ =	strace $0x90000047  }
0x1da: {  	s0 =	stileid.u32;
	[bflag:$0x2] =	sbarrier.arrive $0xFFFF  }
0x1db: {  	p0 =	sne.s32 s0, $0x0;
	s0 =	rddreg [dreg:$0x3]  }
0x1dc: {  	s0 =	sadd.s32 @!p0 $0x100000, s0  }
0x1dd: {  	[sflag:s0] =	ssyncadd.tile.s32 @!p0 $0x1;
	_ =	shalt  }
.Lfunc_end2:
_tile_overlayer_lowered:
.L_overlay_start_2:
0x1de: {  	(tag) =	ssettag $0x2  }
0x1df: {  	s0 =	rddreg [dreg:$0x0];
	s2 =	stileid.u32  }
0x1e0: {  	s1 =	rddreg [dreg:$0x1];
	p0 =	sne.s32 s2, $0x0  }
0x1e1: {  	s3 =	rddreg [dreg:$0x2];
	[bflag:$0x3] =	sbarrier.arrive $0xFFFF;
	s2 =	simm.s32 @!p0 $0x1C03  }
0x1e2: {  	[timem:s3], [sflag:s2] =	dma.local @!p0 [hbm:s0], s1  }
0x1e3: {  	s0 =	simm.s32 @!p0 $0x3  }
0x1e4: {  	_ =	swait.ge @!p0 [sflag:s0], s1  }
0x1e5: {  	s1 =	ssub.s32 @!p0 $0x0, s1;
	[sflag:s0] =	ssyncset.done @!p0 $0x0  }
0x1e6: {  	[sflag:s0] =	ssyncadd.s32 @!p0 s1  }
0x1e7: {  	[bflag:$0x3] =	sbarrier.arrive $0xFFFF  }
0x1e8: {  	_ =	shalt  }

</sc_bundles>
